<compile_context>
chip_gen: v7x
topology: tpu7x:2x2x1
jax: 0.10.2.dev20260603
libtpu: 0.0.44.dev20260713+nightly
codegen_flags: <defaults>
</compile_context>

<pallas_src>
import functools

import jax
import jax.numpy as jnp
from jax import lax
from jax.experimental import pallas as pl
from jax.experimental.pallas import tpu as pltpu
from jax.experimental.pallas import tpu_sc as plsc

N = 10000
NPAD = 10240
TRASH = N
E = 320000
NW = 32
CHUNK = 128
NCH = 79
EPW = NCH * CHUNK
EPAD = NW * EPW
RPT = NPAD // 16
BLK = 256
NBLK = NPAD // BLK

_mesh = plsc.VectorSubcoreMesh(core_axis_name="c", subcore_axis_name="s")


@functools.partial(
    pl.kernel,
    out_type=[
        jax.ShapeDtypeStruct((EPAD,), jnp.int32),
        jax.ShapeDtypeStruct((EPAD,), jnp.int32),
        jax.ShapeDtypeStruct((2, NPAD, 128), jnp.float32),
    ],
    mesh=_mesh,
    scratch_types=[
        pltpu.VMEM((CHUNK,), jnp.int32),
        pltpu.VMEM((CHUNK,), jnp.int32),
        pltpu.VMEM((CHUNK,), jnp.int32),
        pltpu.VMEM((CHUNK,), jnp.int32),
        pltpu.VMEM((CHUNK, 128), jnp.float32),
        pltpu.VMEM((CHUNK, 128), jnp.float32),
        pltpu.VMEM_SHARED((NPAD, 128), jnp.float32),
    ],
)
def _sc_degmask(ri_hbm, ci_hbm, rowp_hbm, colp_hbm, deg_hbm,
                bufr, bufc, outr, outc, ones_v, zbuf, acc):
    c = lax.axis_index("c")
    s = lax.axis_index("s")
    wid = s * 2 + c

    one16 = jnp.full((16,), 1.0, jnp.float32)
    zero16 = jnp.zeros((16,), jnp.float32)

    def fill(i, carry):
        def fill16(j, carry2):
            ones_v[i, pl.ds(j * 16, 16)] = one16
            zbuf[i, pl.ds(j * 16, 16)] = zero16
            return carry2

        return lax.fori_loop(0, 128 // 16, fill16, carry)

    lax.fori_loop(0, CHUNK, fill, 0)

    def zero_acc(i, carry):
        pltpu.sync_copy(zbuf, acc.at[pl.ds(s * RPT + i * CHUNK, CHUNK)])
        return carry

    lax.fori_loop(0, RPT // CHUNK, zero_acc, 0)
    plsc.subcore_barrier()

    ebase = wid * EPW

    def body(ch, carry):
        off = ebase + ch * CHUNK
        pltpu.sync_copy(ri_hbm.at[pl.ds(off, CHUNK)], bufr)
        pltpu.sync_copy(ci_hbm.at[pl.ds(off, CHUNK)], bufc)

        def mask16(j, carry2):
            rv = bufr[pl.ds(j * 16, 16)]
            cv = bufc[pl.ds(j * 16, 16)]
            is_loop = rv == cv
            tr = jnp.full((16,), TRASH, jnp.int32)
            outr[pl.ds(j * 16, 16)] = jnp.where(is_loop, tr, rv)
            outc[pl.ds(j * 16, 16)] = jnp.where(is_loop, tr, cv)
            return carry2

        lax.fori_loop(0, CHUNK // 16, mask16, 0)
        pltpu.sync_copy(outr, rowp_hbm.at[pl.ds(off, CHUNK)])
        pltpu.sync_copy(outc, colp_hbm.at[pl.ds(off, CHUNK)])
        pltpu.sync_copy(ones_v, acc.at[outr], add=True)
        return carry

    lax.fori_loop(0, NCH, body, 0)
    plsc.subcore_barrier()

    r0 = s * RPT
    pltpu.sync_copy(acc.at[pl.ds(r0, RPT)], deg_hbm.at[c, pl.ds(r0, RPT)])


def _make_prop(w):
    @functools.partial(
        pl.kernel,
        out_type=jax.ShapeDtypeStruct((2, NPAD, w), jnp.float32),
        mesh=_mesh,
        scratch_types=[
            pltpu.VMEM((CHUNK,), jnp.int32),
            pltpu.VMEM((CHUNK,), jnp.int32),
            pltpu.VMEM((CHUNK, w), jnp.float32),
            pltpu.VMEM((CHUNK, w), jnp.float32),
            pltpu.VMEM_SHARED((NPAD, w), jnp.float32),
            pltpu.SemaphoreType.DMA,
        ],
    )
    def prop(g_hbm, rowp_hbm, colp_hbm, out_hbm,
             idx_r, idx_c, rows, zbuf, acc, sem):
        c = lax.axis_index("c")
        s = lax.axis_index("s")
        wid = s * 2 + c

        zero16 = jnp.zeros((16,), jnp.float32)

        def zfill(i, carry):
            def zfill16(j, carry2):
                zbuf[i, pl.ds(j * 16, 16)] = zero16
                return carry2

            return lax.fori_loop(0, w // 16, zfill16, carry)

        lax.fori_loop(0, CHUNK, zfill, 0)

        def zero_acc(i, carry):
            pltpu.sync_copy(zbuf, acc.at[pl.ds(s * RPT + i * CHUNK, CHUNK)])
            return carry

        lax.fori_loop(0, RPT // CHUNK, zero_acc, 0)
        plsc.subcore_barrier()

        ebase = wid * EPW

        def body(ch, carry):
            off = ebase + ch * CHUNK
            pltpu.sync_copy(rowp_hbm.at[pl.ds(off, CHUNK)], idx_r)
            pltpu.sync_copy(colp_hbm.at[pl.ds(off, CHUNK)], idx_c)
            pltpu.async_copy(g_hbm.at[idx_r], rows, sem).wait()
            pltpu.sync_copy(rows, acc.at[idx_c], add=True)
            return carry

        lax.fori_loop(0, NCH, body, 0)
        plsc.subcore_barrier()

        r0 = s * RPT
        pltpu.sync_copy(acc.at[pl.ds(r0, RPT)], out_hbm.at[c, pl.ds(r0, RPT)])

    return prop


_prop128 = _make_prop(128)


def _rowspec(wd):
    return pl.BlockSpec((BLK, wd), lambda i: (i, 0))


def _fullspec(shape):
    nd = len(shape)
    return pl.BlockSpec(shape, lambda i: (0,) * nd)


def _tc_prep(deg, xp):

    def body(deg_ref, x_ref, dis_ref, g0_ref):
        i = pl.program_id(0)
        deg = deg_ref[0, :, 0:1] + deg_ref[1, :, 0:1]
        rid = i * BLK + lax.broadcasted_iota(jnp.int32, (BLK, 1), 0)
        ok = (deg > 0.0) & (rid < N)
        dis = jnp.where(ok, lax.rsqrt(jnp.where(ok, deg, 1.0)), 0.0)
        dis_b = jnp.broadcast_to(dis, (BLK, 128))
        dis_ref[...] = dis_b
        g0_ref[...] = dis_b * x_ref[...]

    return pl.pallas_call(
        body,
        grid=(NBLK,),
        in_specs=[pl.BlockSpec((2, BLK, 128), lambda i: (0, i, 0)),
                  _rowspec(128)],
        out_specs=[_rowspec(128), _rowspec(128)],
        out_shape=[jax.ShapeDtypeStruct((NPAD, 128), jnp.float32)] * 2,
    )(deg, xp)


def _tc_comb1(P, dis_b):

    def body(p_ref, dis_ref, t1_ref, g1_ref):
        dis = dis_ref[...]
        t1 = -dis * (p_ref[0] + p_ref[1])
        t1_ref[...] = t1
        g1_ref[...] = dis * t1

    return pl.pallas_call(
        body,
        grid=(NBLK,),
        in_specs=[pl.BlockSpec((2, BLK, 128), lambda i: (0, i, 0)),
                  _rowspec(128)],
        out_specs=[_rowspec(128)] * 2,
        out_shape=[jax.ShapeDtypeStruct((NPAD, 128), jnp.float32)] * 2,
    )(P, dis_b)


def _tc_layer(xp, t1, Q, dis_b, W1, b1, W2, b2):

    def body(x_ref, t1_ref, q_ref, dis_ref, w1_ref, b1_ref,
             w2_ref, b2_ref, z_ref, base_ref):
        dis = dis_ref[...]
        x = x_ref[...]
        t1 = t1_ref[...]
        t2 = -2.0 * dis * (q_ref[0] + q_ref[1]) - x
        acc = jnp.dot(x, w1_ref[0], preferred_element_type=jnp.float32)
        acc += jnp.dot(t1, w1_ref[1], preferred_element_type=jnp.float32)
        acc += jnp.dot(t2, w1_ref[2], preferred_element_type=jnp.float32)
        h = jnp.maximum(acc + b1_ref[...], 0.0)
        y0 = jnp.dot(h, w2_ref[0], preferred_element_type=jnp.float32)
        y1 = jnp.dot(h, w2_ref[1], preferred_element_type=jnp.float32)
        y2 = jnp.dot(h, w2_ref[2], preferred_element_type=jnp.float32)
        z_ref[...] = dis * jnp.concatenate([y1, y2], axis=1)
        base_ref[...] = y0 - y2 + b2_ref[...]

    return pl.pallas_call(
        body,
        grid=(NBLK,),
        in_specs=[
            _rowspec(128), _rowspec(128),
            pl.BlockSpec((2, BLK, 128), lambda i: (0, i, 0)),
            _rowspec(128),
            _fullspec((3, 128, 128)), _fullspec((1, 128)),
            _fullspec((3, 128, 64)), _fullspec((1, 64)),
        ],
        out_specs=[_rowspec(128), _rowspec(64)],
        out_shape=[
            jax.ShapeDtypeStruct((NPAD, 128), jnp.float32),
            jax.ShapeDtypeStruct((NPAD, 64), jnp.float32),
        ],
    )(xp, t1, Q, dis_b, W1, b1, W2, b2)


def _tc_split(R, dis_b, base):

    def body(r_ref, dis_ref, base_ref, g2_ref, base2_ref):
        dis = dis_ref[...]
        pz = -dis * (r_ref[0] + r_ref[1])
        g2_ref[...] = jnp.concatenate(
            [dis[:, :64] * pz[:, 64:], jnp.zeros((BLK, 64), jnp.float32)],
            axis=1)
        base2_ref[...] = base_ref[...] + pz[:, :64]

    return pl.pallas_call(
        body,
        grid=(NBLK,),
        in_specs=[pl.BlockSpec((2, BLK, 128), lambda i: (0, i, 0)),
                  _rowspec(128), _rowspec(64)],
        out_specs=[_rowspec(128), _rowspec(64)],
        out_shape=[
            jax.ShapeDtypeStruct((NPAD, 128), jnp.float32),
            jax.ShapeDtypeStruct((NPAD, 64), jnp.float32),
        ],
    )(R, dis_b, base)


def _tc_final(S, dis_b, base2):

    def body(s_ref, dis_ref, base2_ref, out_ref):
        dis = dis_ref[:, :64]
        ssum = s_ref[0, :, :64] + s_ref[1, :, :64]
        out_ref[...] = base2_ref[...] - 2.0 * dis * ssum

    return pl.pallas_call(
        body,
        grid=(NBLK,),
        in_specs=[pl.BlockSpec((2, BLK, 128), lambda i: (0, i, 0)),
                  _rowspec(128), _rowspec(64)],
        out_specs=_rowspec(64),
        out_shape=jax.ShapeDtypeStruct((NPAD, 64), jnp.float32),
    )(S, dis_b, base2)


def kernel(x, edge_index, W1, b1, W2, b2):
    ri = jnp.pad(edge_index[0].astype(jnp.int32), (0, EPAD - E),
                 constant_values=TRASH)
    ci = jnp.pad(edge_index[1].astype(jnp.int32), (0, EPAD - E),
                 constant_values=TRASH)
    xp = jnp.pad(x, ((0, NPAD - N), (0, 0)))

    rowp, colp, deg = _sc_degmask(ri, ci)
    dis_b, g0 = _tc_prep(deg, xp)

    P = _prop128(g0, rowp, colp)
    t1, g1 = _tc_comb1(P, dis_b)
    Q = _prop128(g1, rowp, colp)

    z, base = _tc_layer(xp, t1, Q, dis_b, W1,
                        b1.reshape(1, 128), W2, b2.reshape(1, 64))

    R = _prop128(z, rowp, colp)
    g2, base2 = _tc_split(R, dis_b, base)
    S = _prop128(g2, rowp, colp)
    out = _tc_final(S, dis_b, base2)
    return out[:N]

# --- scband reference (transcript-rebuilt; emitter-appended) ---
"""Pipeline reference for scband-cheb-net-46127948759170 (READ-ONLY COPY).

The authoritative reference and input builder live on the scoring server;
editing this copy changes nothing except your own understanding.
"""

import jax, jax.numpy as jnp
import numpy as np

IN_DIM = 128
HIDDEN = 128
NUM_CLASSES = 64
K = 3
N_NODES = 10000
N_EDGES = 320000


def setup_inputs(seed: int = 0) -> dict:
    key = jax.random.key(seed)
    ks = jax.random.split(key, 8)
    x = jax.random.normal(ks[0], (N_NODES, IN_DIM), dtype=jnp.float32)
    edge_index = jax.random.randint(ks[1], (2, N_EDGES), 0, N_NODES, dtype=jnp.int64)
    # ChebConv weights: K linear layers (no per-lin bias) + one shared bias per conv.
    # Glorot-ish init scale for realism.
    s1 = (2.0 / (IN_DIM + HIDDEN)) ** 0.5
    s2 = (2.0 / (HIDDEN + NUM_CLASSES)) ** 0.5
    W1 = jax.random.normal(ks[2], (K, IN_DIM, HIDDEN), dtype=jnp.float32) * s1
    b1 = jnp.zeros((HIDDEN,), dtype=jnp.float32)
    W2 = jax.random.normal(ks[3], (K, HIDDEN, NUM_CLASSES), dtype=jnp.float32) * s2
    b2 = jnp.zeros((NUM_CLASSES,), dtype=jnp.float32)
    return {"x": x, "edge_index": edge_index, "W1": W1, "b1": b1, "W2": W2, "b2": b2}


def _cheb_conv(x, edge_index, Ws, b):
    # Faithful to torch_geometric ChebConv(normalization='sym', lambda_max=2.0):
    #   remove self loops; L = I - D^{-1/2} A D^{-1/2}; scale by 2/lambda_max = 1;
    #   subtract 1 from loop weights -> loops cancel to 0, so effective norm on
    #   non-loop edges is -deg^{-1/2}[src] * deg^{-1/2}[dst].
    N = x.shape[0]
    row = edge_index[0]
    col = edge_index[1]
    mask = (row != col).astype(x.dtype)  # remove_self_loops
    deg = jax.ops.segment_sum(mask, row, num_segments=N)
    deg_inv_sqrt = jnp.where(deg > 0, deg ** -0.5, 0.0)
    norm = -deg_inv_sqrt[row] * deg_inv_sqrt[col] * mask

    def prop(h):
        # message: norm * h[src]; aggregate sum into dst (source_to_target flow)
        return jax.ops.segment_sum(norm[:, None] * h[row], col, num_segments=N)

    Tx0 = x
    out = Tx0 @ Ws[0]
    Tx1 = prop(x)
    out = out + Tx1 @ Ws[1]
    for k in range(2, Ws.shape[0]):
        Tx2 = 2.0 * prop(Tx1) - Tx0
        out = out + Tx2 @ Ws[k]
        Tx0, Tx1 = Tx1, Tx2
    return out + b


def reference(x, edge_index, W1, b1, W2, b2):
    # eval mode: F.dropout is identity
    h = _cheb_conv(x, edge_index, W1, b1)
    h = jax.nn.relu(h)
    out = _cheb_conv(h, edge_index, W2, b2)
    return out

if __name__ == "__main__":
    import jax
    _d = setup_inputs()
    print(jax.jit(kernel)(*tuple(_d.values())))

</pallas_src>

<mosaic_0001>
#map = affine_map<(d0, d1) -> (0)>
#map1 = affine_map<(d0, d1) -> (0, 0, 0)>
module attributes {stable_mosaic.version = 14 : i64} {
  func.func @_sc_degmask(%arg0: i32, %arg1: i32, %arg2: memref<323584xi32, #tpu.memory_space<hbm>>, %arg3: memref<323584xi32, #tpu.memory_space<hbm>>, %arg4: memref<323584xi32, #tpu.memory_space<hbm>>, %arg5: memref<323584xi32, #tpu.memory_space<hbm>>, %arg6: memref<2x10240x128xf32, #tpu.memory_space<hbm>>, %arg7: memref<128xi32, #tpu.memory_space<vmem>>, %arg8: memref<128xi32, #tpu.memory_space<vmem>>, %arg9: memref<128xi32, #tpu.memory_space<vmem>>, %arg10: memref<128xi32, #tpu.memory_space<vmem>>, %arg11: memref<128x128xf32, #tpu.memory_space<vmem>>, %arg12: memref<128x128xf32, #tpu.memory_space<vmem>>, %arg13: memref<10240x128xf32, #tpu.memory_space<vmem_shared>>) attributes {dimension_semantics = [#tpu.dimension_semantics<core_parallel>, #tpu.dimension_semantics<subcore_parallel>], iteration_bounds = array<i64: 2, 16>, scalar_prefetch = 0 : i64, scratch_operands = 7 : i64, tpu.core_type = #tpu.core_type<sc_vector_subcore>, window_params = [{transform_indices = #map}, {transform_indices = #map}, {transform_indices = #map}, {transform_indices = #map}, {transform_indices = #map1}]} {
    %mul3A = arith.constant 2 : i32
    %mul3A_0 = arith.muli %arg1, %mul3A : i32
    %add3A = arith.addi %mul3A_0, %arg0 : i32
    %broadcast_in_dim3A = arith.constant 1.000000e+00 : f32
    %broadcast_in_dim3A_1 = vector.broadcast %broadcast_in_dim3A : f32 to vector<16xf32>
    %broadcast_in_dim3A_2 = arith.constant 0.000000e+00 : f32
    %broadcast_in_dim3A_3 = vector.broadcast %broadcast_in_dim3A_2 : f32 to vector<16xf32>
    %scan3A = arith.constant 0 : i32
    %scan3A_4 = arith.constant 0 : i32
    %scan3A_5 = arith.constant 128 : i32
    %scan3A_6 = arith.addi %scan3A_4, %scan3A_5 : i32
    %scan3A_7 = arith.constant 1 : i32
    scf.for %scan3A_26 = %scan3A_4 to %scan3A_6 step %scan3A_7  : i32 {
      %scan3A_27 = arith.constant 0 : i32
      %scan3A_28 = arith.constant 8 : i32
      %scan3A_29 = arith.addi %scan3A_27, %scan3A_28 : i32
      %scan3A_30 = arith.constant 1 : i32
      scf.for %scan3A_32 = %scan3A_27 to %scan3A_29 step %scan3A_30  : i32 {
        %mul3A_33 = arith.constant 16 : i32
        %mul3A_34 = arith.muli %scan3A_32, %mul3A_33 : i32
        %swap3A = arith.index_cast %scan3A_26 : i32 to index
        %swap3A_35 = arith.index_cast %mul3A_34 : i32 to index
        %swap3A_36 = tpu.vector_load %arg11[%swap3A, %swap3A_35] {strides = array<i32>} : memref<128x128xf32, #tpu.memory_space<vmem>>, vector<1x16xf32>,
        %swap3A_37 = vector.shape_cast %swap3A_36 : vector<1x16xf32> to vector<16xf32>
        %swap3A_38 = vector.shape_cast %broadcast_in_dim3A_1 : vector<16xf32> to vector<1x16xf32>
        tpu.vector_store %arg11[%swap3A, %swap3A_35], %swap3A_38 {strides = array<i32>} : memref<128x128xf32, #tpu.memory_space<vmem>>, vector<1x16xf32>,
        %mul3A_39 = arith.constant 16 : i32
        %mul3A_40 = arith.muli %scan3A_32, %mul3A_39 : i32
        %swap3A_41 = arith.index_cast %scan3A_26 : i32 to index
        %swap3A_42 = arith.index_cast %mul3A_40 : i32 to index
        %swap3A_43 = tpu.vector_load %arg12[%swap3A_41, %swap3A_42] {strides = array<i32>} : memref<128x128xf32, #tpu.memory_space<vmem>>, vector<1x16xf32>,
        %swap3A_44 = vector.shape_cast %swap3A_43 : vector<1x16xf32> to vector<16xf32>
        %swap3A_45 = vector.shape_cast %broadcast_in_dim3A_3 : vector<16xf32> to vector<1x16xf32>
        tpu.vector_store %arg12[%swap3A_41, %swap3A_42], %swap3A_45 {strides = array<i32>} : memref<128x128xf32, #tpu.memory_space<vmem>>, vector<1x16xf32>,
      }
      %scan3A_31 = arith.constant 8 : i32
    }
    %scan3A_8 = arith.constant 128 : i32
    %scan3A_9 = arith.constant 0 : i32
    %scan3A_10 = arith.constant 0 : i32
    %scan3A_11 = arith.constant 5 : i32
    %scan3A_12 = arith.addi %scan3A_10, %scan3A_11 : i32
    %scan3A_13 = arith.constant 1 : i32
    scf.for %scan3A_26 = %scan3A_10 to %scan3A_12 step %scan3A_13  : i32 {
      %mul3A_27 = arith.constant 640 : i32
      %mul3A_28 = arith.muli %arg1, %mul3A_27 : i32
      %mul3A_29 = arith.constant 128 : i32
      %mul3A_30 = arith.muli %scan3A_26, %mul3A_29 : i32
      %add3A_31 = arith.addi %mul3A_28, %mul3A_30 : i32
      "tpu.region"() ({
        %run_scoped3A = tpu.sem_alloc : memref<!tpu.dma_semaphore, #tpu.memory_space<semaphore_mem>>
        %dma_start3A = arith.constant 0 : i32
        %dma_start3A_32 = tpu.memref_slice %arg13[%add3A_31, %dma_start3A] : memref<10240x128xf32, #tpu.memory_space<vmem_shared>> -> memref<128x128xf32, #tpu.memory_space<vmem_shared>>
        %dma_start3A_33 = arith.constant 0 : i32
        %dma_start3A_34 = tpu.memref_slice %arg13[%add3A_31, %dma_start3A_33] : memref<10240x128xf32, #tpu.memory_space<vmem_shared>> -> memref<128x128xf32, #tpu.memory_space<vmem_shared>>
        tpu.enqueue_dma source(%arg12 : memref<128x128xf32, #tpu.memory_space<vmem>>) target(%dma_start3A_34 : memref<128x128xf32, #tpu.memory_space<vmem_shared>>) target_semaphore(%run_scoped3A : memref<!tpu.dma_semaphore, #tpu.memory_space<semaphore_mem>>)
        %dma_wait3A = arith.constant 0 : i32
        %dma_wait3A_35 = tpu.memref_slice %arg13[%add3A_31, %dma_wait3A] : memref<10240x128xf32, #tpu.memory_space<vmem_shared>> -> memref<128x128xf32, #tpu.memory_space<vmem_shared>>
        %dma_wait3A_36 = arith.constant 0 : i32
        %dma_wait3A_37 = tpu.memref_slice %arg13[%add3A_31, %dma_wait3A_36] : memref<10240x128xf32, #tpu.memory_space<vmem_shared>> -> memref<128x128xf32, #tpu.memory_space<vmem_shared>>
        tpu.wait_dma2 semaphore(%run_scoped3A : memref<!tpu.dma_semaphore, #tpu.memory_space<semaphore_mem>>) src(%arg12 : memref<128x128xf32, #tpu.memory_space<vmem>>) dst(%dma_wait3A_37 : memref<128x128xf32, #tpu.memory_space<vmem_shared>>)
        tpu.yield
      }) : () -> ()
    }
    %scan3A_14 = arith.constant 5 : i32
    %barrier3A = arith.constant 0 : index
    tpu.barrier barrier_id(%barrier3A)
    %mul3A_15 = arith.constant 10112 : i32
    %mul3A_16 = arith.muli %add3A, %mul3A_15 : i32
    %scan3A_17 = arith.constant 0 : i32
    %scan3A_18 = arith.constant 0 : i32
    %scan3A_19 = arith.constant 79 : i32
    %scan3A_20 = arith.addi %scan3A_18, %scan3A_19 : i32
    %scan3A_21 = arith.constant 1 : i32
    scf.for %scan3A_26 = %scan3A_18 to %scan3A_20 step %scan3A_21  : i32 {
      %mul3A_27 = arith.constant 128 : i32
      %mul3A_28 = arith.muli %scan3A_26, %mul3A_27 : i32
      %add3A_29 = arith.addi %mul3A_16, %mul3A_28 : i32
      "tpu.region"() ({
        %run_scoped3A = tpu.sem_alloc : memref<!tpu.dma_semaphore, #tpu.memory_space<semaphore_mem>>
        %dma_start3A = tpu.memref_slice %arg2[%add3A_29] : memref<323584xi32, #tpu.memory_space<hbm>> -> memref<128xi32, #tpu.memory_space<hbm>>
        %dma_start3A_36 = tpu.memref_slice %arg2[%add3A_29] : memref<323584xi32, #tpu.memory_space<hbm>> -> memref<128xi32, #tpu.memory_space<hbm>>
        tpu.enqueue_dma source(%dma_start3A_36 : memref<128xi32, #tpu.memory_space<hbm>>) target(%arg7 : memref<128xi32, #tpu.memory_space<vmem>>) target_semaphore(%run_scoped3A : memref<!tpu.dma_semaphore, #tpu.memory_space<semaphore_mem>>)
        %dma_wait3A = tpu.memref_slice %arg2[%add3A_29] : memref<323584xi32, #tpu.memory_space<hbm>> -> memref<128xi32, #tpu.memory_space<hbm>>
        %dma_wait3A_37 = tpu.memref_slice %arg2[%add3A_29] : memref<323584xi32, #tpu.memory_space<hbm>> -> memref<128xi32, #tpu.memory_space<hbm>>
        tpu.wait_dma2 semaphore(%run_scoped3A : memref<!tpu.dma_semaphore, #tpu.memory_space<semaphore_mem>>) src(%dma_wait3A_37 : memref<128xi32, #tpu.memory_space<hbm>>) dst(%arg7 : memref<128xi32, #tpu.memory_space<vmem>>)
        tpu.yield
      }) : () -> ()
      "tpu.region"() ({
        %run_scoped3A = tpu.sem_alloc : memref<!tpu.dma_semaphore, #tpu.memory_space<semaphore_mem>>
        %dma_start3A = tpu.memref_slice %arg3[%add3A_29] : memref<323584xi32, #tpu.memory_space<hbm>> -> memref<128xi32, #tpu.memory_space<hbm>>
        %dma_start3A_36 = tpu.memref_slice %arg3[%add3A_29] : memref<323584xi32, #tpu.memory_space<hbm>> -> memref<128xi32, #tpu.memory_space<hbm>>
        tpu.enqueue_dma source(%dma_start3A_36 : memref<128xi32, #tpu.memory_space<hbm>>) target(%arg8 : memref<128xi32, #tpu.memory_space<vmem>>) target_semaphore(%run_scoped3A : memref<!tpu.dma_semaphore, #tpu.memory_space<semaphore_mem>>)
        %dma_wait3A = tpu.memref_slice %arg3[%add3A_29] : memref<323584xi32, #tpu.memory_space<hbm>> -> memref<128xi32, #tpu.memory_space<hbm>>
        %dma_wait3A_37 = tpu.memref_slice %arg3[%add3A_29] : memref<323584xi32, #tpu.memory_space<hbm>> -> memref<128xi32, #tpu.memory_space<hbm>>
        tpu.wait_dma2 semaphore(%run_scoped3A : memref<!tpu.dma_semaphore, #tpu.memory_space<semaphore_mem>>) src(%dma_wait3A_37 : memref<128xi32, #tpu.memory_space<hbm>>) dst(%arg8 : memref<128xi32, #tpu.memory_space<vmem>>)
        tpu.yield
      }) : () -> ()
      %scan3A_30 = arith.constant 0 : i32
      %scan3A_31 = arith.constant 0 : i32
      %scan3A_32 = arith.constant 8 : i32
      %scan3A_33 = arith.addi %scan3A_31, %scan3A_32 : i32
      %scan3A_34 = arith.constant 1 : i32
      scf.for %scan3A_36 = %scan3A_31 to %scan3A_33 step %scan3A_34  : i32 {
        %mul3A_37 = arith.constant 16 : i32
        %mul3A_38 = arith.muli %scan3A_36, %mul3A_37 : i32
        %get3A = arith.index_cast %mul3A_38 : i32 to index
        %get3A_39 = tpu.vector_load %arg7[%get3A] {strides = array<i32>} : memref<128xi32, #tpu.memory_space<vmem>>, vector<16xi32>,
        %get3A_40 = vector.shape_cast %get3A_39 : vector<16xi32> to vector<16xi32>
        %mul3A_41 = arith.constant 16 : i32
        %mul3A_42 = arith.muli %scan3A_36, %mul3A_41 : i32
        %get3A_43 = arith.index_cast %mul3A_42 : i32 to index
        %get3A_44 = tpu.vector_load %arg8[%get3A_43] {strides = array<i32>} : memref<128xi32, #tpu.memory_space<vmem>>, vector<16xi32>,
        %get3A_45 = vector.shape_cast %get3A_44 : vector<16xi32> to vector<16xi32>
        %eq3A = arith.cmpi eq, %get3A_40, %get3A_45 : vector<16xi32>
        %broadcast_in_dim3A_46 = arith.constant 10000 : i32
        %broadcast_in_dim3A_47 = vector.broadcast %broadcast_in_dim3A_46 : i32 to vector<16xi32>
        %select_n3A = arith.select %eq3A, %broadcast_in_dim3A_47, %get3A_40 : vector<16xi1>, vector<16xi32>
        %mul3A_48 = arith.constant 16 : i32
        %mul3A_49 = arith.muli %scan3A_36, %mul3A_48 : i32
        %swap3A = arith.index_cast %mul3A_49 : i32 to index
        %swap3A_50 = tpu.vector_load %arg9[%swap3A] {strides = array<i32>} : memref<128xi32, #tpu.memory_space<vmem>>, vector<16xi32>,
        %swap3A_51 = vector.shape_cast %swap3A_50 : vector<16xi32> to vector<16xi32>
        %swap3A_52 = vector.shape_cast %select_n3A : vector<16xi32> to vector<16xi32>
        tpu.vector_store %arg9[%swap3A], %swap3A_52 {strides = array<i32>} : memref<128xi32, #tpu.memory_space<vmem>>, vector<16xi32>,
        %select_n3A_53 = arith.select %eq3A, %broadcast_in_dim3A_47, %get3A_45 : vector<16xi1>, vector<16xi32>
        %mul3A_54 = arith.constant 16 : i32
        %mul3A_55 = arith.muli %scan3A_36, %mul3A_54 : i32
        %swap3A_56 = arith.index_cast %mul3A_55 : i32 to index
        %swap3A_57 = tpu.vector_load %arg10[%swap3A_56] {strides = array<i32>} : memref<128xi32, #tpu.memory_space<vmem>>, vector<16xi32>,
        %swap3A_58 = vector.shape_cast %swap3A_57 : vector<16xi32> to vector<16xi32>
        %swap3A_59 = vector.shape_cast %select_n3A_53 : vector<16xi32> to vector<16xi32>
        tpu.vector_store %arg10[%swap3A_56], %swap3A_59 {strides = array<i32>} : memref<128xi32, #tpu.memory_space<vmem>>, vector<16xi32>,
      }
      %scan3A_35 = arith.constant 8 : i32
      "tpu.region"() ({
        %run_scoped3A = tpu.sem_alloc : memref<!tpu.dma_semaphore, #tpu.memory_space<semaphore_mem>>
        %dma_start3A = tpu.memref_slice %arg4[%add3A_29] : memref<323584xi32, #tpu.memory_space<hbm>> -> memref<128xi32, #tpu.memory_space<hbm>>
        %dma_start3A_36 = tpu.memref_slice %arg4[%add3A_29] : memref<323584xi32, #tpu.memory_space<hbm>> -> memref<128xi32, #tpu.memory_space<hbm>>
        tpu.enqueue_dma source(%arg9 : memref<128xi32, #tpu.memory_space<vmem>>) target(%dma_start3A_36 : memref<128xi32, #tpu.memory_space<hbm>>) target_semaphore(%run_scoped3A : memref<!tpu.dma_semaphore, #tpu.memory_space<semaphore_mem>>)
        %dma_wait3A = tpu.memref_slice %arg4[%add3A_29] : memref<323584xi32, #tpu.memory_space<hbm>> -> memref<128xi32, #tpu.memory_space<hbm>>
        %dma_wait3A_37 = tpu.memref_slice %arg4[%add3A_29] : memref<323584xi32, #tpu.memory_space<hbm>> -> memref<128xi32, #tpu.memory_space<hbm>>
        tpu.wait_dma2 semaphore(%run_scoped3A : memref<!tpu.dma_semaphore, #tpu.memory_space<semaphore_mem>>) src(%arg9 : memref<128xi32, #tpu.memory_space<vmem>>) dst(%dma_wait3A_37 : memref<128xi32, #tpu.memory_space<hbm>>)
        tpu.yield
      }) : () -> ()
      "tpu.region"() ({
        %run_scoped3A = tpu.sem_alloc : memref<!tpu.dma_semaphore, #tpu.memory_space<semaphore_mem>>
        %dma_start3A = tpu.memref_slice %arg5[%add3A_29] : memref<323584xi32, #tpu.memory_space<hbm>> -> memref<128xi32, #tpu.memory_space<hbm>>
        %dma_start3A_36 = tpu.memref_slice %arg5[%add3A_29] : memref<323584xi32, #tpu.memory_space<hbm>> -> memref<128xi32, #tpu.memory_space<hbm>>
        tpu.enqueue_dma source(%arg10 : memref<128xi32, #tpu.memory_space<vmem>>) target(%dma_start3A_36 : memref<128xi32, #tpu.memory_space<hbm>>) target_semaphore(%run_scoped3A : memref<!tpu.dma_semaphore, #tpu.memory_space<semaphore_mem>>)
        %dma_wait3A = tpu.memref_slice %arg5[%add3A_29] : memref<323584xi32, #tpu.memory_space<hbm>> -> memref<128xi32, #tpu.memory_space<hbm>>
        %dma_wait3A_37 = tpu.memref_slice %arg5[%add3A_29] : memref<323584xi32, #tpu.memory_space<hbm>> -> memref<128xi32, #tpu.memory_space<hbm>>
        tpu.wait_dma2 semaphore(%run_scoped3A : memref<!tpu.dma_semaphore, #tpu.memory_space<semaphore_mem>>) src(%arg10 : memref<128xi32, #tpu.memory_space<vmem>>) dst(%dma_wait3A_37 : memref<128xi32, #tpu.memory_space<hbm>>)
        tpu.yield
      }) : () -> ()
      "tpu.region"() ({
        %run_scoped3A = tpu.sem_alloc : memref<!tpu.dma_semaphore, #tpu.memory_space<semaphore_mem>>
        %dma_start3A = arith.constant 0 : i32
        %dma_start3A_36 = arith.constant 0 : i32
        %dma_start3A_37 = tpu.memref_slice %arg13[%dma_start3A, %dma_start3A_36] : memref<10240x128xf32, #tpu.memory_space<vmem_shared>> -> memref<10240x128xf32, #tpu.memory_space<vmem_shared>>
        tpu.enqueue_indirect_dma source(%arg11 : memref<128x128xf32, #tpu.memory_space<vmem>>) target(%dma_start3A_37 : memref<10240x128xf32, #tpu.memory_space<vmem_shared>>) offsets(%arg9 : memref<128xi32, #tpu.memory_space<vmem>>) semaphore(%run_scoped3A : memref<!tpu.dma_semaphore, #tpu.memory_space<semaphore_mem>>) {add = true}
        %dma_wait3A = arith.constant 0 : i32
        %dma_wait3A_38 = arith.constant 0 : i32
        %dma_wait3A_39 = tpu.memref_slice %arg13[%dma_wait3A, %dma_wait3A_38] : memref<10240x128xf32, #tpu.memory_space<vmem_shared>> -> memref<10240x128xf32, #tpu.memory_space<vmem_shared>>
        tpu.wait_indirect_dma semaphore(%run_scoped3A : memref<!tpu.dma_semaphore, #tpu.memory_space<semaphore_mem>>) src(%arg11 : memref<128x128xf32, #tpu.memory_space<vmem>>) dst(%dma_wait3A_39 : memref<10240x128xf32, #tpu.memory_space<vmem_shared>>)
        tpu.yield
      }) : () -> ()
    }
    %scan3A_22 = arith.constant 79 : i32
    %barrier3A_23 = arith.constant 0 : index
    tpu.barrier barrier_id(%barrier3A_23)
    %mul3A_24 = arith.constant 640 : i32
    %mul3A_25 = arith.muli %arg1, %mul3A_24 : i32
    "tpu.region"() ({
      %run_scoped3A = tpu.sem_alloc : memref<!tpu.dma_semaphore, #tpu.memory_space<semaphore_mem>>
      %dma_start3A = arith.constant 0 : i32
      %dma_start3A_26 = tpu.memref_slice %arg6[%arg0, %mul3A_25, %dma_start3A] : memref<2x10240x128xf32, #tpu.memory_space<hbm>> -> memref<1x640x128xf32, #tpu.memory_space<hbm>>
      %dma_start3A_27 = tpu.memref_squeeze %dma_start3A_26 : memref<1x640x128xf32, #tpu.memory_space<hbm>> -> memref<640x128xf32, #tpu.memory_space<hbm>>
      %dma_start3A_28 = arith.constant 0 : i32
      %dma_start3A_29 = tpu.memref_slice %arg13[%mul3A_25, %dma_start3A_28] : memref<10240x128xf32, #tpu.memory_space<vmem_shared>> -> memref<640x128xf32, #tpu.memory_space<vmem_shared>>
      tpu.enqueue_dma source(%dma_start3A_29 : memref<640x128xf32, #tpu.memory_space<vmem_shared>>) target(%dma_start3A_27 : memref<640x128xf32, #tpu.memory_space<hbm>>) target_semaphore(%run_scoped3A : memref<!tpu.dma_semaphore, #tpu.memory_space<semaphore_mem>>)
      %dma_wait3A = arith.constant 0 : i32
      %dma_wait3A_30 = tpu.memref_slice %arg6[%arg0, %mul3A_25, %dma_wait3A] : memref<2x10240x128xf32, #tpu.memory_space<hbm>> -> memref<1x640x128xf32, #tpu.memory_space<hbm>>
      %dma_wait3A_31 = tpu.memref_squeeze %dma_wait3A_30 : memref<1x640x128xf32, #tpu.memory_space<hbm>> -> memref<640x128xf32, #tpu.memory_space<hbm>>
      %dma_wait3A_32 = arith.constant 0 : i32
      %dma_wait3A_33 = tpu.memref_slice %arg13[%mul3A_25, %dma_wait3A_32] : memref<10240x128xf32, #tpu.memory_space<vmem_shared>> -> memref<640x128xf32, #tpu.memory_space<vmem_shared>>
      tpu.wait_dma2 semaphore(%run_scoped3A : memref<!tpu.dma_semaphore, #tpu.memory_space<semaphore_mem>>) src(%dma_wait3A_33 : memref<640x128xf32, #tpu.memory_space<vmem_shared>>) dst(%dma_wait3A_31 : memref<640x128xf32, #tpu.memory_space<hbm>>)
      tpu.yield
    }) : () -> ()
    return
  }
}

#map = affine_map<(d0, d1) -> (0, 0)>
#map1 = affine_map<(d0, d1) -> (0)>
#map2 = affine_map<(d0, d1) -> (0, 0, 0)>
module attributes {stable_mosaic.version = 14 : i64} {
  func.func @prop(%arg0: i32, %arg1: i32, %arg2: memref<10240x128xf32, #tpu.memory_space<hbm>>, %arg3: memref<323584xi32, #tpu.memory_space<hbm>>, %arg4: memref<323584xi32, #tpu.memory_space<hbm>>, %arg5: memref<2x10240x128xf32, #tpu.memory_space<hbm>>, %arg6: memref<128xi32, #tpu.memory_space<vmem>>, %arg7: memref<128xi32, #tpu.memory_space<vmem>>, %arg8: memref<128x128xf32, #tpu.memory_space<vmem>>, %arg9: memref<128x128xf32, #tpu.memory_space<vmem>>, %arg10: memref<10240x128xf32, #tpu.memory_space<vmem_shared>>, %arg11: memref<!tpu.dma_semaphore, #tpu.memory_space<semaphore_mem>>) attributes {dimension_semantics = [#tpu.dimension_semantics<core_parallel>, #tpu.dimension_semantics<subcore_parallel>], iteration_bounds = array<i64: 2, 16>, scalar_prefetch = 0 : i64, scratch_operands = 6 : i64, tpu.core_type = #tpu.core_type<sc_vector_subcore>, window_params = [{transform_indices = #map}, {transform_indices = #map1}, {transform_indices = #map1}, {transform_indices = #map2}]} {
    %mul3A = arith.constant 2 : i32
    %mul3A_0 = arith.muli %arg1, %mul3A : i32
    %add3A = arith.addi %mul3A_0, %arg0 : i32
    %broadcast_in_dim3A = arith.constant 0.000000e+00 : f32
    %broadcast_in_dim3A_1 = vector.broadcast %broadcast_in_dim3A : f32 to vector<16xf32>
    %scan3A = arith.constant 0 : i32
    %scan3A_2 = arith.constant 0 : i32
    %scan3A_3 = arith.constant 128 : i32
    %scan3A_4 = arith.addi %scan3A_2, %scan3A_3 : i32
    %scan3A_5 = arith.constant 1 : i32
    scf.for %scan3A_24 = %scan3A_2 to %scan3A_4 step %scan3A_5  : i32 {
      %scan3A_25 = arith.constant 0 : i32
      %scan3A_26 = arith.constant 8 : i32
      %scan3A_27 = arith.addi %scan3A_25, %scan3A_26 : i32
      %scan3A_28 = arith.constant 1 : i32
      scf.for %scan3A_30 = %scan3A_25 to %scan3A_27 step %scan3A_28  : i32 {
        %mul3A_31 = arith.constant 16 : i32
        %mul3A_32 = arith.muli %scan3A_30, %mul3A_31 : i32
        %swap3A = arith.index_cast %scan3A_24 : i32 to index
        %swap3A_33 = arith.index_cast %mul3A_32 : i32 to index
        %swap3A_34 = tpu.vector_load %arg9[%swap3A, %swap3A_33] {strides = array<i32>} : memref<128x128xf32, #tpu.memory_space<vmem>>, vector<1x16xf32>,
        %swap3A_35 = vector.shape_cast %swap3A_34 : vector<1x16xf32> to vector<16xf32>
        %swap3A_36 = vector.shape_cast %broadcast_in_dim3A_1 : vector<16xf32> to vector<1x16xf32>
        tpu.vector_store %arg9[%swap3A, %swap3A_33], %swap3A_36 {strides = array<i32>} : memref<128x128xf32, #tpu.memory_space<vmem>>, vector<1x16xf32>,
      }
      %scan3A_29 = arith.constant 8 : i32
    }
    %scan3A_6 = arith.constant 128 : i32
    %scan3A_7 = arith.constant 0 : i32
    %scan3A_8 = arith.constant 0 : i32
    %scan3A_9 = arith.constant 5 : i32
    %scan3A_10 = arith.addi %scan3A_8, %scan3A_9 : i32
    %scan3A_11 = arith.constant 1 : i32
    scf.for %scan3A_24 = %scan3A_8 to %scan3A_10 step %scan3A_11  : i32 {
      %mul3A_25 = arith.constant 640 : i32
      %mul3A_26 = arith.muli %arg1, %mul3A_25 : i32
      %mul3A_27 = arith.constant 128 : i32
      %mul3A_28 = arith.muli %scan3A_24, %mul3A_27 : i32
      %add3A_29 = arith.addi %mul3A_26, %mul3A_28 : i32
      "tpu.region"() ({
        %run_scoped3A = tpu.sem_alloc : memref<!tpu.dma_semaphore, #tpu.memory_space<semaphore_mem>>
        %dma_start3A = arith.constant 0 : i32
        %dma_start3A_30 = tpu.memref_slice %arg10[%add3A_29, %dma_start3A] : memref<10240x128xf32, #tpu.memory_space<vmem_shared>> -> memref<128x128xf32, #tpu.memory_space<vmem_shared>>
        %dma_start3A_31 = arith.constant 0 : i32
        %dma_start3A_32 = tpu.memref_slice %arg10[%add3A_29, %dma_start3A_31] : memref<10240x128xf32, #tpu.memory_space<vmem_shared>> -> memref<128x128xf32, #tpu.memory_space<vmem_shared>>
        tpu.enqueue_dma source(%arg9 : memref<128x128xf32, #tpu.memory_space<vmem>>) target(%dma_start3A_32 : memref<128x128xf32, #tpu.memory_space<vmem_shared>>) target_semaphore(%run_scoped3A : memref<!tpu.dma_semaphore, #tpu.memory_space<semaphore_mem>>)
        %dma_wait3A = arith.constant 0 : i32
        %dma_wait3A_33 = tpu.memref_slice %arg10[%add3A_29, %dma_wait3A] : memref<10240x128xf32, #tpu.memory_space<vmem_shared>> -> memref<128x128xf32, #tpu.memory_space<vmem_shared>>
        %dma_wait3A_34 = arith.constant 0 : i32
        %dma_wait3A_35 = tpu.memref_slice %arg10[%add3A_29, %dma_wait3A_34] : memref<10240x128xf32, #tpu.memory_space<vmem_shared>> -> memref<128x128xf32, #tpu.memory_space<vmem_shared>>
        tpu.wait_dma2 semaphore(%run_scoped3A : memref<!tpu.dma_semaphore, #tpu.memory_space<semaphore_mem>>) src(%arg9 : memref<128x128xf32, #tpu.memory_space<vmem>>) dst(%dma_wait3A_35 : memref<128x128xf32, #tpu.memory_space<vmem_shared>>)
        tpu.yield
      }) : () -> ()
    }
    %scan3A_12 = arith.constant 5 : i32
    %barrier3A = arith.constant 0 : index
    tpu.barrier barrier_id(%barrier3A)
    %mul3A_13 = arith.constant 10112 : i32
    %mul3A_14 = arith.muli %add3A, %mul3A_13 : i32
    %scan3A_15 = arith.constant 0 : i32
    %scan3A_16 = arith.constant 0 : i32
    %scan3A_17 = arith.constant 79 : i32
    %scan3A_18 = arith.addi %scan3A_16, %scan3A_17 : i32
    %scan3A_19 = arith.constant 1 : i32
    scf.for %scan3A_24 = %scan3A_16 to %scan3A_18 step %scan3A_19  : i32 {
      %mul3A_25 = arith.constant 128 : i32
      %mul3A_26 = arith.muli %scan3A_24, %mul3A_25 : i32
      %add3A_27 = arith.addi %mul3A_14, %mul3A_26 : i32
      "tpu.region"() ({
        %run_scoped3A = tpu.sem_alloc : memref<!tpu.dma_semaphore, #tpu.memory_space<semaphore_mem>>
        %dma_start3A_32 = tpu.memref_slice %arg3[%add3A_27] : memref<323584xi32, #tpu.memory_space<hbm>> -> memref<128xi32, #tpu.memory_space<hbm>>
        %dma_start3A_33 = tpu.memref_slice %arg3[%add3A_27] : memref<323584xi32, #tpu.memory_space<hbm>> -> memref<128xi32, #tpu.memory_space<hbm>>
        tpu.enqueue_dma source(%dma_start3A_33 : memref<128xi32, #tpu.memory_space<hbm>>) target(%arg6 : memref<128xi32, #tpu.memory_space<vmem>>) target_semaphore(%run_scoped3A : memref<!tpu.dma_semaphore, #tpu.memory_space<semaphore_mem>>)
        %dma_wait3A_34 = tpu.memref_slice %arg3[%add3A_27] : memref<323584xi32, #tpu.memory_space<hbm>> -> memref<128xi32, #tpu.memory_space<hbm>>
        %dma_wait3A_35 = tpu.memref_slice %arg3[%add3A_27] : memref<323584xi32, #tpu.memory_space<hbm>> -> memref<128xi32, #tpu.memory_space<hbm>>
        tpu.wait_dma2 semaphore(%run_scoped3A : memref<!tpu.dma_semaphore, #tpu.memory_space<semaphore_mem>>) src(%dma_wait3A_35 : memref<128xi32, #tpu.memory_space<hbm>>) dst(%arg6 : memref<128xi32, #tpu.memory_space<vmem>>)
        tpu.yield
      }) : () -> ()
      "tpu.region"() ({
        %run_scoped3A = tpu.sem_alloc : memref<!tpu.dma_semaphore, #tpu.memory_space<semaphore_mem>>
        %dma_start3A_32 = tpu.memref_slice %arg4[%add3A_27] : memref<323584xi32, #tpu.memory_space<hbm>> -> memref<128xi32, #tpu.memory_space<hbm>>
        %dma_start3A_33 = tpu.memref_slice %arg4[%add3A_27] : memref<323584xi32, #tpu.memory_space<hbm>> -> memref<128xi32, #tpu.memory_space<hbm>>
        tpu.enqueue_dma source(%dma_start3A_33 : memref<128xi32, #tpu.memory_space<hbm>>) target(%arg7 : memref<128xi32, #tpu.memory_space<vmem>>) target_semaphore(%run_scoped3A : memref<!tpu.dma_semaphore, #tpu.memory_space<semaphore_mem>>)
        %dma_wait3A_34 = tpu.memref_slice %arg4[%add3A_27] : memref<323584xi32, #tpu.memory_space<hbm>> -> memref<128xi32, #tpu.memory_space<hbm>>
        %dma_wait3A_35 = tpu.memref_slice %arg4[%add3A_27] : memref<323584xi32, #tpu.memory_space<hbm>> -> memref<128xi32, #tpu.memory_space<hbm>>
        tpu.wait_dma2 semaphore(%run_scoped3A : memref<!tpu.dma_semaphore, #tpu.memory_space<semaphore_mem>>) src(%dma_wait3A_35 : memref<128xi32, #tpu.memory_space<hbm>>) dst(%arg7 : memref<128xi32, #tpu.memory_space<vmem>>)
        tpu.yield
      }) : () -> ()
      %dma_start3A = arith.constant 0 : i32
      %dma_start3A_28 = arith.constant 0 : i32
      %dma_start3A_29 = tpu.memref_slice %arg2[%dma_start3A, %dma_start3A_28] : memref<10240x128xf32, #tpu.memory_space<hbm>> -> memref<10240x128xf32, #tpu.memory_space<hbm>>
      tpu.enqueue_indirect_dma source(%dma_start3A_29 : memref<10240x128xf32, #tpu.memory_space<hbm>>) target(%arg8 : memref<128x128xf32, #tpu.memory_space<vmem>>) offsets(%arg6 : memref<128xi32, #tpu.memory_space<vmem>>) semaphore(%arg11 : memref<!tpu.dma_semaphore, #tpu.memory_space<semaphore_mem>>)
      %dma_wait3A = arith.constant 0 : i32
      %dma_wait3A_30 = arith.constant 0 : i32
      %dma_wait3A_31 = tpu.memref_slice %arg2[%dma_wait3A, %dma_wait3A_30] : memref<10240x128xf32, #tpu.memory_space<hbm>> -> memref<10240x128xf32, #tpu.memory_space<hbm>>
      tpu.wait_indirect_dma semaphore(%arg11 : memref<!tpu.dma_semaphore, #tpu.memory_space<semaphore_mem>>) src(%dma_wait3A_31 : memref<10240x128xf32, #tpu.memory_space<hbm>>) dst(%arg8 : memref<128x128xf32, #tpu.memory_space<vmem>>)
      "tpu.region"() ({
        %run_scoped3A = tpu.sem_alloc : memref<!tpu.dma_semaphore, #tpu.memory_space<semaphore_mem>>
        %dma_start3A_32 = arith.constant 0 : i32
        %dma_start3A_33 = arith.constant 0 : i32
        %dma_start3A_34 = tpu.memref_slice %arg10[%dma_start3A_32, %dma_start3A_33] : memref<10240x128xf32, #tpu.memory_space<vmem_shared>> -> memref<10240x128xf32, #tpu.memory_space<vmem_shared>>
        tpu.enqueue_indirect_dma source(%arg8 : memref<128x128xf32, #tpu.memory_space<vmem>>) target(%dma_start3A_34 : memref<10240x128xf32, #tpu.memory_space<vmem_shared>>) offsets(%arg7 : memref<128xi32, #tpu.memory_space<vmem>>) semaphore(%run_scoped3A : memref<!tpu.dma_semaphore, #tpu.memory_space<semaphore_mem>>) {add = true}
        %dma_wait3A_35 = arith.constant 0 : i32
        %dma_wait3A_36 = arith.constant 0 : i32
        %dma_wait3A_37 = tpu.memref_slice %arg10[%dma_wait3A_35, %dma_wait3A_36] : memref<10240x128xf32, #tpu.memory_space<vmem_shared>> -> memref<10240x128xf32, #tpu.memory_space<vmem_shared>>
        tpu.wait_indirect_dma semaphore(%run_scoped3A : memref<!tpu.dma_semaphore, #tpu.memory_space<semaphore_mem>>) src(%arg8 : memref<128x128xf32, #tpu.memory_space<vmem>>) dst(%dma_wait3A_37 : memref<10240x128xf32, #tpu.memory_space<vmem_shared>>)
        tpu.yield
      }) : () -> ()
    }
    %scan3A_20 = arith.constant 79 : i32
    %barrier3A_21 = arith.constant 0 : index
    tpu.barrier barrier_id(%barrier3A_21)
    %mul3A_22 = arith.constant 640 : i32
    %mul3A_23 = arith.muli %arg1, %mul3A_22 : i32
    "tpu.region"() ({
      %run_scoped3A = tpu.sem_alloc : memref<!tpu.dma_semaphore, #tpu.memory_space<semaphore_mem>>
      %dma_start3A = arith.constant 0 : i32
      %dma_start3A_24 = tpu.memref_slice %arg5[%arg0, %mul3A_23, %dma_start3A] : memref<2x10240x128xf32, #tpu.memory_space<hbm>> -> memref<1x640x128xf32, #tpu.memory_space<hbm>>
      %dma_start3A_25 = tpu.memref_squeeze %dma_start3A_24 : memref<1x640x128xf32, #tpu.memory_space<hbm>> -> memref<640x128xf32, #tpu.memory_space<hbm>>
      %dma_start3A_26 = arith.constant 0 : i32
      %dma_start3A_27 = tpu.memref_slice %arg10[%mul3A_23, %dma_start3A_26] : memref<10240x128xf32, #tpu.memory_space<vmem_shared>> -> memref<640x128xf32, #tpu.memory_space<vmem_shared>>
      tpu.enqueue_dma source(%dma_start3A_27 : memref<640x128xf32, #tpu.memory_space<vmem_shared>>) target(%dma_start3A_25 : memref<640x128xf32, #tpu.memory_space<hbm>>) target_semaphore(%run_scoped3A : memref<!tpu.dma_semaphore, #tpu.memory_space<semaphore_mem>>)
      %dma_wait3A = arith.constant 0 : i32
      %dma_wait3A_28 = tpu.memref_slice %arg5[%arg0, %mul3A_23, %dma_wait3A] : memref<2x10240x128xf32, #tpu.memory_space<hbm>> -> memref<1x640x128xf32, #tpu.memory_space<hbm>>
      %dma_wait3A_29 = tpu.memref_squeeze %dma_wait3A_28 : memref<1x640x128xf32, #tpu.memory_space<hbm>> -> memref<640x128xf32, #tpu.memory_space<hbm>>
      %dma_wait3A_30 = arith.constant 0 : i32
      %dma_wait3A_31 = tpu.memref_slice %arg10[%mul3A_23, %dma_wait3A_30] : memref<10240x128xf32, #tpu.memory_space<vmem_shared>> -> memref<640x128xf32, #tpu.memory_space<vmem_shared>>
      tpu.wait_dma2 semaphore(%run_scoped3A : memref<!tpu.dma_semaphore, #tpu.memory_space<semaphore_mem>>) src(%dma_wait3A_31 : memref<640x128xf32, #tpu.memory_space<vmem_shared>>) dst(%dma_wait3A_29 : memref<640x128xf32, #tpu.memory_space<hbm>>)
      tpu.yield
    }) : () -> ()
    return
  }
}

#map = affine_map<(d0, d1) -> (0, 0)>
#map1 = affine_map<(d0, d1) -> (0)>
#map2 = affine_map<(d0, d1) -> (0, 0, 0)>
module attributes {stable_mosaic.version = 14 : i64} {
  func.func @prop(%arg0: i32, %arg1: i32, %arg2: memref<10240x128xf32, #tpu.memory_space<hbm>>, %arg3: memref<323584xi32, #tpu.memory_space<hbm>>, %arg4: memref<323584xi32, #tpu.memory_space<hbm>>, %arg5: memref<2x10240x128xf32, #tpu.memory_space<hbm>>, %arg6: memref<128xi32, #tpu.memory_space<vmem>>, %arg7: memref<128xi32, #tpu.memory_space<vmem>>, %arg8: memref<128x128xf32, #tpu.memory_space<vmem>>, %arg9: memref<128x128xf32, #tpu.memory_space<vmem>>, %arg10: memref<10240x128xf32, #tpu.memory_space<vmem_shared>>, %arg11: memref<!tpu.dma_semaphore, #tpu.memory_space<semaphore_mem>>) attributes {dimension_semantics = [#tpu.dimension_semantics<core_parallel>, #tpu.dimension_semantics<subcore_parallel>], iteration_bounds = array<i64: 2, 16>, scalar_prefetch = 0 : i64, scratch_operands = 6 : i64, tpu.core_type = #tpu.core_type<sc_vector_subcore>, window_params = [{transform_indices = #map}, {transform_indices = #map1}, {transform_indices = #map1}, {transform_indices = #map2}]} {
    %mul3A = arith.constant 2 : i32
    %mul3A_0 = arith.muli %arg1, %mul3A : i32
    %add3A = arith.addi %mul3A_0, %arg0 : i32
    %broadcast_in_dim3A = arith.constant 0.000000e+00 : f32
    %broadcast_in_dim3A_1 = vector.broadcast %broadcast_in_dim3A : f32 to vector<16xf32>
    %scan3A = arith.constant 0 : i32
    %scan3A_2 = arith.constant 0 : i32
    %scan3A_3 = arith.constant 128 : i32
    %scan3A_4 = arith.addi %scan3A_2, %scan3A_3 : i32
    %scan3A_5 = arith.constant 1 : i32
    scf.for %scan3A_24 = %scan3A_2 to %scan3A_4 step %scan3A_5  : i32 {
      %scan3A_25 = arith.constant 0 : i32
      %scan3A_26 = arith.constant 8 : i32
      %scan3A_27 = arith.addi %scan3A_25, %scan3A_26 : i32
      %scan3A_28 = arith.constant 1 : i32
      scf.for %scan3A_30 = %scan3A_25 to %scan3A_27 step %scan3A_28  : i32 {
        %mul3A_31 = arith.constant 16 : i32
        %mul3A_32 = arith.muli %scan3A_30, %mul3A_31 : i32
        %swap3A = arith.index_cast %scan3A_24 : i32 to index
        %swap3A_33 = arith.index_cast %mul3A_32 : i32 to index
        %swap3A_34 = tpu.vector_load %arg9[%swap3A, %swap3A_33] {strides = array<i32>} : memref<128x128xf32, #tpu.memory_space<vmem>>, vector<1x16xf32>,
        %swap3A_35 = vector.shape_cast %swap3A_34 : vector<1x16xf32> to vector<16xf32>
        %swap3A_36 = vector.shape_cast %broadcast_in_dim3A_1 : vector<16xf32> to vector<1x16xf32>
        tpu.vector_store %arg9[%swap3A, %swap3A_33], %swap3A_36 {strides = array<i32>} : memref<128x128xf32, #tpu.memory_space<vmem>>, vector<1x16xf32>,
      }
      %scan3A_29 = arith.constant 8 : i32
    }
    %scan3A_6 = arith.constant 128 : i32
    %scan3A_7 = arith.constant 0 : i32
    %scan3A_8 = arith.constant 0 : i32
    %scan3A_9 = arith.constant 5 : i32
    %scan3A_10 = arith.addi %scan3A_8, %scan3A_9 : i32
    %scan3A_11 = arith.constant 1 : i32
    scf.for %scan3A_24 = %scan3A_8 to %scan3A_10 step %scan3A_11  : i32 {
      %mul3A_25 = arith.constant 640 : i32
      %mul3A_26 = arith.muli %arg1, %mul3A_25 : i32
      %mul3A_27 = arith.constant 128 : i32
      %mul3A_28 = arith.muli %scan3A_24, %mul3A_27 : i32
      %add3A_29 = arith.addi %mul3A_26, %mul3A_28 : i32
      "tpu.region"() ({
        %run_scoped3A = tpu.sem_alloc : memref<!tpu.dma_semaphore, #tpu.memory_space<semaphore_mem>>
        %dma_start3A = arith.constant 0 : i32
        %dma_start3A_30 = tpu.memref_slice %arg10[%add3A_29, %dma_start3A] : memref<10240x128xf32, #tpu.memory_space<vmem_shared>> -> memref<128x128xf32, #tpu.memory_space<vmem_shared>>
        %dma_start3A_31 = arith.constant 0 : i32
        %dma_start3A_32 = tpu.memref_slice %arg10[%add3A_29, %dma_start3A_31] : memref<10240x128xf32, #tpu.memory_space<vmem_shared>> -> memref<128x128xf32, #tpu.memory_space<vmem_shared>>
        tpu.enqueue_dma source(%arg9 : memref<128x128xf32, #tpu.memory_space<vmem>>) target(%dma_start3A_32 : memref<128x128xf32, #tpu.memory_space<vmem_shared>>) target_semaphore(%run_scoped3A : memref<!tpu.dma_semaphore, #tpu.memory_space<semaphore_mem>>)
        %dma_wait3A = arith.constant 0 : i32
        %dma_wait3A_33 = tpu.memref_slice %arg10[%add3A_29, %dma_wait3A] : memref<10240x128xf32, #tpu.memory_space<vmem_shared>> -> memref<128x128xf32, #tpu.memory_space<vmem_shared>>
        %dma_wait3A_34 = arith.constant 0 : i32
        %dma_wait3A_35 = tpu.memref_slice %arg10[%add3A_29, %dma_wait3A_34] : memref<10240x128xf32, #tpu.memory_space<vmem_shared>> -> memref<128x128xf32, #tpu.memory_space<vmem_shared>>
        tpu.wait_dma2 semaphore(%run_scoped3A : memref<!tpu.dma_semaphore, #tpu.memory_space<semaphore_mem>>) src(%arg9 : memref<128x128xf32, #tpu.memory_space<vmem>>) dst(%dma_wait3A_35 : memref<128x128xf32, #tpu.memory_space<vmem_shared>>)
        tpu.yield
      }) : () -> ()
    }
    %scan3A_12 = arith.constant 5 : i32
    %barrier3A = arith.constant 0 : index
    tpu.barrier barrier_id(%barrier3A)
    %mul3A_13 = arith.constant 10112 : i32
    %mul3A_14 = arith.muli %add3A, %mul3A_13 : i32
    %scan3A_15 = arith.constant 0 : i32
    %scan3A_16 = arith.constant 0 : i32
    %scan3A_17 = arith.constant 79 : i32
    %scan3A_18 = arith.addi %scan3A_16, %scan3A_17 : i32
    %scan3A_19 = arith.constant 1 : i32
    scf.for %scan3A_24 = %scan3A_16 to %scan3A_18 step %scan3A_19  : i32 {
      %mul3A_25 = arith.constant 128 : i32
      %mul3A_26 = arith.muli %scan3A_24, %mul3A_25 : i32
      %add3A_27 = arith.addi %mul3A_14, %mul3A_26 : i32
      "tpu.region"() ({
        %run_scoped3A = tpu.sem_alloc : memref<!tpu.dma_semaphore, #tpu.memory_space<semaphore_mem>>
        %dma_start3A_32 = tpu.memref_slice %arg3[%add3A_27] : memref<323584xi32, #tpu.memory_space<hbm>> -> memref<128xi32, #tpu.memory_space<hbm>>
        %dma_start3A_33 = tpu.memref_slice %arg3[%add3A_27] : memref<323584xi32, #tpu.memory_space<hbm>> -> memref<128xi32, #tpu.memory_space<hbm>>
        tpu.enqueue_dma source(%dma_start3A_33 : memref<128xi32, #tpu.memory_space<hbm>>) target(%arg6 : memref<128xi32, #tpu.memory_space<vmem>>) target_semaphore(%run_scoped3A : memref<!tpu.dma_semaphore, #tpu.memory_space<semaphore_mem>>)
        %dma_wait3A_34 = tpu.memref_slice %arg3[%add3A_27] : memref<323584xi32, #tpu.memory_space<hbm>> -> memref<128xi32, #tpu.memory_space<hbm>>
        %dma_wait3A_35 = tpu.memref_slice %arg3[%add3A_27] : memref<323584xi32, #tpu.memory_space<hbm>> -> memref<128xi32, #tpu.memory_space<hbm>>
        tpu.wait_dma2 semaphore(%run_scoped3A : memref<!tpu.dma_semaphore, #tpu.memory_space<semaphore_mem>>) src(%dma_wait3A_35 : memref<128xi32, #tpu.memory_space<hbm>>) dst(%arg6 : memref<128xi32, #tpu.memory_space<vmem>>)
        tpu.yield
      }) : () -> ()
      "tpu.region"() ({
        %run_scoped3A = tpu.sem_alloc : memref<!tpu.dma_semaphore, #tpu.memory_space<semaphore_mem>>
        %dma_start3A_32 = tpu.memref_slice %arg4[%add3A_27] : memref<323584xi32, #tpu.memory_space<hbm>> -> memref<128xi32, #tpu.memory_space<hbm>>
        %dma_start3A_33 = tpu.memref_slice %arg4[%add3A_27] : memref<323584xi32, #tpu.memory_space<hbm>> -> memref<128xi32, #tpu.memory_space<hbm>>
        tpu.enqueue_dma source(%dma_start3A_33 : memref<128xi32, #tpu.memory_space<hbm>>) target(%arg7 : memref<128xi32, #tpu.memory_space<vmem>>) target_semaphore(%run_scoped3A : memref<!tpu.dma_semaphore, #tpu.memory_space<semaphore_mem>>)
        %dma_wait3A_34 = tpu.memref_slice %arg4[%add3A_27] : memref<323584xi32, #tpu.memory_space<hbm>> -> memref<128xi32, #tpu.memory_space<hbm>>
        %dma_wait3A_35 = tpu.memref_slice %arg4[%add3A_27] : memref<323584xi32, #tpu.memory_space<hbm>> -> memref<128xi32, #tpu.memory_space<hbm>>
        tpu.wait_dma2 semaphore(%run_scoped3A : memref<!tpu.dma_semaphore, #tpu.memory_space<semaphore_mem>>) src(%dma_wait3A_35 : memref<128xi32, #tpu.memory_space<hbm>>) dst(%arg7 : memref<128xi32, #tpu.memory_space<vmem>>)
        tpu.yield
      }) : () -> ()
      %dma_start3A = arith.constant 0 : i32
      %dma_start3A_28 = arith.constant 0 : i32
      %dma_start3A_29 = tpu.memref_slice %arg2[%dma_start3A, %dma_start3A_28] : memref<10240x128xf32, #tpu.memory_space<hbm>> -> memref<10240x128xf32, #tpu.memory_space<hbm>>
      tpu.enqueue_indirect_dma source(%dma_start3A_29 : memref<10240x128xf32, #tpu.memory_space<hbm>>) target(%arg8 : memref<128x128xf32, #tpu.memory_space<vmem>>) offsets(%arg6 : memref<128xi32, #tpu.memory_space<vmem>>) semaphore(%arg11 : memref<!tpu.dma_semaphore, #tpu.memory_space<semaphore_mem>>)
      %dma_wait3A = arith.constant 0 : i32
      %dma_wait3A_30 = arith.constant 0 : i32
      %dma_wait3A_31 = tpu.memref_slice %arg2[%dma_wait3A, %dma_wait3A_30] : memref<10240x128xf32, #tpu.memory_space<hbm>> -> memref<10240x128xf32, #tpu.memory_space<hbm>>
      tpu.wait_indirect_dma semaphore(%arg11 : memref<!tpu.dma_semaphore, #tpu.memory_space<semaphore_mem>>) src(%dma_wait3A_31 : memref<10240x128xf32, #tpu.memory_space<hbm>>) dst(%arg8 : memref<128x128xf32, #tpu.memory_space<vmem>>)
      "tpu.region"() ({
        %run_scoped3A = tpu.sem_alloc : memref<!tpu.dma_semaphore, #tpu.memory_space<semaphore_mem>>
        %dma_start3A_32 = arith.constant 0 : i32
        %dma_start3A_33 = arith.constant 0 : i32
        %dma_start3A_34 = tpu.memref_slice %arg10[%dma_start3A_32, %dma_start3A_33] : memref<10240x128xf32, #tpu.memory_space<vmem_shared>> -> memref<10240x128xf32, #tpu.memory_space<vmem_shared>>
        tpu.enqueue_indirect_dma source(%arg8 : memref<128x128xf32, #tpu.memory_space<vmem>>) target(%dma_start3A_34 : memref<10240x128xf32, #tpu.memory_space<vmem_shared>>) offsets(%arg7 : memref<128xi32, #tpu.memory_space<vmem>>) semaphore(%run_scoped3A : memref<!tpu.dma_semaphore, #tpu.memory_space<semaphore_mem>>) {add = true}
        %dma_wait3A_35 = arith.constant 0 : i32
        %dma_wait3A_36 = arith.constant 0 : i32
        %dma_wait3A_37 = tpu.memref_slice %arg10[%dma_wait3A_35, %dma_wait3A_36] : memref<10240x128xf32, #tpu.memory_space<vmem_shared>> -> memref<10240x128xf32, #tpu.memory_space<vmem_shared>>
        tpu.wait_indirect_dma semaphore(%run_scoped3A : memref<!tpu.dma_semaphore, #tpu.memory_space<semaphore_mem>>) src(%arg8 : memref<128x128xf32, #tpu.memory_space<vmem>>) dst(%dma_wait3A_37 : memref<10240x128xf32, #tpu.memory_space<vmem_shared>>)
        tpu.yield
      }) : () -> ()
    }
    %scan3A_20 = arith.constant 79 : i32
    %barrier3A_21 = arith.constant 0 : index
    tpu.barrier barrier_id(%barrier3A_21)
    %mul3A_22 = arith.constant 640 : i32
    %mul3A_23 = arith.muli %arg1, %mul3A_22 : i32
    "tpu.region"() ({
      %run_scoped3A = tpu.sem_alloc : memref<!tpu.dma_semaphore, #tpu.memory_space<semaphore_mem>>
      %dma_start3A = arith.constant 0 : i32
      %dma_start3A_24 = tpu.memref_slice %arg5[%arg0, %mul3A_23, %dma_start3A] : memref<2x10240x128xf32, #tpu.memory_space<hbm>> -> memref<1x640x128xf32, #tpu.memory_space<hbm>>
      %dma_start3A_25 = tpu.memref_squeeze %dma_start3A_24 : memref<1x640x128xf32, #tpu.memory_space<hbm>> -> memref<640x128xf32, #tpu.memory_space<hbm>>
      %dma_start3A_26 = arith.constant 0 : i32
      %dma_start3A_27 = tpu.memref_slice %arg10[%mul3A_23, %dma_start3A_26] : memref<10240x128xf32, #tpu.memory_space<vmem_shared>> -> memref<640x128xf32, #tpu.memory_space<vmem_shared>>
      tpu.enqueue_dma source(%dma_start3A_27 : memref<640x128xf32, #tpu.memory_space<vmem_shared>>) target(%dma_start3A_25 : memref<640x128xf32, #tpu.memory_space<hbm>>) target_semaphore(%run_scoped3A : memref<!tpu.dma_semaphore, #tpu.memory_space<semaphore_mem>>)
      %dma_wait3A = arith.constant 0 : i32
      %dma_wait3A_28 = tpu.memref_slice %arg5[%arg0, %mul3A_23, %dma_wait3A] : memref<2x10240x128xf32, #tpu.memory_space<hbm>> -> memref<1x640x128xf32, #tpu.memory_space<hbm>>
      %dma_wait3A_29 = tpu.memref_squeeze %dma_wait3A_28 : memref<1x640x128xf32, #tpu.memory_space<hbm>> -> memref<640x128xf32, #tpu.memory_space<hbm>>
      %dma_wait3A_30 = arith.constant 0 : i32
      %dma_wait3A_31 = tpu.memref_slice %arg10[%mul3A_23, %dma_wait3A_30] : memref<10240x128xf32, #tpu.memory_space<vmem_shared>> -> memref<640x128xf32, #tpu.memory_space<vmem_shared>>
      tpu.wait_dma2 semaphore(%run_scoped3A : memref<!tpu.dma_semaphore, #tpu.memory_space<semaphore_mem>>) src(%dma_wait3A_31 : memref<640x128xf32, #tpu.memory_space<vmem_shared>>) dst(%dma_wait3A_29 : memref<640x128xf32, #tpu.memory_space<hbm>>)
      tpu.yield
    }) : () -> ()
    return
  }
}

#map = affine_map<(d0, d1) -> (0, 0)>
#map1 = affine_map<(d0, d1) -> (0)>
#map2 = affine_map<(d0, d1) -> (0, 0, 0)>
module attributes {stable_mosaic.version = 14 : i64} {
  func.func @prop(%arg0: i32, %arg1: i32, %arg2: memref<10240x128xf32, #tpu.memory_space<hbm>>, %arg3: memref<323584xi32, #tpu.memory_space<hbm>>, %arg4: memref<323584xi32, #tpu.memory_space<hbm>>, %arg5: memref<2x10240x128xf32, #tpu.memory_space<hbm>>, %arg6: memref<128xi32, #tpu.memory_space<vmem>>, %arg7: memref<128xi32, #tpu.memory_space<vmem>>, %arg8: memref<128x128xf32, #tpu.memory_space<vmem>>, %arg9: memref<128x128xf32, #tpu.memory_space<vmem>>, %arg10: memref<10240x128xf32, #tpu.memory_space<vmem_shared>>, %arg11: memref<!tpu.dma_semaphore, #tpu.memory_space<semaphore_mem>>) attributes {dimension_semantics = [#tpu.dimension_semantics<core_parallel>, #tpu.dimension_semantics<subcore_parallel>], iteration_bounds = array<i64: 2, 16>, scalar_prefetch = 0 : i64, scratch_operands = 6 : i64, tpu.core_type = #tpu.core_type<sc_vector_subcore>, window_params = [{transform_indices = #map}, {transform_indices = #map1}, {transform_indices = #map1}, {transform_indices = #map2}]} {
    %mul3A = arith.constant 2 : i32
    %mul3A_0 = arith.muli %arg1, %mul3A : i32
    %add3A = arith.addi %mul3A_0, %arg0 : i32
    %broadcast_in_dim3A = arith.constant 0.000000e+00 : f32
    %broadcast_in_dim3A_1 = vector.broadcast %broadcast_in_dim3A : f32 to vector<16xf32>
    %scan3A = arith.constant 0 : i32
    %scan3A_2 = arith.constant 0 : i32
    %scan3A_3 = arith.constant 128 : i32
    %scan3A_4 = arith.addi %scan3A_2, %scan3A_3 : i32
    %scan3A_5 = arith.constant 1 : i32
    scf.for %scan3A_24 = %scan3A_2 to %scan3A_4 step %scan3A_5  : i32 {
      %scan3A_25 = arith.constant 0 : i32
      %scan3A_26 = arith.constant 8 : i32
      %scan3A_27 = arith.addi %scan3A_25, %scan3A_26 : i32
      %scan3A_28 = arith.constant 1 : i32
      scf.for %scan3A_30 = %scan3A_25 to %scan3A_27 step %scan3A_28  : i32 {
        %mul3A_31 = arith.constant 16 : i32
        %mul3A_32 = arith.muli %scan3A_30, %mul3A_31 : i32
        %swap3A = arith.index_cast %scan3A_24 : i32 to index
        %swap3A_33 = arith.index_cast %mul3A_32 : i32 to index
        %swap3A_34 = tpu.vector_load %arg9[%swap3A, %swap3A_33] {strides = array<i32>} : memref<128x128xf32, #tpu.memory_space<vmem>>, vector<1x16xf32>,
        %swap3A_35 = vector.shape_cast %swap3A_34 : vector<1x16xf32> to vector<16xf32>
        %swap3A_36 = vector.shape_cast %broadcast_in_dim3A_1 : vector<16xf32> to vector<1x16xf32>
        tpu.vector_store %arg9[%swap3A, %swap3A_33], %swap3A_36 {strides = array<i32>} : memref<128x128xf32, #tpu.memory_space<vmem>>, vector<1x16xf32>,
      }
      %scan3A_29 = arith.constant 8 : i32
    }
    %scan3A_6 = arith.constant 128 : i32
    %scan3A_7 = arith.constant 0 : i32
    %scan3A_8 = arith.constant 0 : i32
    %scan3A_9 = arith.constant 5 : i32
    %scan3A_10 = arith.addi %scan3A_8, %scan3A_9 : i32
    %scan3A_11 = arith.constant 1 : i32
    scf.for %scan3A_24 = %scan3A_8 to %scan3A_10 step %scan3A_11  : i32 {
      %mul3A_25 = arith.constant 640 : i32
      %mul3A_26 = arith.muli %arg1, %mul3A_25 : i32
      %mul3A_27 = arith.constant 128 : i32
      %mul3A_28 = arith.muli %scan3A_24, %mul3A_27 : i32
      %add3A_29 = arith.addi %mul3A_26, %mul3A_28 : i32
      "tpu.region"() ({
        %run_scoped3A = tpu.sem_alloc : memref<!tpu.dma_semaphore, #tpu.memory_space<semaphore_mem>>
        %dma_start3A = arith.constant 0 : i32
        %dma_start3A_30 = tpu.memref_slice %arg10[%add3A_29, %dma_start3A] : memref<10240x128xf32, #tpu.memory_space<vmem_shared>> -> memref<128x128xf32, #tpu.memory_space<vmem_shared>>
        %dma_start3A_31 = arith.constant 0 : i32
        %dma_start3A_32 = tpu.memref_slice %arg10[%add3A_29, %dma_start3A_31] : memref<10240x128xf32, #tpu.memory_space<vmem_shared>> -> memref<128x128xf32, #tpu.memory_space<vmem_shared>>
        tpu.enqueue_dma source(%arg9 : memref<128x128xf32, #tpu.memory_space<vmem>>) target(%dma_start3A_32 : memref<128x128xf32, #tpu.memory_space<vmem_shared>>) target_semaphore(%run_scoped3A : memref<!tpu.dma_semaphore, #tpu.memory_space<semaphore_mem>>)
        %dma_wait3A = arith.constant 0 : i32
        %dma_wait3A_33 = tpu.memref_slice %arg10[%add3A_29, %dma_wait3A] : memref<10240x128xf32, #tpu.memory_space<vmem_shared>> -> memref<128x128xf32, #tpu.memory_space<vmem_shared>>
        %dma_wait3A_34 = arith.constant 0 : i32
        %dma_wait3A_35 = tpu.memref_slice %arg10[%add3A_29, %dma_wait3A_34] : memref<10240x128xf32, #tpu.memory_space<vmem_shared>> -> memref<128x128xf32, #tpu.memory_space<vmem_shared>>
        tpu.wait_dma2 semaphore(%run_scoped3A : memref<!tpu.dma_semaphore, #tpu.memory_space<semaphore_mem>>) src(%arg9 : memref<128x128xf32, #tpu.memory_space<vmem>>) dst(%dma_wait3A_35 : memref<128x128xf32, #tpu.memory_space<vmem_shared>>)
        tpu.yield
      }) : () -> ()
    }
    %scan3A_12 = arith.constant 5 : i32
    %barrier3A = arith.constant 0 : index
    tpu.barrier barrier_id(%barrier3A)
    %mul3A_13 = arith.constant 10112 : i32
    %mul3A_14 = arith.muli %add3A, %mul3A_13 : i32
    %scan3A_15 = arith.constant 0 : i32
    %scan3A_16 = arith.constant 0 : i32
    %scan3A_17 = arith.constant 79 : i32
    %scan3A_18 = arith.addi %scan3A_16, %scan3A_17 : i32
    %scan3A_19 = arith.constant 1 : i32
    scf.for %scan3A_24 = %scan3A_16 to %scan3A_18 step %scan3A_19  : i32 {
      %mul3A_25 = arith.constant 128 : i32
      %mul3A_26 = arith.muli %scan3A_24, %mul3A_25 : i32
      %add3A_27 = arith.addi %mul3A_14, %mul3A_26 : i32
      "tpu.region"() ({
        %run_scoped3A = tpu.sem_alloc : memref<!tpu.dma_semaphore, #tpu.memory_space<semaphore_mem>>
        %dma_start3A_32 = tpu.memref_slice %arg3[%add3A_27] : memref<323584xi32, #tpu.memory_space<hbm>> -> memref<128xi32, #tpu.memory_space<hbm>>
        %dma_start3A_33 = tpu.memref_slice %arg3[%add3A_27] : memref<323584xi32, #tpu.memory_space<hbm>> -> memref<128xi32, #tpu.memory_space<hbm>>
        tpu.enqueue_dma source(%dma_start3A_33 : memref<128xi32, #tpu.memory_space<hbm>>) target(%arg6 : memref<128xi32, #tpu.memory_space<vmem>>) target_semaphore(%run_scoped3A : memref<!tpu.dma_semaphore, #tpu.memory_space<semaphore_mem>>)
        %dma_wait3A_34 = tpu.memref_slice %arg3[%add3A_27] : memref<323584xi32, #tpu.memory_space<hbm>> -> memref<128xi32, #tpu.memory_space<hbm>>
        %dma_wait3A_35 = tpu.memref_slice %arg3[%add3A_27] : memref<323584xi32, #tpu.memory_space<hbm>> -> memref<128xi32, #tpu.memory_space<hbm>>
        tpu.wait_dma2 semaphore(%run_scoped3A : memref<!tpu.dma_semaphore, #tpu.memory_space<semaphore_mem>>) src(%dma_wait3A_35 : memref<128xi32, #tpu.memory_space<hbm>>) dst(%arg6 : memref<128xi32, #tpu.memory_space<vmem>>)
        tpu.yield
      }) : () -> ()
      "tpu.region"() ({
        %run_scoped3A = tpu.sem_alloc : memref<!tpu.dma_semaphore, #tpu.memory_space<semaphore_mem>>
        %dma_start3A_32 = tpu.memref_slice %arg4[%add3A_27] : memref<323584xi32, #tpu.memory_space<hbm>> -> memref<128xi32, #tpu.memory_space<hbm>>
        %dma_start3A_33 = tpu.memref_slice %arg4[%add3A_27] : memref<323584xi32, #tpu.memory_space<hbm>> -> memref<128xi32, #tpu.memory_space<hbm>>
        tpu.enqueue_dma source(%dma_start3A_33 : memref<128xi32, #tpu.memory_space<hbm>>) target(%arg7 : memref<128xi32, #tpu.memory_space<vmem>>) target_semaphore(%run_scoped3A : memref<!tpu.dma_semaphore, #tpu.memory_space<semaphore_mem>>)
        %dma_wait3A_34 = tpu.memref_slice %arg4[%add3A_27] : memref<323584xi32, #tpu.memory_space<hbm>> -> memref<128xi32, #tpu.memory_space<hbm>>
        %dma_wait3A_35 = tpu.memref_slice %arg4[%add3A_27] : memref<323584xi32, #tpu.memory_space<hbm>> -> memref<128xi32, #tpu.memory_space<hbm>>
        tpu.wait_dma2 semaphore(%run_scoped3A : memref<!tpu.dma_semaphore, #tpu.memory_space<semaphore_mem>>) src(%dma_wait3A_35 : memref<128xi32, #tpu.memory_space<hbm>>) dst(%arg7 : memref<128xi32, #tpu.memory_space<vmem>>)
        tpu.yield
      }) : () -> ()
      %dma_start3A = arith.constant 0 : i32
      %dma_start3A_28 = arith.constant 0 : i32
      %dma_start3A_29 = tpu.memref_slice %arg2[%dma_start3A, %dma_start3A_28] : memref<10240x128xf32, #tpu.memory_space<hbm>> -> memref<10240x128xf32, #tpu.memory_space<hbm>>
      tpu.enqueue_indirect_dma source(%dma_start3A_29 : memref<10240x128xf32, #tpu.memory_space<hbm>>) target(%arg8 : memref<128x128xf32, #tpu.memory_space<vmem>>) offsets(%arg6 : memref<128xi32, #tpu.memory_space<vmem>>) semaphore(%arg11 : memref<!tpu.dma_semaphore, #tpu.memory_space<semaphore_mem>>)
      %dma_wait3A = arith.constant 0 : i32
      %dma_wait3A_30 = arith.constant 0 : i32
      %dma_wait3A_31 = tpu.memref_slice %arg2[%dma_wait3A, %dma_wait3A_30] : memref<10240x128xf32, #tpu.memory_space<hbm>> -> memref<10240x128xf32, #tpu.memory_space<hbm>>
      tpu.wait_indirect_dma semaphore(%arg11 : memref<!tpu.dma_semaphore, #tpu.memory_space<semaphore_mem>>) src(%dma_wait3A_31 : memref<10240x128xf32, #tpu.memory_space<hbm>>) dst(%arg8 : memref<128x128xf32, #tpu.memory_space<vmem>>)
      "tpu.region"() ({
        %run_scoped3A = tpu.sem_alloc : memref<!tpu.dma_semaphore, #tpu.memory_space<semaphore_mem>>
        %dma_start3A_32 = arith.constant 0 : i32
        %dma_start3A_33 = arith.constant 0 : i32
        %dma_start3A_34 = tpu.memref_slice %arg10[%dma_start3A_32, %dma_start3A_33] : memref<10240x128xf32, #tpu.memory_space<vmem_shared>> -> memref<10240x128xf32, #tpu.memory_space<vmem_shared>>
        tpu.enqueue_indirect_dma source(%arg8 : memref<128x128xf32, #tpu.memory_space<vmem>>) target(%dma_start3A_34 : memref<10240x128xf32, #tpu.memory_space<vmem_shared>>) offsets(%arg7 : memref<128xi32, #tpu.memory_space<vmem>>) semaphore(%run_scoped3A : memref<!tpu.dma_semaphore, #tpu.memory_space<semaphore_mem>>) {add = true}
        %dma_wait3A_35 = arith.constant 0 : i32
        %dma_wait3A_36 = arith.constant 0 : i32
        %dma_wait3A_37 = tpu.memref_slice %arg10[%dma_wait3A_35, %dma_wait3A_36] : memref<10240x128xf32, #tpu.memory_space<vmem_shared>> -> memref<10240x128xf32, #tpu.memory_space<vmem_shared>>
        tpu.wait_indirect_dma semaphore(%run_scoped3A : memref<!tpu.dma_semaphore, #tpu.memory_space<semaphore_mem>>) src(%arg8 : memref<128x128xf32, #tpu.memory_space<vmem>>) dst(%dma_wait3A_37 : memref<10240x128xf32, #tpu.memory_space<vmem_shared>>)
        tpu.yield
      }) : () -> ()
    }
    %scan3A_20 = arith.constant 79 : i32
    %barrier3A_21 = arith.constant 0 : index
    tpu.barrier barrier_id(%barrier3A_21)
    %mul3A_22 = arith.constant 640 : i32
    %mul3A_23 = arith.muli %arg1, %mul3A_22 : i32
    "tpu.region"() ({
      %run_scoped3A = tpu.sem_alloc : memref<!tpu.dma_semaphore, #tpu.memory_space<semaphore_mem>>
      %dma_start3A = arith.constant 0 : i32
      %dma_start3A_24 = tpu.memref_slice %arg5[%arg0, %mul3A_23, %dma_start3A] : memref<2x10240x128xf32, #tpu.memory_space<hbm>> -> memref<1x640x128xf32, #tpu.memory_space<hbm>>
      %dma_start3A_25 = tpu.memref_squeeze %dma_start3A_24 : memref<1x640x128xf32, #tpu.memory_space<hbm>> -> memref<640x128xf32, #tpu.memory_space<hbm>>
      %dma_start3A_26 = arith.constant 0 : i32
      %dma_start3A_27 = tpu.memref_slice %arg10[%mul3A_23, %dma_start3A_26] : memref<10240x128xf32, #tpu.memory_space<vmem_shared>> -> memref<640x128xf32, #tpu.memory_space<vmem_shared>>
      tpu.enqueue_dma source(%dma_start3A_27 : memref<640x128xf32, #tpu.memory_space<vmem_shared>>) target(%dma_start3A_25 : memref<640x128xf32, #tpu.memory_space<hbm>>) target_semaphore(%run_scoped3A : memref<!tpu.dma_semaphore, #tpu.memory_space<semaphore_mem>>)
      %dma_wait3A = arith.constant 0 : i32
      %dma_wait3A_28 = tpu.memref_slice %arg5[%arg0, %mul3A_23, %dma_wait3A] : memref<2x10240x128xf32, #tpu.memory_space<hbm>> -> memref<1x640x128xf32, #tpu.memory_space<hbm>>
      %dma_wait3A_29 = tpu.memref_squeeze %dma_wait3A_28 : memref<1x640x128xf32, #tpu.memory_space<hbm>> -> memref<640x128xf32, #tpu.memory_space<hbm>>
      %dma_wait3A_30 = arith.constant 0 : i32
      %dma_wait3A_31 = tpu.memref_slice %arg10[%mul3A_23, %dma_wait3A_30] : memref<10240x128xf32, #tpu.memory_space<vmem_shared>> -> memref<640x128xf32, #tpu.memory_space<vmem_shared>>
      tpu.wait_dma2 semaphore(%run_scoped3A : memref<!tpu.dma_semaphore, #tpu.memory_space<semaphore_mem>>) src(%dma_wait3A_31 : memref<640x128xf32, #tpu.memory_space<vmem_shared>>) dst(%dma_wait3A_29 : memref<640x128xf32, #tpu.memory_space<hbm>>)
      tpu.yield
    }) : () -> ()
    return
  }
}

#map = affine_map<(d0, d1) -> (0, 0)>
#map1 = affine_map<(d0, d1) -> (0)>
#map2 = affine_map<(d0, d1) -> (0, 0, 0)>
module attributes {stable_mosaic.version = 14 : i64} {
  func.func @prop(%arg0: i32, %arg1: i32, %arg2: memref<10240x128xf32, #tpu.memory_space<hbm>>, %arg3: memref<323584xi32, #tpu.memory_space<hbm>>, %arg4: memref<323584xi32, #tpu.memory_space<hbm>>, %arg5: memref<2x10240x128xf32, #tpu.memory_space<hbm>>, %arg6: memref<128xi32, #tpu.memory_space<vmem>>, %arg7: memref<128xi32, #tpu.memory_space<vmem>>, %arg8: memref<128x128xf32, #tpu.memory_space<vmem>>, %arg9: memref<128x128xf32, #tpu.memory_space<vmem>>, %arg10: memref<10240x128xf32, #tpu.memory_space<vmem_shared>>, %arg11: memref<!tpu.dma_semaphore, #tpu.memory_space<semaphore_mem>>) attributes {dimension_semantics = [#tpu.dimension_semantics<core_parallel>, #tpu.dimension_semantics<subcore_parallel>], iteration_bounds = array<i64: 2, 16>, scalar_prefetch = 0 : i64, scratch_operands = 6 : i64, tpu.core_type = #tpu.core_type<sc_vector_subcore>, window_params = [{transform_indices = #map}, {transform_indices = #map1}, {transform_indices = #map1}, {transform_indices = #map2}]} {
    %mul3A = arith.constant 2 : i32
    %mul3A_0 = arith.muli %arg1, %mul3A : i32
    %add3A = arith.addi %mul3A_0, %arg0 : i32
    %broadcast_in_dim3A = arith.constant 0.000000e+00 : f32
    %broadcast_in_dim3A_1 = vector.broadcast %broadcast_in_dim3A : f32 to vector<16xf32>
    %scan3A = arith.constant 0 : i32
    %scan3A_2 = arith.constant 0 : i32
    %scan3A_3 = arith.constant 128 : i32
    %scan3A_4 = arith.addi %scan3A_2, %scan3A_3 : i32
    %scan3A_5 = arith.constant 1 : i32
    scf.for %scan3A_24 = %scan3A_2 to %scan3A_4 step %scan3A_5  : i32 {
      %scan3A_25 = arith.constant 0 : i32
      %scan3A_26 = arith.constant 8 : i32
      %scan3A_27 = arith.addi %scan3A_25, %scan3A_26 : i32
      %scan3A_28 = arith.constant 1 : i32
      scf.for %scan3A_30 = %scan3A_25 to %scan3A_27 step %scan3A_28  : i32 {
        %mul3A_31 = arith.constant 16 : i32
        %mul3A_32 = arith.muli %scan3A_30, %mul3A_31 : i32
        %swap3A = arith.index_cast %scan3A_24 : i32 to index
        %swap3A_33 = arith.index_cast %mul3A_32 : i32 to index
        %swap3A_34 = tpu.vector_load %arg9[%swap3A, %swap3A_33] {strides = array<i32>} : memref<128x128xf32, #tpu.memory_space<vmem>>, vector<1x16xf32>,
        %swap3A_35 = vector.shape_cast %swap3A_34 : vector<1x16xf32> to vector<16xf32>
        %swap3A_36 = vector.shape_cast %broadcast_in_dim3A_1 : vector<16xf32> to vector<1x16xf32>
        tpu.vector_store %arg9[%swap3A, %swap3A_33], %swap3A_36 {strides = array<i32>} : memref<128x128xf32, #tpu.memory_space<vmem>>, vector<1x16xf32>,
      }
      %scan3A_29 = arith.constant 8 : i32
    }
    %scan3A_6 = arith.constant 128 : i32
    %scan3A_7 = arith.constant 0 : i32
    %scan3A_8 = arith.constant 0 : i32
    %scan3A_9 = arith.constant 5 : i32
    %scan3A_10 = arith.addi %scan3A_8, %scan3A_9 : i32
    %scan3A_11 = arith.constant 1 : i32
    scf.for %scan3A_24 = %scan3A_8 to %scan3A_10 step %scan3A_11  : i32 {
      %mul3A_25 = arith.constant 640 : i32
      %mul3A_26 = arith.muli %arg1, %mul3A_25 : i32
      %mul3A_27 = arith.constant 128 : i32
      %mul3A_28 = arith.muli %scan3A_24, %mul3A_27 : i32
      %add3A_29 = arith.addi %mul3A_26, %mul3A_28 : i32
      "tpu.region"() ({
        %run_scoped3A = tpu.sem_alloc : memref<!tpu.dma_semaphore, #tpu.memory_space<semaphore_mem>>
        %dma_start3A = arith.constant 0 : i32
        %dma_start3A_30 = tpu.memref_slice %arg10[%add3A_29, %dma_start3A] : memref<10240x128xf32, #tpu.memory_space<vmem_shared>> -> memref<128x128xf32, #tpu.memory_space<vmem_shared>>
        %dma_start3A_31 = arith.constant 0 : i32
        %dma_start3A_32 = tpu.memref_slice %arg10[%add3A_29, %dma_start3A_31] : memref<10240x128xf32, #tpu.memory_space<vmem_shared>> -> memref<128x128xf32, #tpu.memory_space<vmem_shared>>
        tpu.enqueue_dma source(%arg9 : memref<128x128xf32, #tpu.memory_space<vmem>>) target(%dma_start3A_32 : memref<128x128xf32, #tpu.memory_space<vmem_shared>>) target_semaphore(%run_scoped3A : memref<!tpu.dma_semaphore, #tpu.memory_space<semaphore_mem>>)
        %dma_wait3A = arith.constant 0 : i32
        %dma_wait3A_33 = tpu.memref_slice %arg10[%add3A_29, %dma_wait3A] : memref<10240x128xf32, #tpu.memory_space<vmem_shared>> -> memref<128x128xf32, #tpu.memory_space<vmem_shared>>
        %dma_wait3A_34 = arith.constant 0 : i32
        %dma_wait3A_35 = tpu.memref_slice %arg10[%add3A_29, %dma_wait3A_34] : memref<10240x128xf32, #tpu.memory_space<vmem_shared>> -> memref<128x128xf32, #tpu.memory_space<vmem_shared>>
        tpu.wait_dma2 semaphore(%run_scoped3A : memref<!tpu.dma_semaphore, #tpu.memory_space<semaphore_mem>>) src(%arg9 : memref<128x128xf32, #tpu.memory_space<vmem>>) dst(%dma_wait3A_35 : memref<128x128xf32, #tpu.memory_space<vmem_shared>>)
        tpu.yield
      }) : () -> ()
    }
    %scan3A_12 = arith.constant 5 : i32
    %barrier3A = arith.constant 0 : index
    tpu.barrier barrier_id(%barrier3A)
    %mul3A_13 = arith.constant 10112 : i32
    %mul3A_14 = arith.muli %add3A, %mul3A_13 : i32
    %scan3A_15 = arith.constant 0 : i32
    %scan3A_16 = arith.constant 0 : i32
    %scan3A_17 = arith.constant 79 : i32
    %scan3A_18 = arith.addi %scan3A_16, %scan3A_17 : i32
    %scan3A_19 = arith.constant 1 : i32
    scf.for %scan3A_24 = %scan3A_16 to %scan3A_18 step %scan3A_19  : i32 {
      %mul3A_25 = arith.constant 128 : i32
      %mul3A_26 = arith.muli %scan3A_24, %mul3A_25 : i32
      %add3A_27 = arith.addi %mul3A_14, %mul3A_26 : i32
      "tpu.region"() ({
        %run_scoped3A = tpu.sem_alloc : memref<!tpu.dma_semaphore, #tpu.memory_space<semaphore_mem>>
        %dma_start3A_32 = tpu.memref_slice %arg3[%add3A_27] : memref<323584xi32, #tpu.memory_space<hbm>> -> memref<128xi32, #tpu.memory_space<hbm>>
        %dma_start3A_33 = tpu.memref_slice %arg3[%add3A_27] : memref<323584xi32, #tpu.memory_space<hbm>> -> memref<128xi32, #tpu.memory_space<hbm>>
        tpu.enqueue_dma source(%dma_start3A_33 : memref<128xi32, #tpu.memory_space<hbm>>) target(%arg6 : memref<128xi32, #tpu.memory_space<vmem>>) target_semaphore(%run_scoped3A : memref<!tpu.dma_semaphore, #tpu.memory_space<semaphore_mem>>)
        %dma_wait3A_34 = tpu.memref_slice %arg3[%add3A_27] : memref<323584xi32, #tpu.memory_space<hbm>> -> memref<128xi32, #tpu.memory_space<hbm>>
        %dma_wait3A_35 = tpu.memref_slice %arg3[%add3A_27] : memref<323584xi32, #tpu.memory_space<hbm>> -> memref<128xi32, #tpu.memory_space<hbm>>
        tpu.wait_dma2 semaphore(%run_scoped3A : memref<!tpu.dma_semaphore, #tpu.memory_space<semaphore_mem>>) src(%dma_wait3A_35 : memref<128xi32, #tpu.memory_space<hbm>>) dst(%arg6 : memref<128xi32, #tpu.memory_space<vmem>>)
        tpu.yield
      }) : () -> ()
      "tpu.region"() ({
        %run_scoped3A = tpu.sem_alloc : memref<!tpu.dma_semaphore, #tpu.memory_space<semaphore_mem>>
        %dma_start3A_32 = tpu.memref_slice %arg4[%add3A_27] : memref<323584xi32, #tpu.memory_space<hbm>> -> memref<128xi32, #tpu.memory_space<hbm>>
        %dma_start3A_33 = tpu.memref_slice %arg4[%add3A_27] : memref<323584xi32, #tpu.memory_space<hbm>> -> memref<128xi32, #tpu.memory_space<hbm>>
        tpu.enqueue_dma source(%dma_start3A_33 : memref<128xi32, #tpu.memory_space<hbm>>) target(%arg7 : memref<128xi32, #tpu.memory_space<vmem>>) target_semaphore(%run_scoped3A : memref<!tpu.dma_semaphore, #tpu.memory_space<semaphore_mem>>)
        %dma_wait3A_34 = tpu.memref_slice %arg4[%add3A_27] : memref<323584xi32, #tpu.memory_space<hbm>> -> memref<128xi32, #tpu.memory_space<hbm>>
        %dma_wait3A_35 = tpu.memref_slice %arg4[%add3A_27] : memref<323584xi32, #tpu.memory_space<hbm>> -> memref<128xi32, #tpu.memory_space<hbm>>
        tpu.wait_dma2 semaphore(%run_scoped3A : memref<!tpu.dma_semaphore, #tpu.memory_space<semaphore_mem>>) src(%dma_wait3A_35 : memref<128xi32, #tpu.memory_space<hbm>>) dst(%arg7 : memref<128xi32, #tpu.memory_space<vmem>>)
        tpu.yield
      }) : () -> ()
      %dma_start3A = arith.constant 0 : i32
      %dma_start3A_28 = arith.constant 0 : i32
      %dma_start3A_29 = tpu.memref_slice %arg2[%dma_start3A, %dma_start3A_28] : memref<10240x128xf32, #tpu.memory_space<hbm>> -> memref<10240x128xf32, #tpu.memory_space<hbm>>
      tpu.enqueue_indirect_dma source(%dma_start3A_29 : memref<10240x128xf32, #tpu.memory_space<hbm>>) target(%arg8 : memref<128x128xf32, #tpu.memory_space<vmem>>) offsets(%arg6 : memref<128xi32, #tpu.memory_space<vmem>>) semaphore(%arg11 : memref<!tpu.dma_semaphore, #tpu.memory_space<semaphore_mem>>)
      %dma_wait3A = arith.constant 0 : i32
      %dma_wait3A_30 = arith.constant 0 : i32
      %dma_wait3A_31 = tpu.memref_slice %arg2[%dma_wait3A, %dma_wait3A_30] : memref<10240x128xf32, #tpu.memory_space<hbm>> -> memref<10240x128xf32, #tpu.memory_space<hbm>>
      tpu.wait_indirect_dma semaphore(%arg11 : memref<!tpu.dma_semaphore, #tpu.memory_space<semaphore_mem>>) src(%dma_wait3A_31 : memref<10240x128xf32, #tpu.memory_space<hbm>>) dst(%arg8 : memref<128x128xf32, #tpu.memory_space<vmem>>)
      "tpu.region"() ({
        %run_scoped3A = tpu.sem_alloc : memref<!tpu.dma_semaphore, #tpu.memory_space<semaphore_mem>>
        %dma_start3A_32 = arith.constant 0 : i32
        %dma_start3A_33 = arith.constant 0 : i32
        %dma_start3A_34 = tpu.memref_slice %arg10[%dma_start3A_32, %dma_start3A_33] : memref<10240x128xf32, #tpu.memory_space<vmem_shared>> -> memref<10240x128xf32, #tpu.memory_space<vmem_shared>>
        tpu.enqueue_indirect_dma source(%arg8 : memref<128x128xf32, #tpu.memory_space<vmem>>) target(%dma_start3A_34 : memref<10240x128xf32, #tpu.memory_space<vmem_shared>>) offsets(%arg7 : memref<128xi32, #tpu.memory_space<vmem>>) semaphore(%run_scoped3A : memref<!tpu.dma_semaphore, #tpu.memory_space<semaphore_mem>>) {add = true}
        %dma_wait3A_35 = arith.constant 0 : i32
        %dma_wait3A_36 = arith.constant 0 : i32
        %dma_wait3A_37 = tpu.memref_slice %arg10[%dma_wait3A_35, %dma_wait3A_36] : memref<10240x128xf32, #tpu.memory_space<vmem_shared>> -> memref<10240x128xf32, #tpu.memory_space<vmem_shared>>
        tpu.wait_indirect_dma semaphore(%run_scoped3A : memref<!tpu.dma_semaphore, #tpu.memory_space<semaphore_mem>>) src(%arg8 : memref<128x128xf32, #tpu.memory_space<vmem>>) dst(%dma_wait3A_37 : memref<10240x128xf32, #tpu.memory_space<vmem_shared>>)
        tpu.yield
      }) : () -> ()
    }
    %scan3A_20 = arith.constant 79 : i32
    %barrier3A_21 = arith.constant 0 : index
    tpu.barrier barrier_id(%barrier3A_21)
    %mul3A_22 = arith.constant 640 : i32
    %mul3A_23 = arith.muli %arg1, %mul3A_22 : i32
    "tpu.region"() ({
      %run_scoped3A = tpu.sem_alloc : memref<!tpu.dma_semaphore, #tpu.memory_space<semaphore_mem>>
      %dma_start3A = arith.constant 0 : i32
      %dma_start3A_24 = tpu.memref_slice %arg5[%arg0, %mul3A_23, %dma_start3A] : memref<2x10240x128xf32, #tpu.memory_space<hbm>> -> memref<1x640x128xf32, #tpu.memory_space<hbm>>
      %dma_start3A_25 = tpu.memref_squeeze %dma_start3A_24 : memref<1x640x128xf32, #tpu.memory_space<hbm>> -> memref<640x128xf32, #tpu.memory_space<hbm>>
      %dma_start3A_26 = arith.constant 0 : i32
      %dma_start3A_27 = tpu.memref_slice %arg10[%mul3A_23, %dma_start3A_26] : memref<10240x128xf32, #tpu.memory_space<vmem_shared>> -> memref<640x128xf32, #tpu.memory_space<vmem_shared>>
      tpu.enqueue_dma source(%dma_start3A_27 : memref<640x128xf32, #tpu.memory_space<vmem_shared>>) target(%dma_start3A_25 : memref<640x128xf32, #tpu.memory_space<hbm>>) target_semaphore(%run_scoped3A : memref<!tpu.dma_semaphore, #tpu.memory_space<semaphore_mem>>)
      %dma_wait3A = arith.constant 0 : i32
      %dma_wait3A_28 = tpu.memref_slice %arg5[%arg0, %mul3A_23, %dma_wait3A] : memref<2x10240x128xf32, #tpu.memory_space<hbm>> -> memref<1x640x128xf32, #tpu.memory_space<hbm>>
      %dma_wait3A_29 = tpu.memref_squeeze %dma_wait3A_28 : memref<1x640x128xf32, #tpu.memory_space<hbm>> -> memref<640x128xf32, #tpu.memory_space<hbm>>
      %dma_wait3A_30 = arith.constant 0 : i32
      %dma_wait3A_31 = tpu.memref_slice %arg10[%mul3A_23, %dma_wait3A_30] : memref<10240x128xf32, #tpu.memory_space<vmem_shared>> -> memref<640x128xf32, #tpu.memory_space<vmem_shared>>
      tpu.wait_dma2 semaphore(%run_scoped3A : memref<!tpu.dma_semaphore, #tpu.memory_space<semaphore_mem>>) src(%dma_wait3A_31 : memref<640x128xf32, #tpu.memory_space<vmem_shared>>) dst(%dma_wait3A_29 : memref<640x128xf32, #tpu.memory_space<hbm>>)
      tpu.yield
    }) : () -> ()
    return
  }
}

module attributes {stable_mosaic.version = 14 : i64} {
  func.func @body(%arg0: i32, %arg1: memref<2x256x128xf32, #tpu.memory_space<vmem>>, %arg2: memref<256x128xf32, #tpu.memory_space<vmem>>, %arg3: memref<256x128xf32, #tpu.memory_space<vmem>>, %arg4: memref<256x128xf32, #tpu.memory_space<vmem>>) attributes {dimension_semantics = [#tpu.dimension_semantics<arbitrary>], iteration_bounds = array<i64: 40>, scalar_prefetch = 0 : i64, scratch_operands = 0 : i64, tpu.core_type = #tpu.core_type<tc>, window_params = [{transform_indices = @transform_0, window_bounds = array<i64: 2, 256, 128>}, {transform_indices = @transform_1, window_bounds = array<i64: 256, 128>}, {transform_indices = @transform_2, window_bounds = array<i64: 256, 128>}, {transform_indices = @transform_3, window_bounds = array<i64: 256, 128>}]} {
    %get3A = arith.constant 0 : index
    %get3A_0 = arith.constant 0 : index
    %get3A_1 = arith.constant 0 : index
    %get3A_2 = vector.load %arg1[%get3A, %get3A_0, %get3A_1] : memref<2x256x128xf32, #tpu.memory_space<vmem>>, vector<1x256x1xf32>
    %get3A_3 = vector.shape_cast %get3A_2 : vector<1x256x1xf32> to vector<256x1xf32>
    %get3A_4 = arith.constant 1 : index
    %get3A_5 = arith.constant 0 : index
    %get3A_6 = arith.constant 0 : index
    %get3A_7 = vector.load %arg1[%get3A_4, %get3A_5, %get3A_6] : memref<2x256x128xf32, #tpu.memory_space<vmem>>, vector<1x256x1xf32>
    %get3A_8 = vector.shape_cast %get3A_7 : vector<1x256x1xf32> to vector<256x1xf32>
    %add3A = arith.addf %get3A_3, %get3A_8 : vector<256x1xf32>
    %mul3A = arith.constant 256 : i32
    %mul3A_9 = arith.muli %arg0, %mul3A : i32
    %iota3A = tpu.iota {dimensions = array<i32: 0>} : vector<256x1xi32>
    %add3A_10 = vector.broadcast %mul3A_9 : i32 to vector<256x1xi32>
    %add3A_11 = arith.addi %add3A_10, %iota3A : vector<256x1xi32>
    %gt3A = arith.constant 0.000000e+00 : f32
    %gt3A_12 = vector.broadcast %gt3A : f32 to vector<256x1xf32>
    %gt3A_13 = arith.cmpf ogt, %add3A, %gt3A_12 : vector<256x1xf32>
    %lt3A = arith.constant 10000 : i32
    %lt3A_14 = vector.broadcast %lt3A : i32 to vector<256x1xi32>
    %lt3A_15 = arith.cmpi slt, %add3A_11, %lt3A_14 : vector<256x1xi32>
    %and3A = arith.andi %gt3A_13, %lt3A_15 : vector<256x1xi1>
    %jit3A = arith.constant 1.000000e+00 : f32
    %broadcast_in_dim3A = vector.broadcast %jit3A : f32 to vector<256x1xf32>
    %select_n3A = arith.select %and3A, %add3A, %broadcast_in_dim3A : vector<256x1xi1>, vector<256x1xf32>
    %rsqrt3A = math.rsqrt %select_n3A : vector<256x1xf32>
    %jit3A_16 = arith.constant 0.000000e+00 : f32
    %broadcast_in_dim3A_17 = vector.broadcast %jit3A_16 : f32 to vector<256x1xf32>
    %select_n3A_18 = arith.select %and3A, %rsqrt3A, %broadcast_in_dim3A_17 : vector<256x1xi1>, vector<256x1xf32>
    %broadcast_in_dim3A_19 = vector.shape_cast %select_n3A_18 : vector<256x1xf32> to vector<256x1xf32>
    %broadcast_in_dim3A_20 = vector.broadcast %broadcast_in_dim3A_19 : vector<256x1xf32> to vector<256x128xf32>
    %swap3A = arith.constant 0 : index
    %swap3A_21 = arith.constant 0 : index
    %swap3A_22 = vector.load %arg3[%swap3A, %swap3A_21] : memref<256x128xf32, #tpu.memory_space<vmem>>, vector<256x128xf32>
    tpu.vector_store %arg3[%swap3A, %swap3A_21], %broadcast_in_dim3A_20 {strides = array<i32>} : memref<256x128xf32, #tpu.memory_space<vmem>>, vector<256x128xf32>,
    %get3A_23 = arith.constant 0 : index
    %get3A_24 = arith.constant 0 : index
    %get3A_25 = vector.load %arg2[%get3A_23, %get3A_24] : memref<256x128xf32, #tpu.memory_space<vmem>>, vector<256x128xf32>
    %mul3A_26 = arith.mulf %broadcast_in_dim3A_20, %get3A_25 : vector<256x128xf32>
    %swap3A_27 = arith.constant 0 : index
    %swap3A_28 = arith.constant 0 : index
    %swap3A_29 = vector.load %arg4[%swap3A_27, %swap3A_28] : memref<256x128xf32, #tpu.memory_space<vmem>>, vector<256x128xf32>
    tpu.vector_store %arg4[%swap3A_27, %swap3A_28], %mul3A_26 {strides = array<i32>} : memref<256x128xf32, #tpu.memory_space<vmem>>, vector<256x128xf32>,
    return
  }
  func.func @transform_0(%arg0: i32) -> (i32, i32, i32) {
    %c0_i32 = arith.constant 0 : i32
    %c0_i32_0 = arith.constant 0 : i32
    %c0_i32_1 = arith.constant 0 : i32
    return %c0_i32, %arg0, %c0_i32_0 : i32, i32, i32
  }
  func.func @transform_1(%arg0: i32) -> (i32, i32) {
    %c0_i32 = arith.constant 0 : i32
    %c0_i32_0 = arith.constant 0 : i32
    return %arg0, %c0_i32 : i32, i32
  }
  func.func @transform_2(%arg0: i32) -> (i32, i32) {
    %c0_i32 = arith.constant 0 : i32
    %c0_i32_0 = arith.constant 0 : i32
    return %arg0, %c0_i32 : i32, i32
  }
  func.func @transform_3(%arg0: i32) -> (i32, i32) {
    %c0_i32 = arith.constant 0 : i32
    %c0_i32_0 = arith.constant 0 : i32
    return %arg0, %c0_i32 : i32, i32
  }
}

module attributes {stable_mosaic.version = 14 : i64} {
  func.func @body(%arg0: i32, %arg1: memref<2x256x128xf32, #tpu.memory_space<vmem>>, %arg2: memref<256x128xf32, #tpu.memory_space<vmem>>, %arg3: memref<256x128xf32, #tpu.memory_space<vmem>>, %arg4: memref<256x128xf32, #tpu.memory_space<vmem>>) attributes {dimension_semantics = [#tpu.dimension_semantics<arbitrary>], iteration_bounds = array<i64: 40>, scalar_prefetch = 0 : i64, scratch_operands = 0 : i64, tpu.core_type = #tpu.core_type<tc>, window_params = [{transform_indices = @transform_0, window_bounds = array<i64: 2, 256, 128>}, {transform_indices = @transform_1, window_bounds = array<i64: 256, 128>}, {transform_indices = @transform_2, window_bounds = array<i64: 256, 128>}, {transform_indices = @transform_3, window_bounds = array<i64: 256, 128>}]} {
    %get3A = arith.constant 0 : index
    %get3A_0 = arith.constant 0 : index
    %get3A_1 = vector.load %arg2[%get3A, %get3A_0] : memref<256x128xf32, #tpu.memory_space<vmem>>, vector<256x128xf32>
    %neg3A = arith.constant 0.000000e+00 : f32
    %neg3A_2 = vector.broadcast %neg3A : f32 to vector<256x128xf32>
    %neg3A_3 = arith.subf %neg3A_2, %get3A_1 : vector<256x128xf32>
    %get3A_4 = arith.constant 0 : index
    %get3A_5 = arith.constant 0 : index
    %get3A_6 = arith.constant 0 : index
    %get3A_7 = vector.load %arg1[%get3A_4, %get3A_5, %get3A_6] : memref<2x256x128xf32, #tpu.memory_space<vmem>>, vector<1x256x128xf32>
    %get3A_8 = vector.shape_cast %get3A_7 : vector<1x256x128xf32> to vector<256x128xf32>
    %get3A_9 = arith.constant 1 : index
    %get3A_10 = arith.constant 0 : index
    %get3A_11 = arith.constant 0 : index
    %get3A_12 = vector.load %arg1[%get3A_9, %get3A_10, %get3A_11] : memref<2x256x128xf32, #tpu.memory_space<vmem>>, vector<1x256x128xf32>
    %get3A_13 = vector.shape_cast %get3A_12 : vector<1x256x128xf32> to vector<256x128xf32>
    %add3A = arith.addf %get3A_8, %get3A_13 : vector<256x128xf32>
    %mul3A = arith.mulf %neg3A_3, %add3A : vector<256x128xf32>
    %swap3A = arith.constant 0 : index
    %swap3A_14 = arith.constant 0 : index
    %swap3A_15 = vector.load %arg3[%swap3A, %swap3A_14] : memref<256x128xf32, #tpu.memory_space<vmem>>, vector<256x128xf32>
    tpu.vector_store %arg3[%swap3A, %swap3A_14], %mul3A {strides = array<i32>} : memref<256x128xf32, #tpu.memory_space<vmem>>, vector<256x128xf32>,
    %mul3A_16 = arith.mulf %get3A_1, %mul3A : vector<256x128xf32>
    %swap3A_17 = arith.constant 0 : index
    %swap3A_18 = arith.constant 0 : index
    %swap3A_19 = vector.load %arg4[%swap3A_17, %swap3A_18] : memref<256x128xf32, #tpu.memory_space<vmem>>, vector<256x128xf32>
    tpu.vector_store %arg4[%swap3A_17, %swap3A_18], %mul3A_16 {strides = array<i32>} : memref<256x128xf32, #tpu.memory_space<vmem>>, vector<256x128xf32>,
    return
  }
  func.func @transform_0(%arg0: i32) -> (i32, i32, i32) {
    %c0_i32 = arith.constant 0 : i32
    %c0_i32_0 = arith.constant 0 : i32
    %c0_i32_1 = arith.constant 0 : i32
    return %c0_i32, %arg0, %c0_i32_0 : i32, i32, i32
  }
  func.func @transform_1(%arg0: i32) -> (i32, i32) {
    %c0_i32 = arith.constant 0 : i32
    %c0_i32_0 = arith.constant 0 : i32
    return %arg0, %c0_i32 : i32, i32
  }
  func.func @transform_2(%arg0: i32) -> (i32, i32) {
    %c0_i32 = arith.constant 0 : i32
    %c0_i32_0 = arith.constant 0 : i32
    return %arg0, %c0_i32 : i32, i32
  }
  func.func @transform_3(%arg0: i32) -> (i32, i32) {
    %c0_i32 = arith.constant 0 : i32
    %c0_i32_0 = arith.constant 0 : i32
    return %arg0, %c0_i32 : i32, i32
  }
}

module attributes {stable_mosaic.version = 14 : i64} {
  func.func @body(%arg0: i32, %arg1: memref<2x256x128xf32, #tpu.memory_space<vmem>>, %arg2: memref<256x128xf32, #tpu.memory_space<vmem>>, %arg3: memref<256x64xf32, #tpu.memory_space<vmem>>, %arg4: memref<256x64xf32, #tpu.memory_space<vmem>>) attributes {dimension_semantics = [#tpu.dimension_semantics<arbitrary>], iteration_bounds = array<i64: 40>, scalar_prefetch = 0 : i64, scratch_operands = 0 : i64, tpu.core_type = #tpu.core_type<tc>, window_params = [{transform_indices = @transform_0, window_bounds = array<i64: 2, 256, 128>}, {transform_indices = @transform_1, window_bounds = array<i64: 256, 128>}, {transform_indices = @transform_2, window_bounds = array<i64: 256, 64>}, {transform_indices = @transform_3, window_bounds = array<i64: 256, 64>}]} {
    %get3A = arith.constant 0 : index
    %get3A_0 = arith.constant 0 : index
    %get3A_1 = vector.load %arg2[%get3A, %get3A_0] : memref<256x128xf32, #tpu.memory_space<vmem>>, vector<256x64xf32>
    %get3A_2 = arith.constant 0 : index
    %get3A_3 = arith.constant 0 : index
    %get3A_4 = arith.constant 0 : index
    %get3A_5 = vector.load %arg1[%get3A_2, %get3A_3, %get3A_4] : memref<2x256x128xf32, #tpu.memory_space<vmem>>, vector<1x256x64xf32>
    %get3A_6 = vector.shape_cast %get3A_5 : vector<1x256x64xf32> to vector<256x64xf32>
    %get3A_7 = arith.constant 1 : index
    %get3A_8 = arith.constant 0 : index
    %get3A_9 = arith.constant 0 : index
    %get3A_10 = vector.load %arg1[%get3A_7, %get3A_8, %get3A_9] : memref<2x256x128xf32, #tpu.memory_space<vmem>>, vector<1x256x64xf32>
    %get3A_11 = vector.shape_cast %get3A_10 : vector<1x256x64xf32> to vector<256x64xf32>
    %add3A = arith.addf %get3A_6, %get3A_11 : vector<256x64xf32>
    %get3A_12 = arith.constant 0 : index
    %get3A_13 = arith.constant 0 : index
    %get3A_14 = vector.load %arg3[%get3A_12, %get3A_13] : memref<256x64xf32, #tpu.memory_space<vmem>>, vector<256x64xf32>
    %mul3A = arith.constant 2.000000e+00 : f32
    %mul3A_15 = vector.broadcast %mul3A : f32 to vector<256x64xf32>
    %mul3A_16 = arith.mulf %mul3A_15, %get3A_1 : vector<256x64xf32>
    %mul3A_17 = arith.mulf %mul3A_16, %add3A : vector<256x64xf32>
    %sub3A = arith.subf %get3A_14, %mul3A_17 : vector<256x64xf32>
    %swap3A = arith.constant 0 : index
    %swap3A_18 = arith.constant 0 : index
    %swap3A_19 = vector.load %arg4[%swap3A, %swap3A_18] : memref<256x64xf32, #tpu.memory_space<vmem>>, vector<256x64xf32>
    tpu.vector_store %arg4[%swap3A, %swap3A_18], %sub3A {strides = array<i32>} : memref<256x64xf32, #tpu.memory_space<vmem>>, vector<256x64xf32>,
    return
  }
  func.func @transform_0(%arg0: i32) -> (i32, i32, i32) {
    %c0_i32 = arith.constant 0 : i32
    %c0_i32_0 = arith.constant 0 : i32
    %c0_i32_1 = arith.constant 0 : i32
    return %c0_i32, %arg0, %c0_i32_0 : i32, i32, i32
  }
  func.func @transform_1(%arg0: i32) -> (i32, i32) {
    %c0_i32 = arith.constant 0 : i32
    %c0_i32_0 = arith.constant 0 : i32
    return %arg0, %c0_i32 : i32, i32
  }
  func.func @transform_2(%arg0: i32) -> (i32, i32) {
    %c0_i32 = arith.constant 0 : i32
    %c0_i32_0 = arith.constant 0 : i32
    return %arg0, %c0_i32 : i32, i32
  }
  func.func @transform_3(%arg0: i32) -> (i32, i32) {
    %c0_i32 = arith.constant 0 : i32
    %c0_i32_0 = arith.constant 0 : i32
    return %arg0, %c0_i32 : i32, i32
  }
}

module attributes {stable_mosaic.version = 14 : i64} {
  func.func @body(%arg0: i32, %arg1: memref<2x256x128xf32, #tpu.memory_space<vmem>>, %arg2: memref<256x128xf32, #tpu.memory_space<vmem>>, %arg3: memref<256x64xf32, #tpu.memory_space<vmem>>, %arg4: memref<256x128xf32, #tpu.memory_space<vmem>>, %arg5: memref<256x64xf32, #tpu.memory_space<vmem>>) attributes {dimension_semantics = [#tpu.dimension_semantics<arbitrary>], iteration_bounds = array<i64: 40>, scalar_prefetch = 0 : i64, scratch_operands = 0 : i64, tpu.core_type = #tpu.core_type<tc>, window_params = [{transform_indices = @transform_0, window_bounds = array<i64: 2, 256, 128>}, {transform_indices = @transform_1, window_bounds = array<i64: 256, 128>}, {transform_indices = @transform_2, window_bounds = array<i64: 256, 64>}, {transform_indices = @transform_3, window_bounds = array<i64: 256, 128>}, {transform_indices = @transform_4, window_bounds = array<i64: 256, 64>}]} {
    %get3A = arith.constant 0 : index
    %get3A_0 = arith.constant 0 : index
    %get3A_1 = vector.load %arg2[%get3A, %get3A_0] : memref<256x128xf32, #tpu.memory_space<vmem>>, vector<256x128xf32>
    %neg3A = arith.constant 0.000000e+00 : f32
    %neg3A_2 = vector.broadcast %neg3A : f32 to vector<256x128xf32>
    %neg3A_3 = arith.subf %neg3A_2, %get3A_1 : vector<256x128xf32>
    %get3A_4 = arith.constant 0 : index
    %get3A_5 = arith.constant 0 : index
    %get3A_6 = arith.constant 0 : index
    %get3A_7 = vector.load %arg1[%get3A_4, %get3A_5, %get3A_6] : memref<2x256x128xf32, #tpu.memory_space<vmem>>, vector<1x256x128xf32>
    %get3A_8 = vector.shape_cast %get3A_7 : vector<1x256x128xf32> to vector<256x128xf32>
    %get3A_9 = arith.constant 1 : index
    %get3A_10 = arith.constant 0 : index
    %get3A_11 = arith.constant 0 : index
    %get3A_12 = vector.load %arg1[%get3A_9, %get3A_10, %get3A_11] : memref<2x256x128xf32, #tpu.memory_space<vmem>>, vector<1x256x128xf32>
    %get3A_13 = vector.shape_cast %get3A_12 : vector<1x256x128xf32> to vector<256x128xf32>
    %add3A = arith.addf %get3A_8, %get3A_13 : vector<256x128xf32>
    %mul3A = arith.mulf %neg3A_3, %add3A : vector<256x128xf32>
    %slice3A = vector.extract_strided_slice %get3A_1 {offsets = [0, 0], sizes = [256, 64], strides = [1, 1]} : vector<256x128xf32> to vector<256x64xf32>
    %slice3A_14 = vector.extract_strided_slice %mul3A {offsets = [0, 64], sizes = [256, 64], strides = [1, 1]} : vector<256x128xf32> to vector<256x64xf32>
    %mul3A_15 = arith.mulf %slice3A, %slice3A_14 : vector<256x64xf32>
    %broadcast_in_dim3A = arith.constant 0.000000e+00 : f32
    %broadcast_in_dim3A_16 = vector.broadcast %broadcast_in_dim3A : f32 to vector<256x64xf32>
    %concatenate3A = tpu.concatenate %mul3A_15, %broadcast_in_dim3A_16 in 1 : vector<256x64xf32>, vector<256x64xf32> -> vector<256x128xf32>
    %swap3A = arith.constant 0 : index
    %swap3A_17 = arith.constant 0 : index
    %swap3A_18 = vector.load %arg4[%swap3A, %swap3A_17] : memref<256x128xf32, #tpu.memory_space<vmem>>, vector<256x128xf32>
    tpu.vector_store %arg4[%swap3A, %swap3A_17], %concatenate3A {strides = array<i32>} : memref<256x128xf32, #tpu.memory_space<vmem>>, vector<256x128xf32>,
    %get3A_19 = arith.constant 0 : index
    %get3A_20 = arith.constant 0 : index
    %get3A_21 = vector.load %arg3[%get3A_19, %get3A_20] : memref<256x64xf32, #tpu.memory_space<vmem>>, vector<256x64xf32>
    %slice3A_22 = vector.extract_strided_slice %mul3A {offsets = [0, 0], sizes = [256, 64], strides = [1, 1]} : vector<256x128xf32> to vector<256x64xf32>
    %add3A_23 = arith.addf %get3A_21, %slice3A_22 : vector<256x64xf32>
    %swap3A_24 = arith.constant 0 : index
    %swap3A_25 = arith.constant 0 : index
    %swap3A_26 = vector.load %arg5[%swap3A_24, %swap3A_25] : memref<256x64xf32, #tpu.memory_space<vmem>>, vector<256x64xf32>
    tpu.vector_store %arg5[%swap3A_24, %swap3A_25], %add3A_23 {strides = array<i32>} : memref<256x64xf32, #tpu.memory_space<vmem>>, vector<256x64xf32>,
    return
  }
  func.func @transform_0(%arg0: i32) -> (i32, i32, i32) {
    %c0_i32 = arith.constant 0 : i32
    %c0_i32_0 = arith.constant 0 : i32
    %c0_i32_1 = arith.constant 0 : i32
    return %c0_i32, %arg0, %c0_i32_0 : i32, i32, i32
  }
  func.func @transform_1(%arg0: i32) -> (i32, i32) {
    %c0_i32 = arith.constant 0 : i32
    %c0_i32_0 = arith.constant 0 : i32
    return %arg0, %c0_i32 : i32, i32
  }
  func.func @transform_2(%arg0: i32) -> (i32, i32) {
    %c0_i32 = arith.constant 0 : i32
    %c0_i32_0 = arith.constant 0 : i32
    return %arg0, %c0_i32 : i32, i32
  }
  func.func @transform_3(%arg0: i32) -> (i32, i32) {
    %c0_i32 = arith.constant 0 : i32
    %c0_i32_0 = arith.constant 0 : i32
    return %arg0, %c0_i32 : i32, i32
  }
  func.func @transform_4(%arg0: i32) -> (i32, i32) {
    %c0_i32 = arith.constant 0 : i32
    %c0_i32_0 = arith.constant 0 : i32
    return %arg0, %c0_i32 : i32, i32
  }
}

module attributes {stable_mosaic.version = 14 : i64} {
  func.func @body(%arg0: i32, %arg1: memref<256x128xf32, #tpu.memory_space<vmem>>, %arg2: memref<256x128xf32, #tpu.memory_space<vmem>>, %arg3: memref<2x256x128xf32, #tpu.memory_space<vmem>>, %arg4: memref<256x128xf32, #tpu.memory_space<vmem>>, %arg5: memref<3x128x128xf32, #tpu.memory_space<vmem>>, %arg6: memref<1x128xf32, #tpu.memory_space<vmem>>, %arg7: memref<3x128x64xf32, #tpu.memory_space<vmem>>, %arg8: memref<1x64xf32, #tpu.memory_space<vmem>>, %arg9: memref<256x128xf32, #tpu.memory_space<vmem>>, %arg10: memref<256x64xf32, #tpu.memory_space<vmem>>) attributes {dimension_semantics = [#tpu.dimension_semantics<arbitrary>], iteration_bounds = array<i64: 40>, scalar_prefetch = 0 : i64, scratch_operands = 0 : i64, tpu.core_type = #tpu.core_type<tc>, window_params = [{transform_indices = @transform_0, window_bounds = array<i64: 256, 128>}, {transform_indices = @transform_1, window_bounds = array<i64: 256, 128>}, {transform_indices = @transform_2, window_bounds = array<i64: 2, 256, 128>}, {transform_indices = @transform_3, window_bounds = array<i64: 256, 128>}, {pipeline_mode = #tpu.pipeline_mode<synchronous>, transform_indices = @transform_4, window_bounds = array<i64: 3, 128, 128>}, {pipeline_mode = #tpu.pipeline_mode<synchronous>, transform_indices = @transform_5, window_bounds = array<i64: 1, 128>}, {pipeline_mode = #tpu.pipeline_mode<synchronous>, transform_indices = @transform_6, window_bounds = array<i64: 3, 128, 64>}, {pipeline_mode = #tpu.pipeline_mode<synchronous>, transform_indices = @transform_7, window_bounds = array<i64: 1, 64>}, {transform_indices = @transform_8, window_bounds = array<i64: 256, 128>}, {transform_indices = @transform_9, window_bounds = array<i64: 256, 64>}]} {
    %get3A = arith.constant 0 : index
    %get3A_0 = arith.constant 0 : index
    %get3A_1 = vector.load %arg4[%get3A, %get3A_0] : memref<256x128xf32, #tpu.memory_space<vmem>>, vector<256x128xf32>
    %get3A_2 = arith.constant 0 : index
    %get3A_3 = arith.constant 0 : index
    %get3A_4 = vector.load %arg1[%get3A_2, %get3A_3] : memref<256x128xf32, #tpu.memory_space<vmem>>, vector<256x128xf32>
    %get3A_5 = arith.constant 0 : index
    %get3A_6 = arith.constant 0 : index
    %get3A_7 = vector.load %arg2[%get3A_5, %get3A_6] : memref<256x128xf32, #tpu.memory_space<vmem>>, vector<256x128xf32>
    %mul3A = arith.constant -2.000000e+00 : f32
    %mul3A_8 = vector.broadcast %mul3A : f32 to vector<256x128xf32>
    %mul3A_9 = arith.mulf %mul3A_8, %get3A_1 : vector<256x128xf32>
    %get3A_10 = arith.constant 0 : index
    %get3A_11 = arith.constant 0 : index
    %get3A_12 = arith.constant 0 : index
    %get3A_13 = vector.load %arg3[%get3A_10, %get3A_11, %get3A_12] : memref<2x256x128xf32, #tpu.memory_space<vmem>>, vector<1x256x128xf32>
    %get3A_14 = vector.shape_cast %get3A_13 : vector<1x256x128xf32> to vector<256x128xf32>
    %get3A_15 = arith.constant 1 : index
    %get3A_16 = arith.constant 0 : index
    %get3A_17 = arith.constant 0 : index
    %get3A_18 = vector.load %arg3[%get3A_15, %get3A_16, %get3A_17] : memref<2x256x128xf32, #tpu.memory_space<vmem>>, vector<1x256x128xf32>
    %get3A_19 = vector.shape_cast %get3A_18 : vector<1x256x128xf32> to vector<256x128xf32>
    %add3A = arith.addf %get3A_14, %get3A_19 : vector<256x128xf32>
    %mul3A_20 = arith.mulf %mul3A_9, %add3A : vector<256x128xf32>
    %sub3A = arith.subf %mul3A_20, %get3A_4 : vector<256x128xf32>
    %get3A_21 = arith.constant 0 : index
    %get3A_22 = arith.constant 0 : index
    %get3A_23 = arith.constant 0 : index
    %get3A_24 = vector.load %arg5[%get3A_21, %get3A_22, %get3A_23] : memref<3x128x128xf32, #tpu.memory_space<vmem>>, vector<1x128x128xf32>
    %get3A_25 = vector.shape_cast %get3A_24 : vector<1x128x128xf32> to vector<128x128xf32>
    %dot_general3A = arith.constant dense<0.000000e+00> : vector<256x128xf32>
    %dot_general3A_26 = tpu.matmul %get3A_4, %get3A_25, %dot_general3A {dimension_numbers = #tpu.dot_dimension_numbers<[1], [0], [0], [1], [0, 0, 1, 1], [], []>, transpose_lhs_hint = false} : vector<256x128xf32>, vector<128x128xf32>, vector<256x128xf32> -> vector<256x128xf32>
    %get3A_27 = arith.constant 1 : index
    %get3A_28 = arith.constant 0 : index
    %get3A_29 = arith.constant 0 : index
    %get3A_30 = vector.load %arg5[%get3A_27, %get3A_28, %get3A_29] : memref<3x128x128xf32, #tpu.memory_space<vmem>>, vector<1x128x128xf32>
    %get3A_31 = vector.shape_cast %get3A_30 : vector<1x128x128xf32> to vector<128x128xf32>
    %dot_general3A_32 = arith.constant dense<0.000000e+00> : vector<256x128xf32>
    %dot_general3A_33 = tpu.matmul %get3A_7, %get3A_31, %dot_general3A_32 {dimension_numbers = #tpu.dot_dimension_numbers<[1], [0], [0], [1], [0, 0, 1, 1], [], []>, transpose_lhs_hint = false} : vector<256x128xf32>, vector<128x128xf32>, vector<256x128xf32> -> vector<256x128xf32>
    %add3A_34 = arith.addf %dot_general3A_26, %dot_general3A_33 : vector<256x128xf32>
    %get3A_35 = arith.constant 2 : index
    %get3A_36 = arith.constant 0 : index
    %get3A_37 = arith.constant 0 : index
    %get3A_38 = vector.load %arg5[%get3A_35, %get3A_36, %get3A_37] : memref<3x128x128xf32, #tpu.memory_space<vmem>>, vector<1x128x128xf32>
    %get3A_39 = vector.shape_cast %get3A_38 : vector<1x128x128xf32> to vector<128x128xf32>
    %dot_general3A_40 = arith.constant dense<0.000000e+00> : vector<256x128xf32>
    %dot_general3A_41 = tpu.matmul %sub3A, %get3A_39, %dot_general3A_40 {dimension_numbers = #tpu.dot_dimension_numbers<[1], [0], [0], [1], [0, 0, 1, 1], [], []>, transpose_lhs_hint = false} : vector<256x128xf32>, vector<128x128xf32>, vector<256x128xf32> -> vector<256x128xf32>
    %add3A_42 = arith.addf %add3A_34, %dot_general3A_41 : vector<256x128xf32>
    %get3A_43 = arith.constant 0 : index
    %get3A_44 = arith.constant 0 : index
    %get3A_45 = vector.load %arg6[%get3A_43, %get3A_44] : memref<1x128xf32, #tpu.memory_space<vmem>>, vector<1x128xf32>
    %add3A_46 = vector.broadcast %get3A_45 : vector<1x128xf32> to vector<256x128xf32>
    %add3A_47 = arith.addf %add3A_42, %add3A_46 : vector<256x128xf32>
    %max3A = arith.constant 0.000000e+00 : f32
    %max3A_48 = vector.broadcast %max3A : f32 to vector<256x128xf32>
    %max3A_49 = arith.maximumf %add3A_47, %max3A_48 : vector<256x128xf32>
    %get3A_50 = arith.constant 0 : index
    %get3A_51 = arith.constant 0 : index
    %get3A_52 = arith.constant 0 : index
    %get3A_53 = vector.load %arg7[%get3A_50, %get3A_51, %get3A_52] : memref<3x128x64xf32, #tpu.memory_space<vmem>>, vector<1x128x64xf32>
    %get3A_54 = vector.shape_cast %get3A_53 : vector<1x128x64xf32> to vector<128x64xf32>
    %dot_general3A_55 = arith.constant dense<0.000000e+00> : vector<256x64xf32>
    %dot_general3A_56 = tpu.matmul %max3A_49, %get3A_54, %dot_general3A_55 {dimension_numbers = #tpu.dot_dimension_numbers<[1], [0], [0], [1], [0, 0, 1, 1], [], []>, transpose_lhs_hint = false} : vector<256x128xf32>, vector<128x64xf32>, vector<256x64xf32> -> vector<256x64xf32>
    %get3A_57 = arith.constant 1 : index
    %get3A_58 = arith.constant 0 : index
    %get3A_59 = arith.constant 0 : index
    %get3A_60 = vector.load %arg7[%get3A_57, %get3A_58, %get3A_59] : memref<3x128x64xf32, #tpu.memory_space<vmem>>, vector<1x128x64xf32>
    %get3A_61 = vector.shape_cast %get3A_60 : vector<1x128x64xf32> to vector<128x64xf32>
    %dot_general3A_62 = arith.constant dense<0.000000e+00> : vector<256x64xf32>
    %dot_general3A_63 = tpu.matmul %max3A_49, %get3A_61, %dot_general3A_62 {dimension_numbers = #tpu.dot_dimension_numbers<[1], [0], [0], [1], [0, 0, 1, 1], [], []>, transpose_lhs_hint = false} : vector<256x128xf32>, vector<128x64xf32>, vector<256x64xf32> -> vector<256x64xf32>
    %get3A_64 = arith.constant 2 : index
    %get3A_65 = arith.constant 0 : index
    %get3A_66 = arith.constant 0 : index
    %get3A_67 = vector.load %arg7[%get3A_64, %get3A_65, %get3A_66] : memref<3x128x64xf32, #tpu.memory_space<vmem>>, vector<1x128x64xf32>
    %get3A_68 = vector.shape_cast %get3A_67 : vector<1x128x64xf32> to vector<128x64xf32>
    %dot_general3A_69 = arith.constant dense<0.000000e+00> : vector<256x64xf32>
    %dot_general3A_70 = tpu.matmul %max3A_49, %get3A_68, %dot_general3A_69 {dimension_numbers = #tpu.dot_dimension_numbers<[1], [0], [0], [1], [0, 0, 1, 1], [], []>, transpose_lhs_hint = false} : vector<256x128xf32>, vector<128x64xf32>, vector<256x64xf32> -> vector<256x64xf32>
    %concatenate3A = tpu.concatenate %dot_general3A_63, %dot_general3A_70 in 1 : vector<256x64xf32>, vector<256x64xf32> -> vector<256x128xf32>
    %mul3A_71 = arith.mulf %get3A_1, %concatenate3A : vector<256x128xf32>
    %swap3A = arith.constant 0 : index
    %swap3A_72 = arith.constant 0 : index
    %swap3A_73 = vector.load %arg9[%swap3A, %swap3A_72] : memref<256x128xf32, #tpu.memory_space<vmem>>, vector<256x128xf32>
    tpu.vector_store %arg9[%swap3A, %swap3A_72], %mul3A_71 {strides = array<i32>} : memref<256x128xf32, #tpu.memory_space<vmem>>, vector<256x128xf32>,
    %sub3A_74 = arith.subf %dot_general3A_56, %dot_general3A_70 : vector<256x64xf32>
    %get3A_75 = arith.constant 0 : index
    %get3A_76 = arith.constant 0 : index
    %get3A_77 = vector.load %arg8[%get3A_75, %get3A_76] : memref<1x64xf32, #tpu.memory_space<vmem>>, vector<1x64xf32>
    %add3A_78 = vector.broadcast %get3A_77 : vector<1x64xf32> to vector<256x64xf32>
    %add3A_79 = arith.addf %sub3A_74, %add3A_78 : vector<256x64xf32>
    %swap3A_80 = arith.constant 0 : index
    %swap3A_81 = arith.constant 0 : index
    %swap3A_82 = vector.load %arg10[%swap3A_80, %swap3A_81] : memref<256x64xf32, #tpu.memory_space<vmem>>, vector<256x64xf32>
    tpu.vector_store %arg10[%swap3A_80, %swap3A_81], %add3A_79 {strides = array<i32>} : memref<256x64xf32, #tpu.memory_space<vmem>>, vector<256x64xf32>,
    return
  }
  func.func @transform_0(%arg0: i32) -> (i32, i32) {
    %c0_i32 = arith.constant 0 : i32
    %c0_i32_0 = arith.constant 0 : i32
    return %arg0, %c0_i32 : i32, i32
  }
  func.func @transform_1(%arg0: i32) -> (i32, i32) {
    %c0_i32 = arith.constant 0 : i32
    %c0_i32_0 = arith.constant 0 : i32
    return %arg0, %c0_i32 : i32, i32
  }
  func.func @transform_2(%arg0: i32) -> (i32, i32, i32) {
    %c0_i32 = arith.constant 0 : i32
    %c0_i32_0 = arith.constant 0 : i32
    %c0_i32_1 = arith.constant 0 : i32
    return %c0_i32, %arg0, %c0_i32_0 : i32, i32, i32
  }
  func.func @transform_3(%arg0: i32) -> (i32, i32) {
    %c0_i32 = arith.constant 0 : i32
    %c0_i32_0 = arith.constant 0 : i32
    return %arg0, %c0_i32 : i32, i32
  }
  func.func @transform_4(%arg0: i32) -> (i32, i32, i32) {
    %c0_i32 = arith.constant 0 : i32
    %c0_i32_0 = arith.constant 0 : i32
    %c0_i32_1 = arith.constant 0 : i32
    %c0_i32_2 = arith.constant 0 : i32
    return %c0_i32, %c0_i32_0, %c0_i32_1 : i32, i32, i32
  }
  func.func @transform_5(%arg0: i32) -> (i32, i32) {
    %c0_i32 = arith.constant 0 : i32
    %c0_i32_0 = arith.constant 0 : i32
    %c0_i32_1 = arith.constant 0 : i32
    return %c0_i32, %c0_i32_0 : i32, i32
  }
  func.func @transform_6(%arg0: i32) -> (i32, i32, i32) {
    %c0_i32 = arith.constant 0 : i32
    %c0_i32_0 = arith.constant 0 : i32
    %c0_i32_1 = arith.constant 0 : i32
    %c0_i32_2 = arith.constant 0 : i32
    return %c0_i32, %c0_i32_0, %c0_i32_1 : i32, i32, i32
  }
  func.func @transform_7(%arg0: i32) -> (i32, i32) {
    %c0_i32 = arith.constant 0 : i32
    %c0_i32_0 = arith.constant 0 : i32
    %c0_i32_1 = arith.constant 0 : i32
    return %c0_i32, %c0_i32_0 : i32, i32
  }
  func.func @transform_8(%arg0: i32) -> (i32, i32) {
    %c0_i32 = arith.constant 0 : i32
    %c0_i32_0 = arith.constant 0 : i32
    return %arg0, %c0_i32 : i32, i32
  }
  func.func @transform_9(%arg0: i32) -> (i32, i32) {
    %c0_i32 = arith.constant 0 : i32
    %c0_i32_0 = arith.constant 0 : i32
    return %arg0, %c0_i32 : i32, i32
  }
}

</mosaic_0001>

<sc_bundles>
// kernel: kernel.12.cloned.1.call-start
scs
__scs_entry_jumppad:
0x0: {  	(pc) =	sbr.rel $0x88, $3  }
0x1: {  	(tag) =	ssettag $0x0;
	lr =	simm.s32 $0x1  }
0x2: {  	[smem:$0x3F9B] =	sst lr;
	_ =	strace $0xD0000000  }
0x3: {  	_ = 	snop  }
0x4: {  	_ = 	snop  }
0x5: {  	_ = 	snop  }
0x6: {  	_ = 	snop  }
0x7: {  	_ = 	snop  }
__scs_overlays_trampoline_lowered:
0x8: {  	[smem:$0x3FAA] =	sst s0  }
0x9: {  	[smem:$0x3FAB] =	sst s1  }
0xa: {  	[smem:$0x3FAC] =	sst s2  }
0xb: {  	[smem:$0x3FAD] =	sst s3  }
0xc: {  	[smem:$0x3FAE] =	sst s4  }
0xd: {  	[smem:$0x3FAF] =	sst s5  }
0xe: {  	[smem:$0x3FB0] =	sst s6  }
0xf: {  	[smem:$0x3FB1] =	sst s7  }
0x10: {  	[smem:$0x3FB2] =	sst s8  }
0x11: {  	[smem:$0x3FB3] =	sst s9;
	s0 =	simm.s32 @!p0 $0x0  }
0x12: {  	s1 =	sld [smem:$0x3F99];
	s0 =	simm.s32 @p0 $0x1  }
0x13: {  	[smem:$0x3FB4] =	sst s0;
	s0 =	simm.s32 @!p1 $0x0  }
0x14: {  	s2 =	sld [smem:$0x3F98];
	s0 =	simm.s32 @p1 $0x1  }
0x15: {  	[smem:$0x3FB5] =	sst s0;
	s0 =	simm.s32 @!p2 $0x0  }
0x16: {  	s3 =	sld [smem:$0x3FDB];
	s0 =	simm.s32 @p2 $0x1  }
0x17: {  	s4 =	simm.s32 $0x1BF5;
	[smem:$0x3FB7] =	sst s0  }
0x18: {  	s0 =	sld [smem:$0x3F9A];
	_ =	swait.ge [sflag:s4], $0x0  }
0x19: {  	s7 =	sld [smem:$0x3F9B]  }
0x1a: {  	s8 =	sadd.s32 $0xFFFFE003, lr  }
0x1b: {  	s9 =	sadd.s32 $0xFFFFFEF7, lr;
	s5 =	simm.s32 $0xFFFFFFFF;
	p2 =	slt.u32 s8, $0xFFFFF086  }
0x1c: {  	p1 =	slt.u32 s9, $0xF7A;
	s5 =	simm.s32 @!p2 $0x0  }
0x1d: {  	s5 =	simm.s32 @p1 $0x1;
	p0 =	seq.s32 s7, s2  }
0x1e: {  	s7 =	smul.u32 @!p0 $0xF7A, s2;
	p2 =	seq.s32 @!p0 s5, $0x0  }
0x1f: {  	s9 =	smul.u32 $0xF7A, s1;
	s8 =	simm.s32 @!p0 $0x1BF5;
	p2 =	por !p2, p0  }
0x20: {  	[sflag:s8] =	ssyncset.s32 @!p0 $0xFFFFF086;
	s6 =	sadd.s32 @!p0 s3, s7;
	s7 =	simm.s32 @!p0 $0x108  }
0x21: {  	s3 =	sadd.s32 s3, s9;
	s6 =	sadd.s32 @!p0 $0x88, s6;
	s7 =	simm.s32 @p2 $0x1082  }
0x22: {  	[simem:s7], [sflag:s8] =	dma.local @!p0 [hbm:s6], $0xF7A  }
0x23: {  	s9 =	sor.u32 $0xD0000000, s2;
	s6 =	simm.s32 $0x108;
	_ =	swait.ge @!p0 [sflag:s8], $0x0  }
0x24: {  	s3 =	sadd.s32 $0x88, s3;
	s6 =	simm.s32 @!p1 $0x1082;
	[sflag:s4] =	ssyncset.s32 $0xFFFFF086  }
0x25: {  	[simem:s6], [sflag:s4] =	dma.local [hbm:s3], $0xF7A  }
0x26: {  	[smem:$0x3F9B] =	sst s1;
	(tag) =	ssettag s2;
	_ =	strace s9  }
0x27: {  	s1 =	sld [smem:$0x3FAB]  }
0x28: {  	s2 =	sld [smem:$0x3FAC]  }
0x29: {  	s4 =	sld [smem:$0x3FAE]  }
0x2a: {  	p0 =	seq.s32 s5, $0x0;
	s5 =	sld [smem:$0x3FAF]  }
0x2b: {  	s6 =	sld [smem:$0x3FB0]  }
0x2c: {  	s7 =	sld [smem:$0x3FB1]  }
0x2d: {  	s3 =	simm.s32 $0x108;
	s8 =	sld [smem:$0x3FB2]  }
0x2e: {  	s3 =	simm.s32 @!p0 $0x1082;
	s9 =	sld [smem:$0x3FB3]  }
0x2f: {  	lr =	sadd.s32 s0, s3;
	s0 =	sld [smem:$0x3FAA]  }
0x30: {  	s3 =	sld [smem:$0x3FAD]  }
0x31: {  	[smem:$0x3FB6] =	sst s10  }
0x32: {  	s10 =	sld [smem:$0x3FB4];
	_ =	sdelay $0x3  }
0x33: {  	p0 =	seq.s32 s10, $0x1;
	s10 =	sld [smem:$0x3FB6];
	_ =	sdelay $0x3  }
0x34: {  	[smem:$0x3FB6] =	sst s10  }
0x35: {  	s10 =	sld [smem:$0x3FB5];
	_ =	sdelay $0x3  }
0x36: {  	p1 =	seq.s32 s10, $0x1;
	s10 =	sld [smem:$0x3FB6];
	_ =	sdelay $0x3  }
0x37: {  	[smem:$0x3FB6] =	sst s10  }
0x38: {  	s10 =	sld [smem:$0x3FB7]  }
0x39: {  	_ = 	snop;
	(pc) =	sbr.ind lr, $3  }
0x3a: {  	_ = 	snop  }
0x3b: {  	_ = 	snop  }
0x3c: {  	p2 =	seq.s32 s10, $0x1;
	s10 =	sld [smem:$0x3FB6]  }
0x3d: {  	_ =	shalt  }
0x3e: {  	_ =	shalt  }
0x3f: {  	_ =	shalt  }
0x40: {  	_ =	shalt  }
0x41: {  	_ =	shalt  }
0x42: {  	_ =	shalt  }
0x43: {  	_ =	shalt  }
0x44: {  	_ =	shalt  }
0x45: {  	_ =	shalt  }
0x46: {  	_ =	shalt  }
0x47: {  	_ =	shalt  }
0x48: {  	_ =	shalt  }
0x49: {  	_ =	shalt  }
0x4a: {  	_ =	shalt  }
0x4b: {  	_ =	shalt  }
0x4c: {  	_ =	shalt  }
0x4d: {  	_ =	shalt  }
0x4e: {  	_ =	shalt  }
0x4f: {  	_ =	shalt  }
0x50: {  	_ =	shalt  }
0x51: {  	_ =	shalt  }
0x52: {  	_ =	shalt  }
0x53: {  	_ =	shalt  }
0x54: {  	_ =	shalt  }
0x55: {  	_ =	shalt  }
0x56: {  	_ =	shalt  }
0x57: {  	_ =	shalt  }
0x58: {  	_ =	shalt  }
0x59: {  	_ =	shalt  }
0x5a: {  	_ =	shalt  }
0x5b: {  	_ =	shalt  }
0x5c: {  	_ =	shalt  }
0x5d: {  	_ =	shalt  }
0x5e: {  	_ =	shalt  }
0x5f: {  	_ =	shalt  }
0x60: {  	_ =	shalt  }
0x61: {  	_ =	shalt  }
0x62: {  	_ =	shalt  }
0x63: {  	_ =	shalt  }
0x64: {  	_ =	shalt  }
0x65: {  	_ =	shalt  }
0x66: {  	_ =	shalt  }
0x67: {  	_ =	shalt  }
0x68: {  	_ =	shalt  }
0x69: {  	_ =	shalt  }
0x6a: {  	_ =	shalt  }
0x6b: {  	_ =	shalt  }
0x6c: {  	_ =	shalt  }
0x6d: {  	_ =	shalt  }
0x6e: {  	_ =	shalt  }
0x6f: {  	_ =	shalt  }
0x70: {  	_ =	shalt  }
0x71: {  	_ =	shalt  }
0x72: {  	_ =	shalt  }
0x73: {  	_ =	shalt  }
0x74: {  	_ =	shalt  }
0x75: {  	_ =	shalt  }
0x76: {  	_ =	shalt  }
0x77: {  	_ =	shalt  }
0x78: {  	_ =	shalt  }
0x79: {  	_ =	shalt  }
0x7a: {  	_ =	shalt  }
0x7b: {  	_ =	shalt  }
0x7c: {  	_ =	shalt  }
0x7d: {  	_ =	shalt  }
0x7e: {  	_ =	shalt  }
0x7f: {  	_ =	shalt  }
0x80: {  	_ =	shalt  }
0x81: {  	_ =	shalt  }
0x82: {  	_ =	shalt  }
0x83: {  	_ =	shalt  }
0x84: {  	_ =	shalt  }
0x85: {  	_ =	shalt  }
0x86: {  	_ =	shalt  }
0x87: {  	_ =	shalt  }
.Lfunc_end0:
.L_simem_size_0:
called_computation_lowered:
.L_overlay_start_0:
0x88: {  	s2 =	sld [smem:$0x3FD9]  }
0x89: {  	s3 =	sld [smem:$0x3FFE];
	_ =	sdelay $0x1  }
0x8a: {  	s1 =	srdreg.scid  }
0x8b: {  	s0 =	sand.u32 $0x1, s1  }
0x8c: {  	s17 =	sshll.u32 s0, $0xA;
	s2 =	sadd.s32 s3, s2  }
0x8d: {  	s2 =	sadd.s32 s2, s17  }
0x8e: {  	[smem:$0x3FC2] =	sst s2  }
0x8f: {  	_ = 	snop  }
0x90: {  	s2 =	sld [smem:$0x3FD0];
	(tm) =	ssettm $0x1  }
0x91: {  	s18 =	sld [smem:$0x3FFB];
	_ =	sdelay $0x3  }
0x92: {  	_ =	strace s18  }
0x93: {  	s3 =	sld [smem:$0x3FFC];
	_ =	sdelay $0x3  }
0x94: {  	_ =	strace s3  }
0x95: {  	s3 =	sld [smem:$0x3FFD];
	_ =	sdelay $0x3  }
0x96: {  	_ =	strace s3  }
0x97: {  	_ =	strace $0x8FFFFFFF  }
0x98: {  	s19 =	sld [smem:$0x3FDB];
	_ =	sdelay $0x1  }
0x99: {  	s4 =	simm.s32 $_scs_section_size  }
0x9a: {  	s5 =	simm.s32 $_size__tile_overlayer_lowered;
	s6 =	simm.s32 $_tile_overlayer_lowered  }
0x9b: {  	s22 =	simm.s32 $0x1BFF;
	s21 =	sshll.u32 s6, $0x1;
	s3 =	sadd.s32 s4, s19  }
0x9c: {  	s7 =	simm.s32 $0x0;
	s20 =	sshll.u32 s5, $0x1;
	s5 =	sadd.s32 s21, s3  }
0x9d: {  	[timem:s7], [sflag:s22] =	dma.local [hbm:s5], s20  }
0x9e: {  	_ =	swait.ge [sflag:s22], s20  }
0x9f: {  	s4 =	ssub.s32 $0x0, s20;
	[sflag:s22] =	ssyncset.done $0x0  }
0xa0: {  	[sflag:s22] =	ssyncadd.s32 s4;
	_ =	sdelay $0x1  }
0xa1: {  	s23 =	simm.s32 $0x1B8B  }
0xa2: {  	_ =	swait.ge [sflag:s23], $0x1  }
0xa3: {  	[sflag:s23] =	ssyncset.done $0x0  }
0xa4: {  	s25 =	simm.s32 $0x1B8E;
	s24 =	sld [smem:$0x3FFE];
	[sflag:s23] =	ssyncadd.s32 $0xFFFFFFFF  }
0xa5: {  	s26 =	simm.s32 $execute0_lowered;
	[smem:$0x3FD2] =	sst s25  }
0xa6: {  	s5 =	sshll.u32 s26, $0x1;
	_ =	strace $0x80000046;
	[dreg:$0x1] =	wrdreg $0xFFFFFFFF  }
0xa7: {  	s28 =	simm.s32 $_size_execute0_lowered;
	s3 =	sadd.s32 s3, s5;
	[dreg:$0x0] =	wrdreg $0x0  }
0xa8: {  	s5 =	sshll.u32 s28, $0x1;
	[dreg:$0x2] =	wrdreg s3  }
0xa9: {  	[dreg:$0x3] =	wrdreg s5  }
0xaa: {  	[dreg:$0x4] =	wrdreg $0xC0  }
0xab: {  	_ =	task [dreg:s7], $0x5FFFF  }
0xac: {  	[dreg:$0x1] =	wrdreg $0xFFFFFFFF  }
0xad: {  	[dreg:$0x0] =	wrdreg $0x60  }
0xae: {  	[dreg:$0x2] =	wrdreg s2  }
0xaf: {  	[dreg:$0x3] =	wrdreg s24  }
0xb0: {  	[dreg:$0x4] =	wrdreg $0x82000  }
0xb1: {  	[dreg:$0x5] =	wrdreg $0x9  }
0xb2: {  	_ =	task.clear_ibuf [dreg:s7], $0x6FFFF;
	_ =	strace $0x90000046  }
0xb3: {  	s29 =	simm.s32 $0x9;
	_ =	strace $0x80000048  }
0xb4: {  	_ =	swait.ge [sflag:s29], $0x1  }
0xb5: {  	[sflag:s29] =	ssyncadd.s32 $0xFFFFFFFF  }
0xb6: {  	_ =	strace $0x90000048  }
0xb7: {  	_ =	sfence  }
0xb8: {  	s30 =	sld [smem:$0x0];
	_ =	sdelay $0x2  }
0xb9: {  	s31 =	sshll.u32 s1, $0xD;
	s1 =	sshrl.u32 s1, $0x2  }
0xba: {  	s3 =	sand.u32 $0x4000, s31;
	s1 =	sadd.s32 s1, s30  }
0xbb: {  	s0 =	sor.u32 s3, s0;
	s1 =	sshll.u32 s1, $0x11  }
0xbc: {  	s0 =	sor.u32 s1, s0  }
0xbd: {  	s0 =	sadd.s32 $0x8F2B, s0  }
0xbe: {  	[sflag:s0] =	ssyncadd.remote.s32 $0x1  }
0xbf: {  	_ =	sfence.sel $0xFFFF  }
0xc0: {  	[dreg:$0x0] =	wrdreg $0xFFFFFFFF;
	(pc) =	sbr.abs _section_cstart, $3  }
0xc1: {  	[dreg:$0x1] =	wrdreg $0xFFFFFFFF  }
0xc2: {  	_ =	task.clear_ibuf [dreg:s7], $0x2FFFF;
	_ =	strace $0x9FFFFFFF  }
0xc3: {  	(tm) =	ssettm $0x7FFFFFFF  }
tec
execute0_lowered:
.L_overlay_start_1:
0x0: {  	(tag) =	ssettag $0x1  }
0x1: {  	s13 =	rddreg [dreg:$0x0]  }
0x2: {  	s4 =	rddreg [dreg:$0x1]  }
0x3: {  	s1 =	rddreg [dreg:$0x2];
	s2 =	srdreg.scid  }
0x4: {  	s0 =	rddreg [dreg:$0x3];
	s3 =	simm.s32 $0x0;
	s6 =	sand.u32 $0x1, s2  }
0x5: {  	s17 =	simm.s32 $0x80;
	s2 =	stileid.u32;
	s5 =	smul.u32 $0x140000, s6  }
0x6: {  	s18 =	simm.s32 $0x100;
	s19 =	simm.s32 $0x180;
	s7 =	smul.u32 $0x14000, s2  }
0x7: {  	s20 =	simm.s32 $0x200;
	s21 =	simm.s32 $0x0;
	s14 =	smul.u32 $0x9E0, s2  }
0x8: {  	[smem:$0x7FF] =	sst s3;
	s30 =	ssub.s32 $0x2, s6;
	s8 =	smul.u32 $0x50000, s2  }
0x9: {  	_ =	strace $0x80000047;
	s15 =	smul.u32 $0x4F0, s6;
	s9 =	sshrl.u32 s30, $0x1  }
0xa: {  	s5 =	sadd.s32 s7, s5;
	s11 =	sadd.s32 s14, s4;
	s7 =	ssub.s32 s30, s9  }
0xb: {  	s31 =	sshrl.u32 s8, $0x2;
	s14 =	sadd.s32 s14, s13;
	s5 =	sshrl.u32 s5, $0x3  }
0xc: {  	s6 =	smax.u32 s7, $0x1;
	s16 =	sadd.s32 s15, s11;
	s14 =	sadd.s32 s15, s14  }
0xd: {  	s15 =	simm.s32 $0x4200;
	s5 =	sadd.s32 s5, s4;
	s4 =	sadd.s32 s31, s1  }
0xe: {  	s11 =	sadd.s32 $0x67600, s16;
	s12 =	sadd.s32 $0x5D800, s16;
	s13 =	sadd.s32 $0x3A00, s16  }
0xf: {  	s16 =	simm.s32 $0x1;
	s5 =	sadd.s32 $0xD800, s5;
	s7 =	sadd.s32 $0x4000, s4  }
0x10: {  	v0 =	vimm.f32 $1.000000000e+00;
	v1 =	vimm.f32 $0.0e+00;
	s8 =	sadd.s32 $0x8000, s4;
	s9 =	sadd.s32 $0xC000, s4;
	s10 =	sadd.s32 $0x10000, s4  }
.LBB2_1:
0x11: {  	s22 =	simm.s32 $0x0;
	s23 =	simm.s32 $0x200  }
.LBB2_2:
0x12: {  	p0 =	sne.s32 s23, $0xFE00;
	[tilespmem:s22+$0x4270] =	vst v1  }
0x13: {  	[tilespmem:s22+$0x200] =	vst v0  }
0x14: {  	[tilespmem:s22+$0x4200] =	vst v1  }
0x15: {  	[tilespmem:s22+$0x210] =	vst v0  }
0x16: {  	[tilespmem:s22+$0x4210] =	vst v1  }
0x17: {  	[tilespmem:s22+$0x220] =	vst v0  }
0x18: {  	[tilespmem:s22+$0x4220] =	vst v1  }
0x19: {  	[tilespmem:s22+$0x230] =	vst v0  }
0x1a: {  	[tilespmem:s22+$0x4230] =	vst v1  }
0x1b: {  	[tilespmem:s22+$0x240] =	vst v0  }
0x1c: {  	[tilespmem:s22+$0x4240] =	vst v1  }
.Ltmp0:
0x1d: {  	[tilespmem:s22+$0x250] =	vst v0;
	(pc) =	sbr.rel @p0 .LBB2_2-.Ltmp0, $4  }
0x1e: {  	[tilespmem:s22+$0x4250] =	vst v1  }
0x1f: {  	[tilespmem:s22+$0x260] =	vst v0  }
0x20: {  	[tilespmem:s22+$0x4260] =	vst v1  }
0x21: {  	[tilespmem:s22+$0x270] =	vst v0;
	s22 =	sshra.s32 s23, $0x2;
	s23 =	sadd.s32 $0x200, s23  }
0x22: {  	[tilespmem:s22+$0x4270] =	vst v1  }
0x23: {  	[tilespmem:s22+$0x200] =	vst v0  }
0x24: {  	[tilespmem:s22+$0x4200] =	vst v1  }
0x25: {  	[tilespmem:s22+$0x210] =	vst v0  }
0x26: {  	[tilespmem:s22+$0x4210] =	vst v1  }
0x27: {  	[tilespmem:s22+$0x220] =	vst v0  }
0x28: {  	[tilespmem:s22+$0x4220] =	vst v1  }
0x29: {  	[tilespmem:s22+$0x230] =	vst v0  }
0x2a: {  	[tilespmem:s22+$0x4230] =	vst v1  }
0x2b: {  	[tilespmem:s22+$0x240] =	vst v0  }
0x2c: {  	[tilespmem:s22+$0x4240] =	vst v1  }
0x2d: {  	[tilespmem:s22+$0x250] =	vst v0  }
0x2e: {  	[tilespmem:s22+$0x4250] =	vst v1  }
0x2f: {  	[tilespmem:s22+$0x260] =	vst v0  }
0x30: {  	[tilespmem:s22+$0x4260] =	vst v1  }
0x31: {  	[tilespmem:s22+$0x270] =	vst v0  }
0x32: {  	[spmem:s4] =	stream.linear.scatter [tilespmem:s15], [sflag:$0x1], $0x4000, $0x38;
	[tilespmem:$0x1C200] =	vst v63  }
0x33: {  	_ =	swait.ge [sflag:s16], $0x4000  }
0x34: {  	[sflag:s16] =	ssyncset.done $0x0  }
0x35: {  	[sflag:s16] =	ssyncadd.s32 $0xFFFFC000  }
0x36: {  	[spmem:s7] =	stream.linear.scatter [tilespmem:s15], [sflag:$0x1], $0x4000, $0x38;
	[tilespmem:$0x1C200] =	vst v63  }
0x37: {  	_ =	swait.ge [sflag:s16], $0x4000  }
0x38: {  	[sflag:s16] =	ssyncset.done $0x0  }
0x39: {  	[sflag:s16] =	ssyncadd.s32 $0xFFFFC000  }
0x3a: {  	[spmem:s8] =	stream.linear.scatter [tilespmem:s15], [sflag:$0x1], $0x4000, $0x38;
	[tilespmem:$0x1C200] =	vst v63  }
0x3b: {  	_ =	swait.ge [sflag:s16], $0x4000  }
0x3c: {  	[sflag:s16] =	ssyncset.done $0x0  }
0x3d: {  	[sflag:s16] =	ssyncadd.s32 $0xFFFFC000  }
0x3e: {  	[spmem:s9] =	stream.linear.scatter [tilespmem:s15], [sflag:$0x1], $0x4000, $0x38;
	[tilespmem:$0x1C200] =	vst v63  }
0x3f: {  	_ =	swait.ge [sflag:s16], $0x4000  }
0x40: {  	[sflag:s16] =	ssyncset.done $0x0  }
0x41: {  	[sflag:s16] =	ssyncadd.s32 $0xFFFFC000  }
0x42: {  	[spmem:s10] =	stream.linear.scatter [tilespmem:s15], [sflag:$0x1], $0x4000, $0x38;
	[tilespmem:$0x1C200] =	vst v63  }
0x43: {  	_ =	swait.ge [sflag:s16], $0x4000  }
0x44: {  	[sflag:s16] =	ssyncset.done $0x0  }
0x45: {  	[sflag:s16] =	ssyncadd.s32 $0xFFFFC000  }
0x46: {  	s30 =	sadd.s32 $0x0, s14;
	[bflag:$0x0] =	sbarrier.arrive $0xFFFF  }
0x47: {  	[tilespmem:s3], [sflag:$0x1] =	stream.linear.gather [hbm4b:s30+s3], $0x80, $0x38;
	[tilespmem:$0x1C200] =	vst v63  }
0x48: {  	_ =	swait.ge [sflag:s16], $0x80  }
0x49: {  	[sflag:s16] =	ssyncset.done $0x0  }
0x4a: {  	s31 =	sadd.s32 $0x0, s13;
	[sflag:s16] =	ssyncadd.s32 $0xFFFFFF80  }
0x4b: {  	[tilespmem:s17], [sflag:$0x1] =	stream.linear.gather [hbm4b:s31+s3], $0x80, $0x38;
	[tilespmem:$0x1C200] =	vst v63  }
0x4c: {  	_ =	swait.ge [sflag:s16], $0x80  }
0x4d: {  	[sflag:s16] =	ssyncset.done $0x0  }
0x4e: {  	[sflag:s16] =	ssyncadd.s32 $0xFFFFFF80  }
0x4f: {  	v9 =	vld [tilespmem:$0xE0]  }
0x50: {  	v6 =	vld [tilespmem:$0xF0]  }
0x51: {  	v4 =	vld [tilespmem:$0x60]  }
0x52: {  	v3 =	vld [tilespmem:$0xB0]  }
0x53: {  	v2 =	vld [tilespmem:$0x50]  }
0x54: {  	v10 =	vld [tilespmem:$0x70]  }
0x55: {  	v8 =	vld [tilespmem:$0x20]  }
0x56: {  	v7 =	vld [tilespmem:$0xA0]  }
0x57: {  	s22 =	simm.s32 $0x0;
	s23 =	simm.s32 $0x10;
	v5 =	vld [tilespmem:$0x30]  }
.LBB2_4:
0x58: {  	p0 =	sne.s32 s23, $0x4E0;
	vm0 =	veq.s32 v4, v9;
	s24 =	smov.u32 s23;
	s23 =	sadd.s32 $0x10, s23  }
0x59: {  	v11 =	vld [tilespmem:$0x80];
	v4 =	vsel vm0, $0x2710, v4;
	v9 =	vsel vm0, $0x2710, v9;
	vm0 =	veq.s32 v10, v6  }
0x5a: {  	v12 =	vld [tilespmem:$0x0];
	[tilespmem:$0x1E0] =	vst v9;
	v9 =	vsel vm0, $0x2710, v10;
	v6 =	vsel vm0, $0x2710, v6  }
0x5b: {  	vm0 =	veq.s32 v8, v7;
	[tilespmem:$0x170] =	vst v9  }
0x5c: {  	v8 =	vsel vm0, $0x2710, v8;
	v7 =	vsel vm0, $0x2710, v7;
	vm0 =	veq.s32 v5, v3;
	[tilespmem:$0x1F0] =	vst v6  }
0x5d: {  	v6 =	vld [tilespmem:$0x90];
	[tilespmem:$0x120] =	vst v8;
	v5 =	vsel vm0, $0x2710, v5;
	v3 =	vsel vm0, $0x2710, v3  }
0x5e: {  	v8 =	vld [tilespmem:$0x10];
	[tilespmem:$0x1A0] =	vst v7  }
0x5f: {  	vm0 =	veq.s32 v12, v11;
	[tilespmem:$0x1B0] =	vst v3;
	v3 =	vld [tilespmem:$0xC0]  }
0x60: {  	v7 =	vsel vm0, $0x2710, v12;
	v9 =	vsel vm0, $0x2710, v11;
	[tilespmem:$0x130] =	vst v5;
	v5 =	vld [tilespmem:$0x40]  }
0x61: {  	[tilespmem:$0x160] =	vst v4  }
0x62: {  	[tilespmem:$0x180] =	vst v9;
	v4 =	vld [tilespmem:$0xD0]  }
0x63: {  	[tilespmem:$0x100] =	vst v7;
	vm0 =	veq.s32 v8, v6  }
0x64: {  	v7 =	vsel vm0, $0x2710, v8;
	v6 =	vsel vm0, $0x2710, v6  }
0x65: {  	[tilespmem:$0x190] =	vst v6;
	vm0 =	veq.s32 v5, v3  }
0x66: {  	[tilespmem:$0x110] =	vst v7;
	v5 =	vsel vm0, $0x2710, v5;
	v3 =	vsel vm0, $0x2710, v3  }
0x67: {  	[tilespmem:$0x140] =	vst v5;
	vm0 =	veq.s32 v2, v4  }
0x68: {  	[tilespmem:$0x1C0] =	vst v3;
	v2 =	vsel vm0, $0x2710, v2;
	v3 =	vsel vm0, $0x2710, v4  }
0x69: {  	s25 =	sadd.s32 s22, s12;
	[tilespmem:$0x1D0] =	vst v3  }
0x6a: {  	[tilespmem:$0x150] =	vst v2  }
0x6b: {  	[hbm4b:s25+s3] =	stream.linear.scatter [tilespmem:s18], [sflag:$0x1], $0x80, $0x38;
	[tilespmem:$0x1C200] =	vst v63  }
0x6c: {  	_ =	swait.ge [sflag:s16], $0x80  }
0x6d: {  	s25 =	sadd.s32 s22, s11;
	s22 =	smov.u32 s24;
	[sflag:s16] =	ssyncset.done $0x0  }
0x6e: {  	[sflag:s16] =	ssyncadd.s32 $0xFFFFFF80  }
0x6f: {  	[hbm4b:s25+s3] =	stream.linear.scatter [tilespmem:s19], [sflag:$0x1], $0x80, $0x38;
	[tilespmem:$0x1C200] =	vst v63  }
0x70: {  	_ =	swait.ge [sflag:s16], $0x80  }
0x71: {  	[sflag:s16] =	ssyncset.done $0x0  }
0x72: {  	[sflag:s16] =	ssyncadd.s32 $0xFFFFFF80  }
0x73: {  	[spmem:s1] =	stream.indirect.scatter.add.f32 [tilespmem:s20], [sflag:$0x1], $0x80, s18, s17, $0xb8;
	[tilespmem:$0x1C200] =	vst v63  }
0x74: {  	_ =	swait.ge [sflag:s16], $0x4000  }
0x75: {  	[sflag:s16] =	ssyncset.done $0x0  }
0x76: {  	s24 =	sadd.s32 s22, s14;
	[sflag:s16] =	ssyncadd.s32 $0xFFFFC000  }
0x77: {  	[tilespmem:s3], [sflag:$0x1] =	stream.linear.gather [hbm4b:s24+s3], $0x80, $0x38;
	[tilespmem:$0x1C200] =	vst v63  }
0x78: {  	_ =	swait.ge [sflag:s16], $0x80  }
0x79: {  	[sflag:s16] =	ssyncset.done $0x0  }
0x7a: {  	s24 =	sadd.s32 s22, s13;
	[sflag:s16] =	ssyncadd.s32 $0xFFFFFF80  }
0x7b: {  	[tilespmem:s17], [sflag:$0x1] =	stream.linear.gather [hbm4b:s24+s3], $0x80, $0x38;
	[tilespmem:$0x1C200] =	vst v63  }
0x7c: {  	_ =	swait.ge [sflag:s16], $0x80  }
0x7d: {  	[sflag:s16] =	ssyncset.done $0x0  }
0x7e: {  	[sflag:s16] =	ssyncadd.s32 $0xFFFFFF80  }
0x7f: {  	v9 =	vld [tilespmem:$0xE0]  }
0x80: {  	v6 =	vld [tilespmem:$0xF0]  }
0x81: {  	v4 =	vld [tilespmem:$0x60]  }
0x82: {  	v3 =	vld [tilespmem:$0xB0]  }
.Ltmp1:
0x83: {  	v2 =	vld [tilespmem:$0x50];
	(pc) =	sbr.rel @p0 .LBB2_4-.Ltmp1, $4  }
0x84: {  	v10 =	vld [tilespmem:$0x70]  }
0x85: {  	v8 =	vld [tilespmem:$0x20]  }
0x86: {  	v7 =	vld [tilespmem:$0xA0]  }
0x87: {  	v5 =	vld [tilespmem:$0x30]  }
0x88: {  	vm0 =	veq.s32 v4, v9  }
0x89: {  	v9 =	vsel vm0, $0x2710, v9  }
0x8a: {  	v11 =	vld [tilespmem:$0x80];
	vm1 =	veq.s32 v10, v6;
	v4 =	vsel vm0, $0x2710, v4;
	[tilespmem:$0x1E0] =	vst v9  }
0x8b: {  	v54 =	vld [tilespmem:$0x0];
	v53 =	vsel vm1, $0x2710, v10;
	[tilespmem:$0x160] =	vst v4  }
0x8c: {  	v55 =	vld [tilespmem:$0x90];
	v6 =	vsel vm1, $0x2710, v6;
	vm10 =	veq.s32 v8, v7;
	[tilespmem:$0x170] =	vst v53  }
0x8d: {  	v56 =	vld [tilespmem:$0x10];
	[tilespmem:$0x1F0] =	vst v6;
	v8 =	vsel vm10, $0x2710, v8  }
0x8e: {  	v57 =	vld [tilespmem:$0xC0];
	v7 =	vsel vm10, $0x2710, v7;
	vm11 =	veq.s32 v5, v3;
	[tilespmem:$0x120] =	vst v8  }
0x8f: {  	v59 =	vld [tilespmem:$0xD0];
	v3 =	vsel vm11, $0x2710, v3;
	[tilespmem:$0x1A0] =	vst v7  }
0x90: {  	v5 =	vsel vm11, $0x2710, v5;
	vm12 =	veq.s32 v54, v11;
	[tilespmem:$0x1B0] =	vst v3;
	v3 =	vld [tilespmem:$0x40]  }
0x91: {  	[tilespmem:$0x130] =	vst v5;
	v58 =	vsel vm12, $0x2710, v11  }
0x92: {  	vm13 =	veq.s32 v56, v55;
	v60 =	vsel vm12, $0x2710, v54;
	[tilespmem:$0x180] =	vst v58  }
0x93: {  	v61 =	vsel vm13, $0x2710, v55;
	[tilespmem:$0x100] =	vst v60  }
0x94: {  	vm15 =	veq.s32 v2, v59;
	v62 =	vsel vm13, $0x2710, v56;
	[tilespmem:$0x190] =	vst v61  }
0x95: {  	v2 =	vsel vm15, $0x2710, v2;
	[tilespmem:$0x110] =	vst v62;
	vm14 =	veq.s32 v3, v57  }
0x96: {  	[tilespmem:$0x150] =	vst v2;
	v3 =	vsel vm14, $0x2710, v3  }
0x97: {  	v63 =	vsel vm14, $0x2710, v57;
	[tilespmem:$0x140] =	vst v3  }
0x98: {  	[tilespmem:$0x1C0] =	vst v63;
	v3 =	vsel vm15, $0x2710, v59  }
0x99: {  	s23 =	sadd.s32 s22, s12;
	[tilespmem:$0x1D0] =	vst v3  }
0x9a: {  	[hbm4b:s23+s3] =	stream.linear.scatter [tilespmem:s18], [sflag:$0x1], $0x80, $0x38;
	[tilespmem:$0x1C200] =	vst v63  }
0x9b: {  	_ =	swait.ge [sflag:s16], $0x80  }
0x9c: {  	[sflag:s16] =	ssyncset.done $0x0  }
0x9d: {  	s29 =	sadd.s32 s22, s11;
	[sflag:s16] =	ssyncadd.s32 $0xFFFFFF80  }
0x9e: {  	[hbm4b:s29+s3] =	stream.linear.scatter [tilespmem:s19], [sflag:$0x1], $0x80, $0x38;
	[tilespmem:$0x1C200] =	vst v63  }
0x9f: {  	_ =	swait.ge [sflag:s16], $0x80  }
0xa0: {  	[sflag:s16] =	ssyncset.done $0x0  }
0xa1: {  	[sflag:s16] =	ssyncadd.s32 $0xFFFFFF80  }
0xa2: {  	[spmem:s1] =	stream.indirect.scatter.add.f32 [tilespmem:s20], [sflag:$0x1], $0x80, s18, s17, $0xb8;
	[tilespmem:$0x1C200] =	vst v63  }
0xa3: {  	_ =	swait.ge [sflag:s16], $0x4000  }
0xa4: {  	s30 =	sshll.u32 s2, $0x6;
	s21 =	sadd.s32 $0x1, s21;
	[sflag:s16] =	ssyncset.done $0x0  }
0xa5: {  	s31 =	sshrl.u32 s4, $0x3;
	p0 =	sne.s32 s21, s6;
	[sflag:s16] =	ssyncadd.s32 $0xFFFFC000  }
.Ltmp2:
0xa6: {  	s22 =	sor.u32 $0x1C01, s30;
	[bflag:$0x0] =	sbarrier.arrive $0xFFFF;
	(pc) =	sbr.rel @p0 .LBB2_1-.Ltmp2, $4  }
0xa7: {  	[hbm:s5], [sflag:s22] =	dma.local [spmem:s31], $0x2800  }
0xa8: {  	_ =	swait.ge [sflag:s16], $0x2800  }
0xa9: {  	[sflag:s16] =	ssyncset.done $0x0  }
0xaa: {  	[sflag:s16] =	ssyncadd.s32 $0xFFFFD800  }
0xab: {  	_ =	sfence.sel $0x180000  }
0xac: {  	[bflag:$0x0] =	sbarrier.arrive $0xFFFF  }
0xad: {  	p0 =	sne.s32 s2, $0x0;
	_ =	strace $0x90000047  }
0xae: {  	s0 =	sadd.s32 @!p0 $0x100000, s0;
	[bflag:$0x2] =	sbarrier.arrive $0xFFFF  }
0xaf: {  	[sflag:s0] =	ssyncadd.tile.s32 @!p0 $0x1;
	_ =	shalt  }
.Lfunc_end2:
_tile_overlayer_lowered:
.L_overlay_start_2:
0xb0: {  	(tag) =	ssettag $0x2  }
0xb1: {  	s0 =	rddreg [dreg:$0x0];
	s2 =	stileid.u32  }
0xb2: {  	s1 =	rddreg [dreg:$0x1];
	p0 =	sne.s32 s2, $0x0  }
0xb3: {  	s3 =	rddreg [dreg:$0x2];
	[bflag:$0x3] =	sbarrier.arrive $0xFFFF;
	s2 =	simm.s32 @!p0 $0x1C01  }
0xb4: {  	[timem:s3], [sflag:s2] =	dma.local @!p0 [hbm:s0], s1  }
0xb5: {  	s0 =	simm.s32 @!p0 $0x1  }
0xb6: {  	_ =	swait.ge @!p0 [sflag:s0], s1  }
0xb7: {  	s1 =	ssub.s32 @!p0 $0x0, s1;
	[sflag:s0] =	ssyncset.done @!p0 $0x0  }
0xb8: {  	[sflag:s0] =	ssyncadd.s32 @!p0 s1  }
0xb9: {  	[bflag:$0x3] =	sbarrier.arrive $0xFFFF  }
0xba: {  	_ =	shalt  }

// kernel: kernel.15.cloned.1.call-start
scs
__scs_entry_jumppad:
0x0: {  	(pc) =	sbr.rel $0x88, $3  }
0x1: {  	(tag) =	ssettag $0x0;
	lr =	simm.s32 $0x1  }
0x2: {  	[smem:$0x3F9B] =	sst lr;
	_ =	strace $0xD0000000  }
0x3: {  	_ = 	snop  }
0x4: {  	_ = 	snop  }
0x5: {  	_ = 	snop  }
0x6: {  	_ = 	snop  }
0x7: {  	_ = 	snop  }
__scs_overlays_trampoline_lowered:
0x8: {  	[smem:$0x3FAA] =	sst s0  }
0x9: {  	[smem:$0x3FAB] =	sst s1  }
0xa: {  	[smem:$0x3FAC] =	sst s2  }
0xb: {  	[smem:$0x3FAD] =	sst s3  }
0xc: {  	[smem:$0x3FAE] =	sst s4  }
0xd: {  	[smem:$0x3FAF] =	sst s5  }
0xe: {  	[smem:$0x3FB0] =	sst s6  }
0xf: {  	[smem:$0x3FB1] =	sst s7  }
0x10: {  	[smem:$0x3FB2] =	sst s8  }
0x11: {  	[smem:$0x3FB3] =	sst s9;
	s0 =	simm.s32 @!p0 $0x0  }
0x12: {  	s1 =	sld [smem:$0x3F99];
	s0 =	simm.s32 @p0 $0x1  }
0x13: {  	[smem:$0x3FB4] =	sst s0;
	s0 =	simm.s32 @!p1 $0x0  }
0x14: {  	s2 =	sld [smem:$0x3F98];
	s0 =	simm.s32 @p1 $0x1  }
0x15: {  	[smem:$0x3FB5] =	sst s0;
	s0 =	simm.s32 @!p2 $0x0  }
0x16: {  	s3 =	sld [smem:$0x3FDB];
	s0 =	simm.s32 @p2 $0x1  }
0x17: {  	s4 =	simm.s32 $0x1BF5;
	[smem:$0x3FB7] =	sst s0  }
0x18: {  	s0 =	sld [smem:$0x3F9A];
	_ =	swait.ge [sflag:s4], $0x0  }
0x19: {  	s7 =	sld [smem:$0x3F9B]  }
0x1a: {  	s8 =	sadd.s32 $0xFFFFE003, lr  }
0x1b: {  	s9 =	sadd.s32 $0xFFFFFEF7, lr;
	s5 =	simm.s32 $0xFFFFFFFF;
	p2 =	slt.u32 s8, $0xFFFFF086  }
0x1c: {  	p1 =	slt.u32 s9, $0xF7A;
	s5 =	simm.s32 @!p2 $0x0  }
0x1d: {  	s5 =	simm.s32 @p1 $0x1;
	p0 =	seq.s32 s7, s2  }
0x1e: {  	s7 =	smul.u32 @!p0 $0xF7A, s2;
	p2 =	seq.s32 @!p0 s5, $0x0  }
0x1f: {  	s9 =	smul.u32 $0xF7A, s1;
	s8 =	simm.s32 @!p0 $0x1BF5;
	p2 =	por !p2, p0  }
0x20: {  	[sflag:s8] =	ssyncset.s32 @!p0 $0xFFFFF086;
	s6 =	sadd.s32 @!p0 s3, s7;
	s7 =	simm.s32 @!p0 $0x108  }
0x21: {  	s3 =	sadd.s32 s3, s9;
	s6 =	sadd.s32 @!p0 $0x88, s6;
	s7 =	simm.s32 @p2 $0x1082  }
0x22: {  	[simem:s7], [sflag:s8] =	dma.local @!p0 [hbm:s6], $0xF7A  }
0x23: {  	s9 =	sor.u32 $0xD0000000, s2;
	s6 =	simm.s32 $0x108;
	_ =	swait.ge @!p0 [sflag:s8], $0x0  }
0x24: {  	s3 =	sadd.s32 $0x88, s3;
	s6 =	simm.s32 @!p1 $0x1082;
	[sflag:s4] =	ssyncset.s32 $0xFFFFF086  }
0x25: {  	[simem:s6], [sflag:s4] =	dma.local [hbm:s3], $0xF7A  }
0x26: {  	[smem:$0x3F9B] =	sst s1;
	(tag) =	ssettag s2;
	_ =	strace s9  }
0x27: {  	s1 =	sld [smem:$0x3FAB]  }
0x28: {  	s2 =	sld [smem:$0x3FAC]  }
0x29: {  	s4 =	sld [smem:$0x3FAE]  }
0x2a: {  	p0 =	seq.s32 s5, $0x0;
	s5 =	sld [smem:$0x3FAF]  }
0x2b: {  	s6 =	sld [smem:$0x3FB0]  }
0x2c: {  	s7 =	sld [smem:$0x3FB1]  }
0x2d: {  	s3 =	simm.s32 $0x108;
	s8 =	sld [smem:$0x3FB2]  }
0x2e: {  	s3 =	simm.s32 @!p0 $0x1082;
	s9 =	sld [smem:$0x3FB3]  }
0x2f: {  	lr =	sadd.s32 s0, s3;
	s0 =	sld [smem:$0x3FAA]  }
0x30: {  	s3 =	sld [smem:$0x3FAD]  }
0x31: {  	[smem:$0x3FB6] =	sst s10  }
0x32: {  	s10 =	sld [smem:$0x3FB4];
	_ =	sdelay $0x3  }
0x33: {  	p0 =	seq.s32 s10, $0x1;
	s10 =	sld [smem:$0x3FB6];
	_ =	sdelay $0x3  }
0x34: {  	[smem:$0x3FB6] =	sst s10  }
0x35: {  	s10 =	sld [smem:$0x3FB5];
	_ =	sdelay $0x3  }
0x36: {  	p1 =	seq.s32 s10, $0x1;
	s10 =	sld [smem:$0x3FB6];
	_ =	sdelay $0x3  }
0x37: {  	[smem:$0x3FB6] =	sst s10  }
0x38: {  	s10 =	sld [smem:$0x3FB7]  }
0x39: {  	_ = 	snop;
	(pc) =	sbr.ind lr, $3  }
0x3a: {  	_ = 	snop  }
0x3b: {  	_ = 	snop  }
0x3c: {  	p2 =	seq.s32 s10, $0x1;
	s10 =	sld [smem:$0x3FB6]  }
0x3d: {  	_ =	shalt  }
0x3e: {  	_ =	shalt  }
0x3f: {  	_ =	shalt  }
0x40: {  	_ =	shalt  }
0x41: {  	_ =	shalt  }
0x42: {  	_ =	shalt  }
0x43: {  	_ =	shalt  }
0x44: {  	_ =	shalt  }
0x45: {  	_ =	shalt  }
0x46: {  	_ =	shalt  }
0x47: {  	_ =	shalt  }
0x48: {  	_ =	shalt  }
0x49: {  	_ =	shalt  }
0x4a: {  	_ =	shalt  }
0x4b: {  	_ =	shalt  }
0x4c: {  	_ =	shalt  }
0x4d: {  	_ =	shalt  }
0x4e: {  	_ =	shalt  }
0x4f: {  	_ =	shalt  }
0x50: {  	_ =	shalt  }
0x51: {  	_ =	shalt  }
0x52: {  	_ =	shalt  }
0x53: {  	_ =	shalt  }
0x54: {  	_ =	shalt  }
0x55: {  	_ =	shalt  }
0x56: {  	_ =	shalt  }
0x57: {  	_ =	shalt  }
0x58: {  	_ =	shalt  }
0x59: {  	_ =	shalt  }
0x5a: {  	_ =	shalt  }
0x5b: {  	_ =	shalt  }
0x5c: {  	_ =	shalt  }
0x5d: {  	_ =	shalt  }
0x5e: {  	_ =	shalt  }
0x5f: {  	_ =	shalt  }
0x60: {  	_ =	shalt  }
0x61: {  	_ =	shalt  }
0x62: {  	_ =	shalt  }
0x63: {  	_ =	shalt  }
0x64: {  	_ =	shalt  }
0x65: {  	_ =	shalt  }
0x66: {  	_ =	shalt  }
0x67: {  	_ =	shalt  }
0x68: {  	_ =	shalt  }
0x69: {  	_ =	shalt  }
0x6a: {  	_ =	shalt  }
0x6b: {  	_ =	shalt  }
0x6c: {  	_ =	shalt  }
0x6d: {  	_ =	shalt  }
0x6e: {  	_ =	shalt  }
0x6f: {  	_ =	shalt  }
0x70: {  	_ =	shalt  }
0x71: {  	_ =	shalt  }
0x72: {  	_ =	shalt  }
0x73: {  	_ =	shalt  }
0x74: {  	_ =	shalt  }
0x75: {  	_ =	shalt  }
0x76: {  	_ =	shalt  }
0x77: {  	_ =	shalt  }
0x78: {  	_ =	shalt  }
0x79: {  	_ =	shalt  }
0x7a: {  	_ =	shalt  }
0x7b: {  	_ =	shalt  }
0x7c: {  	_ =	shalt  }
0x7d: {  	_ =	shalt  }
0x7e: {  	_ =	shalt  }
0x7f: {  	_ =	shalt  }
0x80: {  	_ =	shalt  }
0x81: {  	_ =	shalt  }
0x82: {  	_ =	shalt  }
0x83: {  	_ =	shalt  }
0x84: {  	_ =	shalt  }
0x85: {  	_ =	shalt  }
0x86: {  	_ =	shalt  }
0x87: {  	_ =	shalt  }
.Lfunc_end0:
.L_simem_size_0:
called_computation.1_lowered:
.L_overlay_start_0:
0x88: {  	s2 =	sld [smem:$0x3FD9]  }
0x89: {  	s3 =	sld [smem:$0x3FFE];
	_ =	sdelay $0x1  }
0x8a: {  	s1 =	srdreg.scid  }
0x8b: {  	s0 =	sand.u32 $0x1, s1  }
0x8c: {  	s16 =	sshll.u32 s0, $0xA;
	s2 =	sadd.s32 s3, s2  }
0x8d: {  	s2 =	sadd.s32 s2, s16  }
0x8e: {  	[smem:$0x3FC2] =	sst s2  }
0x8f: {  	_ = 	snop  }
0x90: {  	(tm) =	ssettm $0x1  }
0x91: {  	s17 =	sld [smem:$0x3FFB];
	_ =	sdelay $0x3  }
0x92: {  	_ =	strace s17  }
0x93: {  	s2 =	sld [smem:$0x3FFC];
	_ =	sdelay $0x3  }
0x94: {  	_ =	strace s2  }
0x95: {  	s2 =	sld [smem:$0x3FFD];
	_ =	sdelay $0x3  }
0x96: {  	_ =	strace s2  }
0x97: {  	_ =	strace $0x8FFFFFFF  }
0x98: {  	s18 =	sld [smem:$0x3FDB];
	_ =	sdelay $0x1  }
0x99: {  	s19 =	simm.s32 $_scs_section_size  }
0x9a: {  	s4 =	simm.s32 $_size__tile_overlayer_lowered;
	s5 =	simm.s32 $_tile_overlayer_lowered  }
0x9b: {  	s22 =	simm.s32 $0x1BFF;
	s21 =	sshll.u32 s5, $0x1;
	s2 =	sadd.s32 s19, s18  }
0x9c: {  	s6 =	simm.s32 $0x0;
	s20 =	sshll.u32 s4, $0x1;
	s4 =	sadd.s32 s21, s2  }
0x9d: {  	[timem:s6], [sflag:s22] =	dma.local [hbm:s4], s20  }
0x9e: {  	_ =	swait.ge [sflag:s22], s20  }
0x9f: {  	s3 =	ssub.s32 $0x0, s20;
	[sflag:s22] =	ssyncset.done $0x0  }
0xa0: {  	[sflag:s22] =	ssyncadd.s32 s3;
	_ =	sdelay $0x1  }
0xa1: {  	s23 =	simm.s32 $0x1B8B  }
0xa2: {  	_ =	swait.ge [sflag:s23], $0x1  }
0xa3: {  	[sflag:s23] =	ssyncset.done $0x0  }
0xa4: {  	s25 =	simm.s32 $0x1B8E;
	s24 =	sld [smem:$0x3FFE];
	[sflag:s23] =	ssyncadd.s32 $0xFFFFFFFF  }
0xa5: {  	s26 =	simm.s32 $execute0_lowered;
	[smem:$0x3FD2] =	sst s25  }
0xa6: {  	s4 =	sshll.u32 s26, $0x1;
	_ =	strace $0x80000049;
	[dreg:$0x1] =	wrdreg $0xFFFFFFFF  }
0xa7: {  	s28 =	simm.s32 $_size_execute0_lowered;
	s2 =	sadd.s32 s2, s4;
	[dreg:$0x0] =	wrdreg $0x0  }
0xa8: {  	s4 =	sshll.u32 s28, $0x1;
	[dreg:$0x2] =	wrdreg s2  }
0xa9: {  	[dreg:$0x3] =	wrdreg s4  }
0xaa: {  	[dreg:$0x4] =	wrdreg $0xC0  }
0xab: {  	_ =	task [dreg:s6], $0x5FFFF  }
0xac: {  	[dreg:$0x1] =	wrdreg $0xFFFFFFFF  }
0xad: {  	[dreg:$0x0] =	wrdreg $0x60  }
0xae: {  	[dreg:$0x2] =	wrdreg s24  }
0xaf: {  	[dreg:$0x3] =	wrdreg $0x81000  }
0xb0: {  	[dreg:$0x4] =	wrdreg $0x9  }
0xb1: {  	_ =	task.clear_ibuf [dreg:s6], $0x5FFFF;
	_ =	strace $0x90000049  }
0xb2: {  	s29 =	simm.s32 $0x9;
	_ =	strace $0x8000004B  }
0xb3: {  	_ =	swait.ge [sflag:s29], $0x1  }
0xb4: {  	[sflag:s29] =	ssyncadd.s32 $0xFFFFFFFF  }
0xb5: {  	_ =	strace $0x9000004B  }
0xb6: {  	_ =	sfence  }
0xb7: {  	s30 =	sld [smem:$0x0];
	_ =	sdelay $0x2  }
0xb8: {  	s31 =	sshll.u32 s1, $0xD;
	s1 =	sshrl.u32 s1, $0x2  }
0xb9: {  	s3 =	sand.u32 $0x4000, s31;
	s1 =	sadd.s32 s1, s30  }
0xba: {  	s0 =	sor.u32 s3, s0;
	s1 =	sshll.u32 s1, $0x11  }
0xbb: {  	s0 =	sor.u32 s1, s0  }
0xbc: {  	s0 =	sadd.s32 $0x8F2B, s0  }
0xbd: {  	[sflag:s0] =	ssyncadd.remote.s32 $0x1  }
0xbe: {  	_ =	sfence.sel $0xFFFF  }
0xbf: {  	[dreg:$0x0] =	wrdreg $0xFFFFFFFF;
	(pc) =	sbr.abs _section_cstart, $3  }
0xc0: {  	[dreg:$0x1] =	wrdreg $0xFFFFFFFF  }
0xc1: {  	_ =	task.clear_ibuf [dreg:s6], $0x2FFFF;
	_ =	strace $0x9FFFFFFF  }
0xc2: {  	(tm) =	ssettm $0x7FFFFFFF  }
0xc3: {  	_ =	shalt  }
tec
execute0_lowered:
.L_overlay_start_1:
0x0: {  	(tag) =	ssettag $0x1  }
0x1: {  	s5 =	rddreg [dreg:$0x0]  }
0x2: {  	s1 =	rddreg [dreg:$0x1];
	s2 =	srdreg.scid  }
0x3: {  	s0 =	rddreg [dreg:$0x2];
	s3 =	simm.s32 $0x0;
	s14 =	simm.s32 $0x4100  }
0x4: {  	s15 =	simm.s32 $0x2;
	s16 =	simm.s32 $0x80;
	s6 =	sand.u32 $0x1, s2  }
0x5: {  	s17 =	simm.s32 $0x100;
	s2 =	stileid.u32;
	s7 =	smul.u32 $0x140000, s6  }
0x6: {  	s18 =	simm.s32 $0x1;
	s21 =	simm.s32 $0x0;
	s8 =	smul.u32 $0x14000, s2  }
0x7: {  	[smem:$0x7FF] =	sst s3;
	s4 =	sadd.s32 $0x3A00, s5;
	s9 =	smul.u32 $0x9E0, s2  }
0x8: {  	_ =	strace $0x8000004A;
	s29 =	smul.u32 $0x50000, s2;
	s30 =	ssub.s32 $0x2, s6  }
0x9: {  	s12 =	smul.u32 $0x4F0, s6;
	s19 =	sshll.u32 s2, $0x6;
	s31 =	sshrl.u32 s30, $0x1  }
0xa: {  	s19 =	sor.u32 $0x1C02, s19;
	s7 =	sadd.s32 s8, s7;
	s11 =	sadd.s32 s9, s5  }
0xb: {  	s8 =	sshrl.u32 s29, $0x2;
	s9 =	ssub.s32 s30, s31;
	s7 =	sshrl.u32 s7, $0x3  }
0xc: {  	s13 =	sadd.s32 s12, s11;
	s7 =	sadd.s32 s7, s5;
	s5 =	sadd.s32 s8, s1  }
0xd: {  	s12 =	sadd.s32 $0x67600, s13;
	s13 =	sadd.s32 $0x5D800, s13;
	s6 =	sadd.s32 $0x71400, s7  }
0xe: {  	s7 =	smax.u32 s9, $0x1;
	s8 =	sadd.s32 $0x4000, s5;
	s9 =	sadd.s32 $0x8000, s5  }
0xf: {  	v0 =	vimm.f32 $0.0e+00;
	s10 =	sadd.s32 $0xC000, s5;
	s11 =	sadd.s32 $0x10000, s5;
	s20 =	sshrl.u32 s5, $0x3  }
.LBB2_1:
0x10: {  	s22 =	simm.s32 $0x0;
	s23 =	simm.s32 $0x200  }
.LBB2_2:
0x11: {  	p0 =	sne.s32 s23, $0xFE00;
	[tilespmem:s22+$0x4170] =	vst v0  }
0x12: {  	[tilespmem:s22+$0x4100] =	vst v0  }
0x13: {  	[tilespmem:s22+$0x4110] =	vst v0  }
.Ltmp0:
0x14: {  	[tilespmem:s22+$0x4120] =	vst v0;
	(pc) =	sbr.rel @p0 .LBB2_2-.Ltmp0, $4  }
0x15: {  	[tilespmem:s22+$0x4130] =	vst v0  }
0x16: {  	[tilespmem:s22+$0x4140] =	vst v0  }
0x17: {  	[tilespmem:s22+$0x4150] =	vst v0  }
0x18: {  	[tilespmem:s22+$0x4160] =	vst v0;
	s22 =	sshra.s32 s23, $0x2;
	s23 =	sadd.s32 $0x200, s23  }
0x19: {  	[tilespmem:s22+$0x4170] =	vst v0  }
0x1a: {  	[tilespmem:s22+$0x4100] =	vst v0  }
0x1b: {  	[tilespmem:s22+$0x4110] =	vst v0  }
0x1c: {  	[tilespmem:s22+$0x4120] =	vst v0  }
0x1d: {  	[tilespmem:s22+$0x4130] =	vst v0  }
0x1e: {  	[tilespmem:s22+$0x4140] =	vst v0  }
0x1f: {  	[tilespmem:s22+$0x4150] =	vst v0  }
0x20: {  	[tilespmem:s22+$0x4160] =	vst v0  }
0x21: {  	[spmem:s5] =	stream.linear.scatter [tilespmem:s14], [sflag:$0x2], $0x4000, $0x38;
	[tilespmem:$0x1C100] =	vst v63  }
0x22: {  	_ =	swait.ge [sflag:s15], $0x4000  }
0x23: {  	[sflag:s15] =	ssyncset.done $0x0  }
0x24: {  	[sflag:s15] =	ssyncadd.s32 $0xFFFFC000  }
0x25: {  	[spmem:s8] =	stream.linear.scatter [tilespmem:s14], [sflag:$0x2], $0x4000, $0x38;
	[tilespmem:$0x1C100] =	vst v63  }
0x26: {  	_ =	swait.ge [sflag:s15], $0x4000  }
0x27: {  	[sflag:s15] =	ssyncset.done $0x0  }
0x28: {  	[sflag:s15] =	ssyncadd.s32 $0xFFFFC000  }
0x29: {  	[spmem:s9] =	stream.linear.scatter [tilespmem:s14], [sflag:$0x2], $0x4000, $0x38;
	[tilespmem:$0x1C100] =	vst v63  }
0x2a: {  	_ =	swait.ge [sflag:s15], $0x4000  }
0x2b: {  	[sflag:s15] =	ssyncset.done $0x0  }
0x2c: {  	[sflag:s15] =	ssyncadd.s32 $0xFFFFC000  }
0x2d: {  	[spmem:s10] =	stream.linear.scatter [tilespmem:s14], [sflag:$0x2], $0x4000, $0x38;
	[tilespmem:$0x1C100] =	vst v63  }
0x2e: {  	_ =	swait.ge [sflag:s15], $0x4000  }
0x2f: {  	[sflag:s15] =	ssyncset.done $0x0  }
0x30: {  	[sflag:s15] =	ssyncadd.s32 $0xFFFFC000  }
0x31: {  	[spmem:s11] =	stream.linear.scatter [tilespmem:s14], [sflag:$0x2], $0x4000, $0x38;
	[tilespmem:$0x1C100] =	vst v63  }
0x32: {  	_ =	swait.ge [sflag:s15], $0x4000  }
0x33: {  	[sflag:s15] =	ssyncset.done $0x0  }
0x34: {  	[sflag:s15] =	ssyncadd.s32 $0xFFFFC000  }
0x35: {  	s30 =	sadd.s32 $0x0, s13;
	[bflag:$0x0] =	sbarrier.arrive $0xFFFF  }
0x36: {  	[tilespmem:s3], [sflag:$0x2] =	stream.linear.gather [hbm4b:s30+s3], $0x80, $0x38;
	[tilespmem:$0x1C100] =	vst v63  }
0x37: {  	_ =	swait.ge [sflag:s15], $0x80  }
0x38: {  	[sflag:s15] =	ssyncset.done $0x0  }
0x39: {  	s31 =	sadd.s32 $0x0, s12;
	[sflag:s15] =	ssyncadd.s32 $0xFFFFFF80  }
0x3a: {  	[tilespmem:s16], [sflag:$0x2] =	stream.linear.gather [hbm4b:s31+s3], $0x80, $0x38;
	[tilespmem:$0x1C100] =	vst v63  }
0x3b: {  	_ =	swait.ge [sflag:s15], $0x80  }
0x3c: {  	[sflag:s15] =	ssyncset.done $0x0  }
0x3d: {  	[sflag:s15] =	ssyncadd.s32 $0xFFFFFF80  }
0x3e: {  	[tilespmem:s17], [sflag:$0x1] =	stream.indirect.gather [hbm4b:s4+s16], $0x80, s3, s16, $0xb8;
	[tilespmem:$0x1C100] =	vst v63  }
0x3f: {  	_ =	swait.ge [sflag:s18], $0x4000  }
0x40: {  	[sflag:s18] =	ssyncset.done $0x0  }
0x41: {  	[sflag:s18] =	ssyncadd.s32 $0xFFFFC000  }
0x42: {  	[spmem:s1] =	stream.indirect.scatter.add.f32 [tilespmem:s17], [sflag:$0x2], $0x80, s16, s16, $0xb8;
	[tilespmem:$0x1C100] =	vst v63  }
0x43: {  	_ =	swait.ge [sflag:s15], $0x4000  }
0x44: {  	s22 =	simm.s32 $0x10;
	s23 =	simm.s32 $0x20;
	[sflag:s15] =	ssyncset.done $0x0  }
.LBB2_4:
0x45: {  	s24 =	sadd.s32 s22, s13  }
0x46: {  	[sflag:s15] =	ssyncadd.s32 $0xFFFFC000;
	s25 =	smov.u32 s23;
	s26 =	sadd.s32 $0x10, s23  }
0x47: {  	[tilespmem:s3], [sflag:$0x2] =	stream.linear.gather [hbm4b:s24+s3], $0x80, $0x38;
	[tilespmem:$0x1C100] =	vst v63  }
0x48: {  	p0 =	sne.s32 s23, $0x4E0;
	_ =	swait.ge [sflag:s15], $0x80  }
0x49: {  	[sflag:s15] =	ssyncset.done $0x0  }
0x4a: {  	s23 =	sadd.s32 s22, s12;
	s22 =	smov.u32 s25;
	[sflag:s15] =	ssyncadd.s32 $0xFFFFFF80  }
0x4b: {  	[tilespmem:s16], [sflag:$0x2] =	stream.linear.gather [hbm4b:s23+s3], $0x80, $0x38;
	[tilespmem:$0x1C100] =	vst v63  }
0x4c: {  	_ =	swait.ge [sflag:s15], $0x80  }
0x4d: {  	[sflag:s15] =	ssyncset.done $0x0  }
0x4e: {  	[sflag:s15] =	ssyncadd.s32 $0xFFFFFF80  }
0x4f: {  	[tilespmem:s17], [sflag:$0x1] =	stream.indirect.gather [hbm4b:s4+s16], $0x80, s3, s16, $0xb8;
	[tilespmem:$0x1C100] =	vst v63  }
0x50: {  	_ =	swait.ge [sflag:s18], $0x4000  }
.Ltmp1:
0x51: {  	[sflag:s18] =	ssyncset.done $0x0;
	(pc) =	sbr.rel @p0 .LBB2_4-.Ltmp1, $4  }
0x52: {  	[sflag:s18] =	ssyncadd.s32 $0xFFFFC000  }
0x53: {  	[spmem:s1] =	stream.indirect.scatter.add.f32 [tilespmem:s17], [sflag:$0x2], $0x80, s16, s16, $0xb8;
	[tilespmem:$0x1C100] =	vst v63  }
0x54: {  	_ =	swait.ge [sflag:s15], $0x4000  }
0x55: {  	s23 =	smov.u32 s26;
	[sflag:s15] =	ssyncset.done $0x0  }
0x56: {  	s23 =	sadd.s32 s22, s13;
	[sflag:s15] =	ssyncadd.s32 $0xFFFFC000  }
0x57: {  	[tilespmem:s3], [sflag:$0x2] =	stream.linear.gather [hbm4b:s23+s3], $0x80, $0x38;
	[tilespmem:$0x1C100] =	vst v63  }
0x58: {  	_ =	swait.ge [sflag:s15], $0x80  }
0x59: {  	[sflag:s15] =	ssyncset.done $0x0  }
0x5a: {  	s31 =	sadd.s32 s22, s12;
	[sflag:s15] =	ssyncadd.s32 $0xFFFFFF80  }
0x5b: {  	[tilespmem:s16], [sflag:$0x2] =	stream.linear.gather [hbm4b:s31+s3], $0x80, $0x38;
	[tilespmem:$0x1C100] =	vst v63  }
0x5c: {  	_ =	swait.ge [sflag:s15], $0x80  }
0x5d: {  	[sflag:s15] =	ssyncset.done $0x0  }
0x5e: {  	[sflag:s15] =	ssyncadd.s32 $0xFFFFFF80  }
0x5f: {  	[tilespmem:s17], [sflag:$0x1] =	stream.indirect.gather [hbm4b:s4+s16], $0x80, s3, s16, $0xb8;
	[tilespmem:$0x1C100] =	vst v63  }
0x60: {  	_ =	swait.ge [sflag:s18], $0x4000  }
0x61: {  	[sflag:s18] =	ssyncset.done $0x0  }
0x62: {  	[sflag:s18] =	ssyncadd.s32 $0xFFFFC000  }
0x63: {  	[spmem:s1] =	stream.indirect.scatter.add.f32 [tilespmem:s17], [sflag:$0x2], $0x80, s16, s16, $0xb8;
	[tilespmem:$0x1C100] =	vst v63  }
0x64: {  	_ =	swait.ge [sflag:s15], $0x4000  }
0x65: {  	s21 =	sadd.s32 $0x1, s21;
	[sflag:s15] =	ssyncset.done $0x0  }
0x66: {  	p0 =	sne.s32 s21, s7;
	[sflag:s15] =	ssyncadd.s32 $0xFFFFC000  }
.Ltmp2:
0x67: {  	[bflag:$0x0] =	sbarrier.arrive $0xFFFF;
	(pc) =	sbr.rel @p0 .LBB2_1-.Ltmp2, $4  }
0x68: {  	[hbm:s6], [sflag:s19] =	dma.local [spmem:s20], $0x2800  }
0x69: {  	_ =	swait.ge [sflag:s15], $0x2800  }
0x6a: {  	[sflag:s15] =	ssyncset.done $0x0  }
0x6b: {  	[sflag:s15] =	ssyncadd.s32 $0xFFFFD800  }
0x6c: {  	_ =	sfence.sel $0x180000  }
0x6d: {  	[bflag:$0x0] =	sbarrier.arrive $0xFFFF  }
0x6e: {  	p0 =	sne.s32 s2, $0x0;
	_ =	strace $0x9000004A  }
0x6f: {  	s0 =	sadd.s32 @!p0 $0x100000, s0;
	[bflag:$0x2] =	sbarrier.arrive $0xFFFF  }
0x70: {  	[sflag:s0] =	ssyncadd.tile.s32 @!p0 $0x1;
	_ =	shalt  }
.Lfunc_end2:
_tile_overlayer_lowered:
.L_overlay_start_2:
0x71: {  	(tag) =	ssettag $0x2  }
0x72: {  	s0 =	rddreg [dreg:$0x0];
	s2 =	stileid.u32  }
0x73: {  	s1 =	rddreg [dreg:$0x1];
	p0 =	sne.s32 s2, $0x0  }
0x74: {  	s3 =	rddreg [dreg:$0x2];
	[bflag:$0x3] =	sbarrier.arrive $0xFFFF;
	s2 =	simm.s32 @!p0 $0x1C02  }
0x75: {  	[timem:s3], [sflag:s2] =	dma.local @!p0 [hbm:s0], s1  }
0x76: {  	s0 =	simm.s32 @!p0 $0x2  }
0x77: {  	_ =	swait.ge @!p0 [sflag:s0], s1  }
0x78: {  	s1 =	ssub.s32 @!p0 $0x0, s1;
	[sflag:s0] =	ssyncset.done @!p0 $0x0  }
0x79: {  	[sflag:s0] =	ssyncadd.s32 @!p0 s1  }
0x7a: {  	[bflag:$0x3] =	sbarrier.arrive $0xFFFF  }
0x7b: {  	_ =	shalt  }

// kernel: kernel.18.cloned.1.call-start
scs
__scs_entry_jumppad:
0x0: {  	(pc) =	sbr.rel $0x88, $3  }
0x1: {  	(tag) =	ssettag $0x0;
	lr =	simm.s32 $0x1  }
0x2: {  	[smem:$0x3F9B] =	sst lr;
	_ =	strace $0xD0000000  }
0x3: {  	_ = 	snop  }
0x4: {  	_ = 	snop  }
0x5: {  	_ = 	snop  }
0x6: {  	_ = 	snop  }
0x7: {  	_ = 	snop  }
__scs_overlays_trampoline_lowered:
0x8: {  	[smem:$0x3FAA] =	sst s0  }
0x9: {  	[smem:$0x3FAB] =	sst s1  }
0xa: {  	[smem:$0x3FAC] =	sst s2  }
0xb: {  	[smem:$0x3FAD] =	sst s3  }
0xc: {  	[smem:$0x3FAE] =	sst s4  }
0xd: {  	[smem:$0x3FAF] =	sst s5  }
0xe: {  	[smem:$0x3FB0] =	sst s6  }
0xf: {  	[smem:$0x3FB1] =	sst s7  }
0x10: {  	[smem:$0x3FB2] =	sst s8  }
0x11: {  	[smem:$0x3FB3] =	sst s9;
	s0 =	simm.s32 @!p0 $0x0  }
0x12: {  	s1 =	sld [smem:$0x3F99];
	s0 =	simm.s32 @p0 $0x1  }
0x13: {  	[smem:$0x3FB4] =	sst s0;
	s0 =	simm.s32 @!p1 $0x0  }
0x14: {  	s2 =	sld [smem:$0x3F98];
	s0 =	simm.s32 @p1 $0x1  }
0x15: {  	[smem:$0x3FB5] =	sst s0;
	s0 =	simm.s32 @!p2 $0x0  }
0x16: {  	s3 =	sld [smem:$0x3FDB];
	s0 =	simm.s32 @p2 $0x1  }
0x17: {  	s4 =	simm.s32 $0x1BF5;
	[smem:$0x3FB7] =	sst s0  }
0x18: {  	s0 =	sld [smem:$0x3F9A];
	_ =	swait.ge [sflag:s4], $0x0  }
0x19: {  	s7 =	sld [smem:$0x3F9B]  }
0x1a: {  	s8 =	sadd.s32 $0xFFFFE003, lr  }
0x1b: {  	s9 =	sadd.s32 $0xFFFFFEF7, lr;
	s5 =	simm.s32 $0xFFFFFFFF;
	p2 =	slt.u32 s8, $0xFFFFF086  }
0x1c: {  	p1 =	slt.u32 s9, $0xF7A;
	s5 =	simm.s32 @!p2 $0x0  }
0x1d: {  	s5 =	simm.s32 @p1 $0x1;
	p0 =	seq.s32 s7, s2  }
0x1e: {  	s7 =	smul.u32 @!p0 $0xF7A, s2;
	p2 =	seq.s32 @!p0 s5, $0x0  }
0x1f: {  	s9 =	smul.u32 $0xF7A, s1;
	s8 =	simm.s32 @!p0 $0x1BF5;
	p2 =	por !p2, p0  }
0x20: {  	[sflag:s8] =	ssyncset.s32 @!p0 $0xFFFFF086;
	s6 =	sadd.s32 @!p0 s3, s7;
	s7 =	simm.s32 @!p0 $0x108  }
0x21: {  	s3 =	sadd.s32 s3, s9;
	s6 =	sadd.s32 @!p0 $0x88, s6;
	s7 =	simm.s32 @p2 $0x1082  }
0x22: {  	[simem:s7], [sflag:s8] =	dma.local @!p0 [hbm:s6], $0xF7A  }
0x23: {  	s9 =	sor.u32 $0xD0000000, s2;
	s6 =	simm.s32 $0x108;
	_ =	swait.ge @!p0 [sflag:s8], $0x0  }
0x24: {  	s3 =	sadd.s32 $0x88, s3;
	s6 =	simm.s32 @!p1 $0x1082;
	[sflag:s4] =	ssyncset.s32 $0xFFFFF086  }
0x25: {  	[simem:s6], [sflag:s4] =	dma.local [hbm:s3], $0xF7A  }
0x26: {  	[smem:$0x3F9B] =	sst s1;
	(tag) =	ssettag s2;
	_ =	strace s9  }
0x27: {  	s1 =	sld [smem:$0x3FAB]  }
0x28: {  	s2 =	sld [smem:$0x3FAC]  }
0x29: {  	s4 =	sld [smem:$0x3FAE]  }
0x2a: {  	p0 =	seq.s32 s5, $0x0;
	s5 =	sld [smem:$0x3FAF]  }
0x2b: {  	s6 =	sld [smem:$0x3FB0]  }
0x2c: {  	s7 =	sld [smem:$0x3FB1]  }
0x2d: {  	s3 =	simm.s32 $0x108;
	s8 =	sld [smem:$0x3FB2]  }
0x2e: {  	s3 =	simm.s32 @!p0 $0x1082;
	s9 =	sld [smem:$0x3FB3]  }
0x2f: {  	lr =	sadd.s32 s0, s3;
	s0 =	sld [smem:$0x3FAA]  }
0x30: {  	s3 =	sld [smem:$0x3FAD]  }
0x31: {  	[smem:$0x3FB6] =	sst s10  }
0x32: {  	s10 =	sld [smem:$0x3FB4];
	_ =	sdelay $0x3  }
0x33: {  	p0 =	seq.s32 s10, $0x1;
	s10 =	sld [smem:$0x3FB6];
	_ =	sdelay $0x3  }
0x34: {  	[smem:$0x3FB6] =	sst s10  }
0x35: {  	s10 =	sld [smem:$0x3FB5];
	_ =	sdelay $0x3  }
0x36: {  	p1 =	seq.s32 s10, $0x1;
	s10 =	sld [smem:$0x3FB6];
	_ =	sdelay $0x3  }
0x37: {  	[smem:$0x3FB6] =	sst s10  }
0x38: {  	s10 =	sld [smem:$0x3FB7]  }
0x39: {  	_ = 	snop;
	(pc) =	sbr.ind lr, $3  }
0x3a: {  	_ = 	snop  }
0x3b: {  	_ = 	snop  }
0x3c: {  	p2 =	seq.s32 s10, $0x1;
	s10 =	sld [smem:$0x3FB6]  }
0x3d: {  	_ =	shalt  }
0x3e: {  	_ =	shalt  }
0x3f: {  	_ =	shalt  }
0x40: {  	_ =	shalt  }
0x41: {  	_ =	shalt  }
0x42: {  	_ =	shalt  }
0x43: {  	_ =	shalt  }
0x44: {  	_ =	shalt  }
0x45: {  	_ =	shalt  }
0x46: {  	_ =	shalt  }
0x47: {  	_ =	shalt  }
0x48: {  	_ =	shalt  }
0x49: {  	_ =	shalt  }
0x4a: {  	_ =	shalt  }
0x4b: {  	_ =	shalt  }
0x4c: {  	_ =	shalt  }
0x4d: {  	_ =	shalt  }
0x4e: {  	_ =	shalt  }
0x4f: {  	_ =	shalt  }
0x50: {  	_ =	shalt  }
0x51: {  	_ =	shalt  }
0x52: {  	_ =	shalt  }
0x53: {  	_ =	shalt  }
0x54: {  	_ =	shalt  }
0x55: {  	_ =	shalt  }
0x56: {  	_ =	shalt  }
0x57: {  	_ =	shalt  }
0x58: {  	_ =	shalt  }
0x59: {  	_ =	shalt  }
0x5a: {  	_ =	shalt  }
0x5b: {  	_ =	shalt  }
0x5c: {  	_ =	shalt  }
0x5d: {  	_ =	shalt  }
0x5e: {  	_ =	shalt  }
0x5f: {  	_ =	shalt  }
0x60: {  	_ =	shalt  }
0x61: {  	_ =	shalt  }
0x62: {  	_ =	shalt  }
0x63: {  	_ =	shalt  }
0x64: {  	_ =	shalt  }
0x65: {  	_ =	shalt  }
0x66: {  	_ =	shalt  }
0x67: {  	_ =	shalt  }
0x68: {  	_ =	shalt  }
0x69: {  	_ =	shalt  }
0x6a: {  	_ =	shalt  }
0x6b: {  	_ =	shalt  }
0x6c: {  	_ =	shalt  }
0x6d: {  	_ =	shalt  }
0x6e: {  	_ =	shalt  }
0x6f: {  	_ =	shalt  }
0x70: {  	_ =	shalt  }
0x71: {  	_ =	shalt  }
0x72: {  	_ =	shalt  }
0x73: {  	_ =	shalt  }
0x74: {  	_ =	shalt  }
0x75: {  	_ =	shalt  }
0x76: {  	_ =	shalt  }
0x77: {  	_ =	shalt  }
0x78: {  	_ =	shalt  }
0x79: {  	_ =	shalt  }
0x7a: {  	_ =	shalt  }
0x7b: {  	_ =	shalt  }
0x7c: {  	_ =	shalt  }
0x7d: {  	_ =	shalt  }
0x7e: {  	_ =	shalt  }
0x7f: {  	_ =	shalt  }
0x80: {  	_ =	shalt  }
0x81: {  	_ =	shalt  }
0x82: {  	_ =	shalt  }
0x83: {  	_ =	shalt  }
0x84: {  	_ =	shalt  }
0x85: {  	_ =	shalt  }
0x86: {  	_ =	shalt  }
0x87: {  	_ =	shalt  }
.Lfunc_end0:
.L_simem_size_0:
called_computation.2_lowered:
.L_overlay_start_0:
0x88: {  	s2 =	sld [smem:$0x3FD9]  }
0x89: {  	s3 =	sld [smem:$0x3FFE];
	_ =	sdelay $0x1  }
0x8a: {  	s1 =	srdreg.scid  }
0x8b: {  	s0 =	sand.u32 $0x1, s1  }
0x8c: {  	s16 =	sshll.u32 s0, $0xA;
	s2 =	sadd.s32 s3, s2  }
0x8d: {  	s2 =	sadd.s32 s2, s16  }
0x8e: {  	[smem:$0x3FC2] =	sst s2  }
0x8f: {  	_ = 	snop  }
0x90: {  	(tm) =	ssettm $0x1  }
0x91: {  	s17 =	sld [smem:$0x3FFB];
	_ =	sdelay $0x3  }
0x92: {  	_ =	strace s17  }
0x93: {  	s2 =	sld [smem:$0x3FFC];
	_ =	sdelay $0x3  }
0x94: {  	_ =	strace s2  }
0x95: {  	s2 =	sld [smem:$0x3FFD];
	_ =	sdelay $0x3  }
0x96: {  	_ =	strace s2  }
0x97: {  	_ =	strace $0x8FFFFFFF  }
0x98: {  	s18 =	sld [smem:$0x3FDB];
	_ =	sdelay $0x1  }
0x99: {  	s19 =	simm.s32 $_scs_section_size  }
0x9a: {  	s4 =	simm.s32 $_size__tile_overlayer_lowered;
	s5 =	simm.s32 $_tile_overlayer_lowered  }
0x9b: {  	s22 =	simm.s32 $0x1BFF;
	s21 =	sshll.u32 s5, $0x1;
	s2 =	sadd.s32 s19, s18  }
0x9c: {  	s6 =	simm.s32 $0x0;
	s20 =	sshll.u32 s4, $0x1;
	s4 =	sadd.s32 s21, s2  }
0x9d: {  	[timem:s6], [sflag:s22] =	dma.local [hbm:s4], s20  }
0x9e: {  	_ =	swait.ge [sflag:s22], s20  }
0x9f: {  	s3 =	ssub.s32 $0x0, s20;
	[sflag:s22] =	ssyncset.done $0x0  }
0xa0: {  	[sflag:s22] =	ssyncadd.s32 s3;
	_ =	sdelay $0x1  }
0xa1: {  	s23 =	simm.s32 $0x1B8B  }
0xa2: {  	_ =	swait.ge [sflag:s23], $0x1  }
0xa3: {  	[sflag:s23] =	ssyncset.done $0x0  }
0xa4: {  	s25 =	simm.s32 $0x1B8E;
	s24 =	sld [smem:$0x3FFE];
	[sflag:s23] =	ssyncadd.s32 $0xFFFFFFFF  }
0xa5: {  	s26 =	simm.s32 $execute0_lowered;
	[smem:$0x3FD2] =	sst s25  }
0xa6: {  	s4 =	sshll.u32 s26, $0x1;
	_ =	strace $0x8000004C;
	[dreg:$0x1] =	wrdreg $0xFFFFFFFF  }
0xa7: {  	s28 =	simm.s32 $_size_execute0_lowered;
	s2 =	sadd.s32 s2, s4;
	[dreg:$0x0] =	wrdreg $0x0  }
0xa8: {  	s4 =	sshll.u32 s28, $0x1;
	[dreg:$0x2] =	wrdreg s2  }
0xa9: {  	[dreg:$0x3] =	wrdreg s4  }
0xaa: {  	[dreg:$0x4] =	wrdreg $0xC0  }
0xab: {  	_ =	task [dreg:s6], $0x5FFFF  }
0xac: {  	[dreg:$0x1] =	wrdreg $0xFFFFFFFF  }
0xad: {  	[dreg:$0x0] =	wrdreg $0x60  }
0xae: {  	[dreg:$0x2] =	wrdreg s24  }
0xaf: {  	[dreg:$0x3] =	wrdreg $0x81000  }
0xb0: {  	[dreg:$0x4] =	wrdreg $0x9  }
0xb1: {  	_ =	task.clear_ibuf [dreg:s6], $0x5FFFF;
	_ =	strace $0x9000004C  }
0xb2: {  	s29 =	simm.s32 $0x9;
	_ =	strace $0x8000004E  }
0xb3: {  	_ =	swait.ge [sflag:s29], $0x1  }
0xb4: {  	[sflag:s29] =	ssyncadd.s32 $0xFFFFFFFF  }
0xb5: {  	_ =	strace $0x9000004E  }
0xb6: {  	_ =	sfence  }
0xb7: {  	s30 =	sld [smem:$0x0];
	_ =	sdelay $0x2  }
0xb8: {  	s31 =	sshll.u32 s1, $0xD;
	s1 =	sshrl.u32 s1, $0x2  }
0xb9: {  	s3 =	sand.u32 $0x4000, s31;
	s1 =	sadd.s32 s1, s30  }
0xba: {  	s0 =	sor.u32 s3, s0;
	s1 =	sshll.u32 s1, $0x11  }
0xbb: {  	s0 =	sor.u32 s1, s0  }
0xbc: {  	s0 =	sadd.s32 $0x8F2B, s0  }
0xbd: {  	[sflag:s0] =	ssyncadd.remote.s32 $0x1  }
0xbe: {  	_ =	sfence.sel $0xFFFF  }
0xbf: {  	[dreg:$0x0] =	wrdreg $0xFFFFFFFF;
	(pc) =	sbr.abs _section_cstart, $3  }
0xc0: {  	[dreg:$0x1] =	wrdreg $0xFFFFFFFF  }
0xc1: {  	_ =	task.clear_ibuf [dreg:s6], $0x2FFFF;
	_ =	strace $0x9FFFFFFF  }
0xc2: {  	(tm) =	ssettm $0x7FFFFFFF  }
0xc3: {  	_ =	shalt  }
tec
execute0_lowered:
.L_overlay_start_1:
0x0: {  	(tag) =	ssettag $0x1  }
0x1: {  	s5 =	rddreg [dreg:$0x0]  }
0x2: {  	s1 =	rddreg [dreg:$0x1];
	s2 =	srdreg.scid  }
0x3: {  	s0 =	rddreg [dreg:$0x2];
	s3 =	simm.s32 $0x0;
	s14 =	simm.s32 $0x4100  }
0x4: {  	s15 =	simm.s32 $0x2;
	s16 =	simm.s32 $0x80;
	s6 =	sand.u32 $0x1, s2  }
0x5: {  	s17 =	simm.s32 $0x100;
	s2 =	stileid.u32;
	s7 =	smul.u32 $0x140000, s6  }
0x6: {  	s18 =	simm.s32 $0x1;
	s21 =	simm.s32 $0x0;
	s8 =	smul.u32 $0x14000, s2  }
0x7: {  	[smem:$0x7FF] =	sst s3;
	s4 =	sadd.s32 $0x3A00, s5;
	s9 =	smul.u32 $0x9E0, s2  }
0x8: {  	_ =	strace $0x8000004D;
	s29 =	smul.u32 $0x50000, s2;
	s30 =	ssub.s32 $0x2, s6  }
0x9: {  	s12 =	smul.u32 $0x4F0, s6;
	s19 =	sshll.u32 s2, $0x6;
	s31 =	sshrl.u32 s30, $0x1  }
0xa: {  	s19 =	sor.u32 $0x1C02, s19;
	s7 =	sadd.s32 s8, s7;
	s11 =	sadd.s32 s9, s5  }
0xb: {  	s8 =	sshrl.u32 s29, $0x2;
	s9 =	ssub.s32 s30, s31;
	s7 =	sshrl.u32 s7, $0x3  }
0xc: {  	s13 =	sadd.s32 s12, s11;
	s7 =	sadd.s32 s7, s5;
	s5 =	sadd.s32 s8, s1  }
0xd: {  	s12 =	sadd.s32 $0x67600, s13;
	s13 =	sadd.s32 $0x5D800, s13;
	s6 =	sadd.s32 $0x71400, s7  }
0xe: {  	s7 =	smax.u32 s9, $0x1;
	s8 =	sadd.s32 $0x4000, s5;
	s9 =	sadd.s32 $0x8000, s5  }
0xf: {  	v0 =	vimm.f32 $0.0e+00;
	s10 =	sadd.s32 $0xC000, s5;
	s11 =	sadd.s32 $0x10000, s5;
	s20 =	sshrl.u32 s5, $0x3  }
.LBB2_1:
0x10: {  	s22 =	simm.s32 $0x0;
	s23 =	simm.s32 $0x200  }
.LBB2_2:
0x11: {  	p0 =	sne.s32 s23, $0xFE00;
	[tilespmem:s22+$0x4170] =	vst v0  }
0x12: {  	[tilespmem:s22+$0x4100] =	vst v0  }
0x13: {  	[tilespmem:s22+$0x4110] =	vst v0  }
.Ltmp0:
0x14: {  	[tilespmem:s22+$0x4120] =	vst v0;
	(pc) =	sbr.rel @p0 .LBB2_2-.Ltmp0, $4  }
0x15: {  	[tilespmem:s22+$0x4130] =	vst v0  }
0x16: {  	[tilespmem:s22+$0x4140] =	vst v0  }
0x17: {  	[tilespmem:s22+$0x4150] =	vst v0  }
0x18: {  	[tilespmem:s22+$0x4160] =	vst v0;
	s22 =	sshra.s32 s23, $0x2;
	s23 =	sadd.s32 $0x200, s23  }
0x19: {  	[tilespmem:s22+$0x4170] =	vst v0  }
0x1a: {  	[tilespmem:s22+$0x4100] =	vst v0  }
0x1b: {  	[tilespmem:s22+$0x4110] =	vst v0  }
0x1c: {  	[tilespmem:s22+$0x4120] =	vst v0  }
0x1d: {  	[tilespmem:s22+$0x4130] =	vst v0  }
0x1e: {  	[tilespmem:s22+$0x4140] =	vst v0  }
0x1f: {  	[tilespmem:s22+$0x4150] =	vst v0  }
0x20: {  	[tilespmem:s22+$0x4160] =	vst v0  }
0x21: {  	[spmem:s5] =	stream.linear.scatter [tilespmem:s14], [sflag:$0x2], $0x4000, $0x38;
	[tilespmem:$0x1C100] =	vst v63  }
0x22: {  	_ =	swait.ge [sflag:s15], $0x4000  }
0x23: {  	[sflag:s15] =	ssyncset.done $0x0  }
0x24: {  	[sflag:s15] =	ssyncadd.s32 $0xFFFFC000  }
0x25: {  	[spmem:s8] =	stream.linear.scatter [tilespmem:s14], [sflag:$0x2], $0x4000, $0x38;
	[tilespmem:$0x1C100] =	vst v63  }
0x26: {  	_ =	swait.ge [sflag:s15], $0x4000  }
0x27: {  	[sflag:s15] =	ssyncset.done $0x0  }
0x28: {  	[sflag:s15] =	ssyncadd.s32 $0xFFFFC000  }
0x29: {  	[spmem:s9] =	stream.linear.scatter [tilespmem:s14], [sflag:$0x2], $0x4000, $0x38;
	[tilespmem:$0x1C100] =	vst v63  }
0x2a: {  	_ =	swait.ge [sflag:s15], $0x4000  }
0x2b: {  	[sflag:s15] =	ssyncset.done $0x0  }
0x2c: {  	[sflag:s15] =	ssyncadd.s32 $0xFFFFC000  }
0x2d: {  	[spmem:s10] =	stream.linear.scatter [tilespmem:s14], [sflag:$0x2], $0x4000, $0x38;
	[tilespmem:$0x1C100] =	vst v63  }
0x2e: {  	_ =	swait.ge [sflag:s15], $0x4000  }
0x2f: {  	[sflag:s15] =	ssyncset.done $0x0  }
0x30: {  	[sflag:s15] =	ssyncadd.s32 $0xFFFFC000  }
0x31: {  	[spmem:s11] =	stream.linear.scatter [tilespmem:s14], [sflag:$0x2], $0x4000, $0x38;
	[tilespmem:$0x1C100] =	vst v63  }
0x32: {  	_ =	swait.ge [sflag:s15], $0x4000  }
0x33: {  	[sflag:s15] =	ssyncset.done $0x0  }
0x34: {  	[sflag:s15] =	ssyncadd.s32 $0xFFFFC000  }
0x35: {  	s30 =	sadd.s32 $0x0, s13;
	[bflag:$0x0] =	sbarrier.arrive $0xFFFF  }
0x36: {  	[tilespmem:s3], [sflag:$0x2] =	stream.linear.gather [hbm4b:s30+s3], $0x80, $0x38;
	[tilespmem:$0x1C100] =	vst v63  }
0x37: {  	_ =	swait.ge [sflag:s15], $0x80  }
0x38: {  	[sflag:s15] =	ssyncset.done $0x0  }
0x39: {  	s31 =	sadd.s32 $0x0, s12;
	[sflag:s15] =	ssyncadd.s32 $0xFFFFFF80  }
0x3a: {  	[tilespmem:s16], [sflag:$0x2] =	stream.linear.gather [hbm4b:s31+s3], $0x80, $0x38;
	[tilespmem:$0x1C100] =	vst v63  }
0x3b: {  	_ =	swait.ge [sflag:s15], $0x80  }
0x3c: {  	[sflag:s15] =	ssyncset.done $0x0  }
0x3d: {  	[sflag:s15] =	ssyncadd.s32 $0xFFFFFF80  }
0x3e: {  	[tilespmem:s17], [sflag:$0x1] =	stream.indirect.gather [hbm4b:s4+s16], $0x80, s3, s16, $0xb8;
	[tilespmem:$0x1C100] =	vst v63  }
0x3f: {  	_ =	swait.ge [sflag:s18], $0x4000  }
0x40: {  	[sflag:s18] =	ssyncset.done $0x0  }
0x41: {  	[sflag:s18] =	ssyncadd.s32 $0xFFFFC000  }
0x42: {  	[spmem:s1] =	stream.indirect.scatter.add.f32 [tilespmem:s17], [sflag:$0x2], $0x80, s16, s16, $0xb8;
	[tilespmem:$0x1C100] =	vst v63  }
0x43: {  	_ =	swait.ge [sflag:s15], $0x4000  }
0x44: {  	s22 =	simm.s32 $0x10;
	s23 =	simm.s32 $0x20;
	[sflag:s15] =	ssyncset.done $0x0  }
.LBB2_4:
0x45: {  	s24 =	sadd.s32 s22, s13  }
0x46: {  	[sflag:s15] =	ssyncadd.s32 $0xFFFFC000;
	s25 =	smov.u32 s23;
	s26 =	sadd.s32 $0x10, s23  }
0x47: {  	[tilespmem:s3], [sflag:$0x2] =	stream.linear.gather [hbm4b:s24+s3], $0x80, $0x38;
	[tilespmem:$0x1C100] =	vst v63  }
0x48: {  	p0 =	sne.s32 s23, $0x4E0;
	_ =	swait.ge [sflag:s15], $0x80  }
0x49: {  	[sflag:s15] =	ssyncset.done $0x0  }
0x4a: {  	s23 =	sadd.s32 s22, s12;
	s22 =	smov.u32 s25;
	[sflag:s15] =	ssyncadd.s32 $0xFFFFFF80  }
0x4b: {  	[tilespmem:s16], [sflag:$0x2] =	stream.linear.gather [hbm4b:s23+s3], $0x80, $0x38;
	[tilespmem:$0x1C100] =	vst v63  }
0x4c: {  	_ =	swait.ge [sflag:s15], $0x80  }
0x4d: {  	[sflag:s15] =	ssyncset.done $0x0  }
0x4e: {  	[sflag:s15] =	ssyncadd.s32 $0xFFFFFF80  }
0x4f: {  	[tilespmem:s17], [sflag:$0x1] =	stream.indirect.gather [hbm4b:s4+s16], $0x80, s3, s16, $0xb8;
	[tilespmem:$0x1C100] =	vst v63  }
0x50: {  	_ =	swait.ge [sflag:s18], $0x4000  }
.Ltmp1:
0x51: {  	[sflag:s18] =	ssyncset.done $0x0;
	(pc) =	sbr.rel @p0 .LBB2_4-.Ltmp1, $4  }
0x52: {  	[sflag:s18] =	ssyncadd.s32 $0xFFFFC000  }
0x53: {  	[spmem:s1] =	stream.indirect.scatter.add.f32 [tilespmem:s17], [sflag:$0x2], $0x80, s16, s16, $0xb8;
	[tilespmem:$0x1C100] =	vst v63  }
0x54: {  	_ =	swait.ge [sflag:s15], $0x4000  }
0x55: {  	s23 =	smov.u32 s26;
	[sflag:s15] =	ssyncset.done $0x0  }
0x56: {  	s23 =	sadd.s32 s22, s13;
	[sflag:s15] =	ssyncadd.s32 $0xFFFFC000  }
0x57: {  	[tilespmem:s3], [sflag:$0x2] =	stream.linear.gather [hbm4b:s23+s3], $0x80, $0x38;
	[tilespmem:$0x1C100] =	vst v63  }
0x58: {  	_ =	swait.ge [sflag:s15], $0x80  }
0x59: {  	[sflag:s15] =	ssyncset.done $0x0  }
0x5a: {  	s31 =	sadd.s32 s22, s12;
	[sflag:s15] =	ssyncadd.s32 $0xFFFFFF80  }
0x5b: {  	[tilespmem:s16], [sflag:$0x2] =	stream.linear.gather [hbm4b:s31+s3], $0x80, $0x38;
	[tilespmem:$0x1C100] =	vst v63  }
0x5c: {  	_ =	swait.ge [sflag:s15], $0x80  }
0x5d: {  	[sflag:s15] =	ssyncset.done $0x0  }
0x5e: {  	[sflag:s15] =	ssyncadd.s32 $0xFFFFFF80  }
0x5f: {  	[tilespmem:s17], [sflag:$0x1] =	stream.indirect.gather [hbm4b:s4+s16], $0x80, s3, s16, $0xb8;
	[tilespmem:$0x1C100] =	vst v63  }
0x60: {  	_ =	swait.ge [sflag:s18], $0x4000  }
0x61: {  	[sflag:s18] =	ssyncset.done $0x0  }
0x62: {  	[sflag:s18] =	ssyncadd.s32 $0xFFFFC000  }
0x63: {  	[spmem:s1] =	stream.indirect.scatter.add.f32 [tilespmem:s17], [sflag:$0x2], $0x80, s16, s16, $0xb8;
	[tilespmem:$0x1C100] =	vst v63  }
0x64: {  	_ =	swait.ge [sflag:s15], $0x4000  }
0x65: {  	s21 =	sadd.s32 $0x1, s21;
	[sflag:s15] =	ssyncset.done $0x0  }
0x66: {  	p0 =	sne.s32 s21, s7;
	[sflag:s15] =	ssyncadd.s32 $0xFFFFC000  }
.Ltmp2:
0x67: {  	[bflag:$0x0] =	sbarrier.arrive $0xFFFF;
	(pc) =	sbr.rel @p0 .LBB2_1-.Ltmp2, $4  }
0x68: {  	[hbm:s6], [sflag:s19] =	dma.local [spmem:s20], $0x2800  }
0x69: {  	_ =	swait.ge [sflag:s15], $0x2800  }
0x6a: {  	[sflag:s15] =	ssyncset.done $0x0  }
0x6b: {  	[sflag:s15] =	ssyncadd.s32 $0xFFFFD800  }
0x6c: {  	_ =	sfence.sel $0x180000  }
0x6d: {  	[bflag:$0x0] =	sbarrier.arrive $0xFFFF  }
0x6e: {  	p0 =	sne.s32 s2, $0x0;
	_ =	strace $0x9000004D  }
0x6f: {  	s0 =	sadd.s32 @!p0 $0x100000, s0;
	[bflag:$0x2] =	sbarrier.arrive $0xFFFF  }
0x70: {  	[sflag:s0] =	ssyncadd.tile.s32 @!p0 $0x1;
	_ =	shalt  }
.Lfunc_end2:
_tile_overlayer_lowered:
.L_overlay_start_2:
0x71: {  	(tag) =	ssettag $0x2  }
0x72: {  	s0 =	rddreg [dreg:$0x0];
	s2 =	stileid.u32  }
0x73: {  	s1 =	rddreg [dreg:$0x1];
	p0 =	sne.s32 s2, $0x0  }
0x74: {  	s3 =	rddreg [dreg:$0x2];
	[bflag:$0x3] =	sbarrier.arrive $0xFFFF;
	s2 =	simm.s32 @!p0 $0x1C02  }
0x75: {  	[timem:s3], [sflag:s2] =	dma.local @!p0 [hbm:s0], s1  }
0x76: {  	s0 =	simm.s32 @!p0 $0x2  }
0x77: {  	_ =	swait.ge @!p0 [sflag:s0], s1  }
0x78: {  	s1 =	ssub.s32 @!p0 $0x0, s1;
	[sflag:s0] =	ssyncset.done @!p0 $0x0  }
0x79: {  	[sflag:s0] =	ssyncadd.s32 @!p0 s1  }
0x7a: {  	[bflag:$0x3] =	sbarrier.arrive $0xFFFF  }
0x7b: {  	_ =	shalt  }

// kernel: kernel.21.cloned.1.call-start
scs
__scs_entry_jumppad:
0x0: {  	(pc) =	sbr.rel $0x88, $3  }
0x1: {  	(tag) =	ssettag $0x0;
	lr =	simm.s32 $0x1  }
0x2: {  	[smem:$0x3F9B] =	sst lr;
	_ =	strace $0xD0000000  }
0x3: {  	_ = 	snop  }
0x4: {  	_ = 	snop  }
0x5: {  	_ = 	snop  }
0x6: {  	_ = 	snop  }
0x7: {  	_ = 	snop  }
__scs_overlays_trampoline_lowered:
0x8: {  	[smem:$0x3FAA] =	sst s0  }
0x9: {  	[smem:$0x3FAB] =	sst s1  }
0xa: {  	[smem:$0x3FAC] =	sst s2  }
0xb: {  	[smem:$0x3FAD] =	sst s3  }
0xc: {  	[smem:$0x3FAE] =	sst s4  }
0xd: {  	[smem:$0x3FAF] =	sst s5  }
0xe: {  	[smem:$0x3FB0] =	sst s6  }
0xf: {  	[smem:$0x3FB1] =	sst s7  }
0x10: {  	[smem:$0x3FB2] =	sst s8  }
0x11: {  	[smem:$0x3FB3] =	sst s9;
	s0 =	simm.s32 @!p0 $0x0  }
0x12: {  	s1 =	sld [smem:$0x3F99];
	s0 =	simm.s32 @p0 $0x1  }
0x13: {  	[smem:$0x3FB4] =	sst s0;
	s0 =	simm.s32 @!p1 $0x0  }
0x14: {  	s2 =	sld [smem:$0x3F98];
	s0 =	simm.s32 @p1 $0x1  }
0x15: {  	[smem:$0x3FB5] =	sst s0;
	s0 =	simm.s32 @!p2 $0x0  }
0x16: {  	s3 =	sld [smem:$0x3FDB];
	s0 =	simm.s32 @p2 $0x1  }
0x17: {  	s4 =	simm.s32 $0x1BF5;
	[smem:$0x3FB7] =	sst s0  }
0x18: {  	s0 =	sld [smem:$0x3F9A];
	_ =	swait.ge [sflag:s4], $0x0  }
0x19: {  	s7 =	sld [smem:$0x3F9B]  }
0x1a: {  	s8 =	sadd.s32 $0xFFFFE003, lr  }
0x1b: {  	s9 =	sadd.s32 $0xFFFFFEF7, lr;
	s5 =	simm.s32 $0xFFFFFFFF;
	p2 =	slt.u32 s8, $0xFFFFF086  }
0x1c: {  	p1 =	slt.u32 s9, $0xF7A;
	s5 =	simm.s32 @!p2 $0x0  }
0x1d: {  	s5 =	simm.s32 @p1 $0x1;
	p0 =	seq.s32 s7, s2  }
0x1e: {  	s7 =	smul.u32 @!p0 $0xF7A, s2;
	p2 =	seq.s32 @!p0 s5, $0x0  }
0x1f: {  	s9 =	smul.u32 $0xF7A, s1;
	s8 =	simm.s32 @!p0 $0x1BF5;
	p2 =	por !p2, p0  }
0x20: {  	[sflag:s8] =	ssyncset.s32 @!p0 $0xFFFFF086;
	s6 =	sadd.s32 @!p0 s3, s7;
	s7 =	simm.s32 @!p0 $0x108  }
0x21: {  	s3 =	sadd.s32 s3, s9;
	s6 =	sadd.s32 @!p0 $0x88, s6;
	s7 =	simm.s32 @p2 $0x1082  }
0x22: {  	[simem:s7], [sflag:s8] =	dma.local @!p0 [hbm:s6], $0xF7A  }
0x23: {  	s9 =	sor.u32 $0xD0000000, s2;
	s6 =	simm.s32 $0x108;
	_ =	swait.ge @!p0 [sflag:s8], $0x0  }
0x24: {  	s3 =	sadd.s32 $0x88, s3;
	s6 =	simm.s32 @!p1 $0x1082;
	[sflag:s4] =	ssyncset.s32 $0xFFFFF086  }
0x25: {  	[simem:s6], [sflag:s4] =	dma.local [hbm:s3], $0xF7A  }
0x26: {  	[smem:$0x3F9B] =	sst s1;
	(tag) =	ssettag s2;
	_ =	strace s9  }
0x27: {  	s1 =	sld [smem:$0x3FAB]  }
0x28: {  	s2 =	sld [smem:$0x3FAC]  }
0x29: {  	s4 =	sld [smem:$0x3FAE]  }
0x2a: {  	p0 =	seq.s32 s5, $0x0;
	s5 =	sld [smem:$0x3FAF]  }
0x2b: {  	s6 =	sld [smem:$0x3FB0]  }
0x2c: {  	s7 =	sld [smem:$0x3FB1]  }
0x2d: {  	s3 =	simm.s32 $0x108;
	s8 =	sld [smem:$0x3FB2]  }
0x2e: {  	s3 =	simm.s32 @!p0 $0x1082;
	s9 =	sld [smem:$0x3FB3]  }
0x2f: {  	lr =	sadd.s32 s0, s3;
	s0 =	sld [smem:$0x3FAA]  }
0x30: {  	s3 =	sld [smem:$0x3FAD]  }
0x31: {  	[smem:$0x3FB6] =	sst s10  }
0x32: {  	s10 =	sld [smem:$0x3FB4];
	_ =	sdelay $0x3  }
0x33: {  	p0 =	seq.s32 s10, $0x1;
	s10 =	sld [smem:$0x3FB6];
	_ =	sdelay $0x3  }
0x34: {  	[smem:$0x3FB6] =	sst s10  }
0x35: {  	s10 =	sld [smem:$0x3FB5];
	_ =	sdelay $0x3  }
0x36: {  	p1 =	seq.s32 s10, $0x1;
	s10 =	sld [smem:$0x3FB6];
	_ =	sdelay $0x3  }
0x37: {  	[smem:$0x3FB6] =	sst s10  }
0x38: {  	s10 =	sld [smem:$0x3FB7]  }
0x39: {  	_ = 	snop;
	(pc) =	sbr.ind lr, $3  }
0x3a: {  	_ = 	snop  }
0x3b: {  	_ = 	snop  }
0x3c: {  	p2 =	seq.s32 s10, $0x1;
	s10 =	sld [smem:$0x3FB6]  }
0x3d: {  	_ =	shalt  }
0x3e: {  	_ =	shalt  }
0x3f: {  	_ =	shalt  }
0x40: {  	_ =	shalt  }
0x41: {  	_ =	shalt  }
0x42: {  	_ =	shalt  }
0x43: {  	_ =	shalt  }
0x44: {  	_ =	shalt  }
0x45: {  	_ =	shalt  }
0x46: {  	_ =	shalt  }
0x47: {  	_ =	shalt  }
0x48: {  	_ =	shalt  }
0x49: {  	_ =	shalt  }
0x4a: {  	_ =	shalt  }
0x4b: {  	_ =	shalt  }
0x4c: {  	_ =	shalt  }
0x4d: {  	_ =	shalt  }
0x4e: {  	_ =	shalt  }
0x4f: {  	_ =	shalt  }
0x50: {  	_ =	shalt  }
0x51: {  	_ =	shalt  }
0x52: {  	_ =	shalt  }
0x53: {  	_ =	shalt  }
0x54: {  	_ =	shalt  }
0x55: {  	_ =	shalt  }
0x56: {  	_ =	shalt  }
0x57: {  	_ =	shalt  }
0x58: {  	_ =	shalt  }
0x59: {  	_ =	shalt  }
0x5a: {  	_ =	shalt  }
0x5b: {  	_ =	shalt  }
0x5c: {  	_ =	shalt  }
0x5d: {  	_ =	shalt  }
0x5e: {  	_ =	shalt  }
0x5f: {  	_ =	shalt  }
0x60: {  	_ =	shalt  }
0x61: {  	_ =	shalt  }
0x62: {  	_ =	shalt  }
0x63: {  	_ =	shalt  }
0x64: {  	_ =	shalt  }
0x65: {  	_ =	shalt  }
0x66: {  	_ =	shalt  }
0x67: {  	_ =	shalt  }
0x68: {  	_ =	shalt  }
0x69: {  	_ =	shalt  }
0x6a: {  	_ =	shalt  }
0x6b: {  	_ =	shalt  }
0x6c: {  	_ =	shalt  }
0x6d: {  	_ =	shalt  }
0x6e: {  	_ =	shalt  }
0x6f: {  	_ =	shalt  }
0x70: {  	_ =	shalt  }
0x71: {  	_ =	shalt  }
0x72: {  	_ =	shalt  }
0x73: {  	_ =	shalt  }
0x74: {  	_ =	shalt  }
0x75: {  	_ =	shalt  }
0x76: {  	_ =	shalt  }
0x77: {  	_ =	shalt  }
0x78: {  	_ =	shalt  }
0x79: {  	_ =	shalt  }
0x7a: {  	_ =	shalt  }
0x7b: {  	_ =	shalt  }
0x7c: {  	_ =	shalt  }
0x7d: {  	_ =	shalt  }
0x7e: {  	_ =	shalt  }
0x7f: {  	_ =	shalt  }
0x80: {  	_ =	shalt  }
0x81: {  	_ =	shalt  }
0x82: {  	_ =	shalt  }
0x83: {  	_ =	shalt  }
0x84: {  	_ =	shalt  }
0x85: {  	_ =	shalt  }
0x86: {  	_ =	shalt  }
0x87: {  	_ =	shalt  }
.Lfunc_end0:
.L_simem_size_0:
called_computation.3_lowered:
.L_overlay_start_0:
0x88: {  	s2 =	sld [smem:$0x3FD9]  }
0x89: {  	s3 =	sld [smem:$0x3FFE];
	_ =	sdelay $0x1  }
0x8a: {  	s1 =	srdreg.scid  }
0x8b: {  	s0 =	sand.u32 $0x1, s1  }
0x8c: {  	s16 =	sshll.u32 s0, $0xA;
	s2 =	sadd.s32 s3, s2  }
0x8d: {  	s2 =	sadd.s32 s2, s16  }
0x8e: {  	[smem:$0x3FC2] =	sst s2  }
0x8f: {  	_ = 	snop  }
0x90: {  	(tm) =	ssettm $0x1  }
0x91: {  	s17 =	sld [smem:$0x3FFB];
	_ =	sdelay $0x3  }
0x92: {  	_ =	strace s17  }
0x93: {  	s2 =	sld [smem:$0x3FFC];
	_ =	sdelay $0x3  }
0x94: {  	_ =	strace s2  }
0x95: {  	s2 =	sld [smem:$0x3FFD];
	_ =	sdelay $0x3  }
0x96: {  	_ =	strace s2  }
0x97: {  	_ =	strace $0x8FFFFFFF  }
0x98: {  	s18 =	sld [smem:$0x3FDB];
	_ =	sdelay $0x1  }
0x99: {  	s19 =	simm.s32 $_scs_section_size  }
0x9a: {  	s4 =	simm.s32 $_size__tile_overlayer_lowered;
	s5 =	simm.s32 $_tile_overlayer_lowered  }
0x9b: {  	s22 =	simm.s32 $0x1BFF;
	s21 =	sshll.u32 s5, $0x1;
	s2 =	sadd.s32 s19, s18  }
0x9c: {  	s6 =	simm.s32 $0x0;
	s20 =	sshll.u32 s4, $0x1;
	s4 =	sadd.s32 s21, s2  }
0x9d: {  	[timem:s6], [sflag:s22] =	dma.local [hbm:s4], s20  }
0x9e: {  	_ =	swait.ge [sflag:s22], s20  }
0x9f: {  	s3 =	ssub.s32 $0x0, s20;
	[sflag:s22] =	ssyncset.done $0x0  }
0xa0: {  	[sflag:s22] =	ssyncadd.s32 s3;
	_ =	sdelay $0x1  }
0xa1: {  	s23 =	simm.s32 $0x1B8B  }
0xa2: {  	_ =	swait.ge [sflag:s23], $0x1  }
0xa3: {  	[sflag:s23] =	ssyncset.done $0x0  }
0xa4: {  	s25 =	simm.s32 $0x1B8E;
	s24 =	sld [smem:$0x3FFE];
	[sflag:s23] =	ssyncadd.s32 $0xFFFFFFFF  }
0xa5: {  	s26 =	simm.s32 $execute0_lowered;
	[smem:$0x3FD2] =	sst s25  }
0xa6: {  	s4 =	sshll.u32 s26, $0x1;
	_ =	strace $0x8000004F;
	[dreg:$0x1] =	wrdreg $0xFFFFFFFF  }
0xa7: {  	s28 =	simm.s32 $_size_execute0_lowered;
	s2 =	sadd.s32 s2, s4;
	[dreg:$0x0] =	wrdreg $0x0  }
0xa8: {  	s4 =	sshll.u32 s28, $0x1;
	[dreg:$0x2] =	wrdreg s2  }
0xa9: {  	[dreg:$0x3] =	wrdreg s4  }
0xaa: {  	[dreg:$0x4] =	wrdreg $0xC0  }
0xab: {  	_ =	task [dreg:s6], $0x5FFFF  }
0xac: {  	[dreg:$0x1] =	wrdreg $0xFFFFFFFF  }
0xad: {  	[dreg:$0x0] =	wrdreg $0x60  }
0xae: {  	[dreg:$0x2] =	wrdreg s24  }
0xaf: {  	[dreg:$0x3] =	wrdreg $0x81000  }
0xb0: {  	[dreg:$0x4] =	wrdreg $0x9  }
0xb1: {  	_ =	task.clear_ibuf [dreg:s6], $0x5FFFF;
	_ =	strace $0x9000004F  }
0xb2: {  	s29 =	simm.s32 $0x9;
	_ =	strace $0x80000051  }
0xb3: {  	_ =	swait.ge [sflag:s29], $0x1  }
0xb4: {  	[sflag:s29] =	ssyncadd.s32 $0xFFFFFFFF  }
0xb5: {  	_ =	strace $0x90000051  }
0xb6: {  	_ =	sfence  }
0xb7: {  	s30 =	sld [smem:$0x0];
	_ =	sdelay $0x2  }
0xb8: {  	s31 =	sshll.u32 s1, $0xD;
	s1 =	sshrl.u32 s1, $0x2  }
0xb9: {  	s3 =	sand.u32 $0x4000, s31;
	s1 =	sadd.s32 s1, s30  }
0xba: {  	s0 =	sor.u32 s3, s0;
	s1 =	sshll.u32 s1, $0x11  }
0xbb: {  	s0 =	sor.u32 s1, s0  }
0xbc: {  	s0 =	sadd.s32 $0x8F2B, s0  }
0xbd: {  	[sflag:s0] =	ssyncadd.remote.s32 $0x1  }
0xbe: {  	_ =	sfence.sel $0xFFFF  }
0xbf: {  	[dreg:$0x0] =	wrdreg $0xFFFFFFFF;
	(pc) =	sbr.abs _section_cstart, $3  }
0xc0: {  	[dreg:$0x1] =	wrdreg $0xFFFFFFFF  }
0xc1: {  	_ =	task.clear_ibuf [dreg:s6], $0x2FFFF;
	_ =	strace $0x9FFFFFFF  }
0xc2: {  	(tm) =	ssettm $0x7FFFFFFF  }
0xc3: {  	_ =	shalt  }
tec
execute0_lowered:
.L_overlay_start_1:
0x0: {  	(tag) =	ssettag $0x1  }
0x1: {  	s5 =	rddreg [dreg:$0x0]  }
0x2: {  	s1 =	rddreg [dreg:$0x1];
	s2 =	srdreg.scid  }
0x3: {  	s0 =	rddreg [dreg:$0x2];
	s3 =	simm.s32 $0x0;
	s14 =	simm.s32 $0x4100  }
0x4: {  	s15 =	simm.s32 $0x2;
	s16 =	simm.s32 $0x80;
	s6 =	sand.u32 $0x1, s2  }
0x5: {  	s17 =	simm.s32 $0x100;
	s2 =	stileid.u32;
	s7 =	smul.u32 $0x140000, s6  }
0x6: {  	s18 =	simm.s32 $0x1;
	s21 =	simm.s32 $0x0;
	s8 =	smul.u32 $0x14000, s2  }
0x7: {  	[smem:$0x7FF] =	sst s3;
	s4 =	sadd.s32 $0x3A00, s5;
	s9 =	smul.u32 $0x9E0, s2  }
0x8: {  	_ =	strace $0x80000050;
	s29 =	smul.u32 $0x50000, s2;
	s30 =	ssub.s32 $0x2, s6  }
0x9: {  	s12 =	smul.u32 $0x4F0, s6;
	s19 =	sshll.u32 s2, $0x6;
	s31 =	sshrl.u32 s30, $0x1  }
0xa: {  	s19 =	sor.u32 $0x1C02, s19;
	s7 =	sadd.s32 s8, s7;
	s11 =	sadd.s32 s9, s5  }
0xb: {  	s8 =	sshrl.u32 s29, $0x2;
	s9 =	ssub.s32 s30, s31;
	s7 =	sshrl.u32 s7, $0x3  }
0xc: {  	s13 =	sadd.s32 s12, s11;
	s7 =	sadd.s32 s7, s5;
	s5 =	sadd.s32 s8, s1  }
0xd: {  	s12 =	sadd.s32 $0x67600, s13;
	s13 =	sadd.s32 $0x5D800, s13;
	s6 =	sadd.s32 $0x71400, s7  }
0xe: {  	s7 =	smax.u32 s9, $0x1;
	s8 =	sadd.s32 $0x4000, s5;
	s9 =	sadd.s32 $0x8000, s5  }
0xf: {  	v0 =	vimm.f32 $0.0e+00;
	s10 =	sadd.s32 $0xC000, s5;
	s11 =	sadd.s32 $0x10000, s5;
	s20 =	sshrl.u32 s5, $0x3  }
.LBB2_1:
0x10: {  	s22 =	simm.s32 $0x0;
	s23 =	simm.s32 $0x200  }
.LBB2_2:
0x11: {  	p0 =	sne.s32 s23, $0xFE00;
	[tilespmem:s22+$0x4170] =	vst v0  }
0x12: {  	[tilespmem:s22+$0x4100] =	vst v0  }
0x13: {  	[tilespmem:s22+$0x4110] =	vst v0  }
.Ltmp0:
0x14: {  	[tilespmem:s22+$0x4120] =	vst v0;
	(pc) =	sbr.rel @p0 .LBB2_2-.Ltmp0, $4  }
0x15: {  	[tilespmem:s22+$0x4130] =	vst v0  }
0x16: {  	[tilespmem:s22+$0x4140] =	vst v0  }
0x17: {  	[tilespmem:s22+$0x4150] =	vst v0  }
0x18: {  	[tilespmem:s22+$0x4160] =	vst v0;
	s22 =	sshra.s32 s23, $0x2;
	s23 =	sadd.s32 $0x200, s23  }
0x19: {  	[tilespmem:s22+$0x4170] =	vst v0  }
0x1a: {  	[tilespmem:s22+$0x4100] =	vst v0  }
0x1b: {  	[tilespmem:s22+$0x4110] =	vst v0  }
0x1c: {  	[tilespmem:s22+$0x4120] =	vst v0  }
0x1d: {  	[tilespmem:s22+$0x4130] =	vst v0  }
0x1e: {  	[tilespmem:s22+$0x4140] =	vst v0  }
0x1f: {  	[tilespmem:s22+$0x4150] =	vst v0  }
0x20: {  	[tilespmem:s22+$0x4160] =	vst v0  }
0x21: {  	[spmem:s5] =	stream.linear.scatter [tilespmem:s14], [sflag:$0x2], $0x4000, $0x38;
	[tilespmem:$0x1C100] =	vst v63  }
0x22: {  	_ =	swait.ge [sflag:s15], $0x4000  }
0x23: {  	[sflag:s15] =	ssyncset.done $0x0  }
0x24: {  	[sflag:s15] =	ssyncadd.s32 $0xFFFFC000  }
0x25: {  	[spmem:s8] =	stream.linear.scatter [tilespmem:s14], [sflag:$0x2], $0x4000, $0x38;
	[tilespmem:$0x1C100] =	vst v63  }
0x26: {  	_ =	swait.ge [sflag:s15], $0x4000  }
0x27: {  	[sflag:s15] =	ssyncset.done $0x0  }
0x28: {  	[sflag:s15] =	ssyncadd.s32 $0xFFFFC000  }
0x29: {  	[spmem:s9] =	stream.linear.scatter [tilespmem:s14], [sflag:$0x2], $0x4000, $0x38;
	[tilespmem:$0x1C100] =	vst v63  }
0x2a: {  	_ =	swait.ge [sflag:s15], $0x4000  }
0x2b: {  	[sflag:s15] =	ssyncset.done $0x0  }
0x2c: {  	[sflag:s15] =	ssyncadd.s32 $0xFFFFC000  }
0x2d: {  	[spmem:s10] =	stream.linear.scatter [tilespmem:s14], [sflag:$0x2], $0x4000, $0x38;
	[tilespmem:$0x1C100] =	vst v63  }
0x2e: {  	_ =	swait.ge [sflag:s15], $0x4000  }
0x2f: {  	[sflag:s15] =	ssyncset.done $0x0  }
0x30: {  	[sflag:s15] =	ssyncadd.s32 $0xFFFFC000  }
0x31: {  	[spmem:s11] =	stream.linear.scatter [tilespmem:s14], [sflag:$0x2], $0x4000, $0x38;
	[tilespmem:$0x1C100] =	vst v63  }
0x32: {  	_ =	swait.ge [sflag:s15], $0x4000  }
0x33: {  	[sflag:s15] =	ssyncset.done $0x0  }
0x34: {  	[sflag:s15] =	ssyncadd.s32 $0xFFFFC000  }
0x35: {  	s30 =	sadd.s32 $0x0, s13;
	[bflag:$0x0] =	sbarrier.arrive $0xFFFF  }
0x36: {  	[tilespmem:s3], [sflag:$0x2] =	stream.linear.gather [hbm4b:s30+s3], $0x80, $0x38;
	[tilespmem:$0x1C100] =	vst v63  }
0x37: {  	_ =	swait.ge [sflag:s15], $0x80  }
0x38: {  	[sflag:s15] =	ssyncset.done $0x0  }
0x39: {  	s31 =	sadd.s32 $0x0, s12;
	[sflag:s15] =	ssyncadd.s32 $0xFFFFFF80  }
0x3a: {  	[tilespmem:s16], [sflag:$0x2] =	stream.linear.gather [hbm4b:s31+s3], $0x80, $0x38;
	[tilespmem:$0x1C100] =	vst v63  }
0x3b: {  	_ =	swait.ge [sflag:s15], $0x80  }
0x3c: {  	[sflag:s15] =	ssyncset.done $0x0  }
0x3d: {  	[sflag:s15] =	ssyncadd.s32 $0xFFFFFF80  }
0x3e: {  	[tilespmem:s17], [sflag:$0x1] =	stream.indirect.gather [hbm4b:s4+s16], $0x80, s3, s16, $0xb8;
	[tilespmem:$0x1C100] =	vst v63  }
0x3f: {  	_ =	swait.ge [sflag:s18], $0x4000  }
0x40: {  	[sflag:s18] =	ssyncset.done $0x0  }
0x41: {  	[sflag:s18] =	ssyncadd.s32 $0xFFFFC000  }
0x42: {  	[spmem:s1] =	stream.indirect.scatter.add.f32 [tilespmem:s17], [sflag:$0x2], $0x80, s16, s16, $0xb8;
	[tilespmem:$0x1C100] =	vst v63  }
0x43: {  	_ =	swait.ge [sflag:s15], $0x4000  }
0x44: {  	s22 =	simm.s32 $0x10;
	s23 =	simm.s32 $0x20;
	[sflag:s15] =	ssyncset.done $0x0  }
.LBB2_4:
0x45: {  	s24 =	sadd.s32 s22, s13  }
0x46: {  	[sflag:s15] =	ssyncadd.s32 $0xFFFFC000;
	s25 =	smov.u32 s23;
	s26 =	sadd.s32 $0x10, s23  }
0x47: {  	[tilespmem:s3], [sflag:$0x2] =	stream.linear.gather [hbm4b:s24+s3], $0x80, $0x38;
	[tilespmem:$0x1C100] =	vst v63  }
0x48: {  	p0 =	sne.s32 s23, $0x4E0;
	_ =	swait.ge [sflag:s15], $0x80  }
0x49: {  	[sflag:s15] =	ssyncset.done $0x0  }
0x4a: {  	s23 =	sadd.s32 s22, s12;
	s22 =	smov.u32 s25;
	[sflag:s15] =	ssyncadd.s32 $0xFFFFFF80  }
0x4b: {  	[tilespmem:s16], [sflag:$0x2] =	stream.linear.gather [hbm4b:s23+s3], $0x80, $0x38;
	[tilespmem:$0x1C100] =	vst v63  }
0x4c: {  	_ =	swait.ge [sflag:s15], $0x80  }
0x4d: {  	[sflag:s15] =	ssyncset.done $0x0  }
0x4e: {  	[sflag:s15] =	ssyncadd.s32 $0xFFFFFF80  }
0x4f: {  	[tilespmem:s17], [sflag:$0x1] =	stream.indirect.gather [hbm4b:s4+s16], $0x80, s3, s16, $0xb8;
	[tilespmem:$0x1C100] =	vst v63  }
0x50: {  	_ =	swait.ge [sflag:s18], $0x4000  }
.Ltmp1:
0x51: {  	[sflag:s18] =	ssyncset.done $0x0;
	(pc) =	sbr.rel @p0 .LBB2_4-.Ltmp1, $4  }
0x52: {  	[sflag:s18] =	ssyncadd.s32 $0xFFFFC000  }
0x53: {  	[spmem:s1] =	stream.indirect.scatter.add.f32 [tilespmem:s17], [sflag:$0x2], $0x80, s16, s16, $0xb8;
	[tilespmem:$0x1C100] =	vst v63  }
0x54: {  	_ =	swait.ge [sflag:s15], $0x4000  }
0x55: {  	s23 =	smov.u32 s26;
	[sflag:s15] =	ssyncset.done $0x0  }
0x56: {  	s23 =	sadd.s32 s22, s13;
	[sflag:s15] =	ssyncadd.s32 $0xFFFFC000  }
0x57: {  	[tilespmem:s3], [sflag:$0x2] =	stream.linear.gather [hbm4b:s23+s3], $0x80, $0x38;
	[tilespmem:$0x1C100] =	vst v63  }
0x58: {  	_ =	swait.ge [sflag:s15], $0x80  }
0x59: {  	[sflag:s15] =	ssyncset.done $0x0  }
0x5a: {  	s31 =	sadd.s32 s22, s12;
	[sflag:s15] =	ssyncadd.s32 $0xFFFFFF80  }
0x5b: {  	[tilespmem:s16], [sflag:$0x2] =	stream.linear.gather [hbm4b:s31+s3], $0x80, $0x38;
	[tilespmem:$0x1C100] =	vst v63  }
0x5c: {  	_ =	swait.ge [sflag:s15], $0x80  }
0x5d: {  	[sflag:s15] =	ssyncset.done $0x0  }
0x5e: {  	[sflag:s15] =	ssyncadd.s32 $0xFFFFFF80  }
0x5f: {  	[tilespmem:s17], [sflag:$0x1] =	stream.indirect.gather [hbm4b:s4+s16], $0x80, s3, s16, $0xb8;
	[tilespmem:$0x1C100] =	vst v63  }
0x60: {  	_ =	swait.ge [sflag:s18], $0x4000  }
0x61: {  	[sflag:s18] =	ssyncset.done $0x0  }
0x62: {  	[sflag:s18] =	ssyncadd.s32 $0xFFFFC000  }
0x63: {  	[spmem:s1] =	stream.indirect.scatter.add.f32 [tilespmem:s17], [sflag:$0x2], $0x80, s16, s16, $0xb8;
	[tilespmem:$0x1C100] =	vst v63  }
0x64: {  	_ =	swait.ge [sflag:s15], $0x4000  }
0x65: {  	s21 =	sadd.s32 $0x1, s21;
	[sflag:s15] =	ssyncset.done $0x0  }
0x66: {  	p0 =	sne.s32 s21, s7;
	[sflag:s15] =	ssyncadd.s32 $0xFFFFC000  }
.Ltmp2:
0x67: {  	[bflag:$0x0] =	sbarrier.arrive $0xFFFF;
	(pc) =	sbr.rel @p0 .LBB2_1-.Ltmp2, $4  }
0x68: {  	[hbm:s6], [sflag:s19] =	dma.local [spmem:s20], $0x2800  }
0x69: {  	_ =	swait.ge [sflag:s15], $0x2800  }
0x6a: {  	[sflag:s15] =	ssyncset.done $0x0  }
0x6b: {  	[sflag:s15] =	ssyncadd.s32 $0xFFFFD800  }
0x6c: {  	_ =	sfence.sel $0x180000  }
0x6d: {  	[bflag:$0x0] =	sbarrier.arrive $0xFFFF  }
0x6e: {  	p0 =	sne.s32 s2, $0x0;
	_ =	strace $0x90000050  }
0x6f: {  	s0 =	sadd.s32 @!p0 $0x100000, s0;
	[bflag:$0x2] =	sbarrier.arrive $0xFFFF  }
0x70: {  	[sflag:s0] =	ssyncadd.tile.s32 @!p0 $0x1;
	_ =	shalt  }
.Lfunc_end2:
_tile_overlayer_lowered:
.L_overlay_start_2:
0x71: {  	(tag) =	ssettag $0x2  }
0x72: {  	s0 =	rddreg [dreg:$0x0];
	s2 =	stileid.u32  }
0x73: {  	s1 =	rddreg [dreg:$0x1];
	p0 =	sne.s32 s2, $0x0  }
0x74: {  	s3 =	rddreg [dreg:$0x2];
	[bflag:$0x3] =	sbarrier.arrive $0xFFFF;
	s2 =	simm.s32 @!p0 $0x1C02  }
0x75: {  	[timem:s3], [sflag:s2] =	dma.local @!p0 [hbm:s0], s1  }
0x76: {  	s0 =	simm.s32 @!p0 $0x2  }
0x77: {  	_ =	swait.ge @!p0 [sflag:s0], s1  }
0x78: {  	s1 =	ssub.s32 @!p0 $0x0, s1;
	[sflag:s0] =	ssyncset.done @!p0 $0x0  }
0x79: {  	[sflag:s0] =	ssyncadd.s32 @!p0 s1  }
0x7a: {  	[bflag:$0x3] =	sbarrier.arrive $0xFFFF  }
0x7b: {  	_ =	shalt  }

// kernel: kernel.24.cloned.1.call-start
scs
__scs_entry_jumppad:
0x0: {  	(pc) =	sbr.rel $0x88, $3  }
0x1: {  	(tag) =	ssettag $0x0;
	lr =	simm.s32 $0x1  }
0x2: {  	[smem:$0x3F9B] =	sst lr;
	_ =	strace $0xD0000000  }
0x3: {  	_ = 	snop  }
0x4: {  	_ = 	snop  }
0x5: {  	_ = 	snop  }
0x6: {  	_ = 	snop  }
0x7: {  	_ = 	snop  }
__scs_overlays_trampoline_lowered:
0x8: {  	[smem:$0x3FAA] =	sst s0  }
0x9: {  	[smem:$0x3FAB] =	sst s1  }
0xa: {  	[smem:$0x3FAC] =	sst s2  }
0xb: {  	[smem:$0x3FAD] =	sst s3  }
0xc: {  	[smem:$0x3FAE] =	sst s4  }
0xd: {  	[smem:$0x3FAF] =	sst s5  }
0xe: {  	[smem:$0x3FB0] =	sst s6  }
0xf: {  	[smem:$0x3FB1] =	sst s7  }
0x10: {  	[smem:$0x3FB2] =	sst s8  }
0x11: {  	[smem:$0x3FB3] =	sst s9;
	s0 =	simm.s32 @!p0 $0x0  }
0x12: {  	s1 =	sld [smem:$0x3F99];
	s0 =	simm.s32 @p0 $0x1  }
0x13: {  	[smem:$0x3FB4] =	sst s0;
	s0 =	simm.s32 @!p1 $0x0  }
0x14: {  	s2 =	sld [smem:$0x3F98];
	s0 =	simm.s32 @p1 $0x1  }
0x15: {  	[smem:$0x3FB5] =	sst s0;
	s0 =	simm.s32 @!p2 $0x0  }
0x16: {  	s3 =	sld [smem:$0x3FDB];
	s0 =	simm.s32 @p2 $0x1  }
0x17: {  	s4 =	simm.s32 $0x1BF5;
	[smem:$0x3FB7] =	sst s0  }
0x18: {  	s0 =	sld [smem:$0x3F9A];
	_ =	swait.ge [sflag:s4], $0x0  }
0x19: {  	s7 =	sld [smem:$0x3F9B]  }
0x1a: {  	s8 =	sadd.s32 $0xFFFFE003, lr  }
0x1b: {  	s9 =	sadd.s32 $0xFFFFFEF7, lr;
	s5 =	simm.s32 $0xFFFFFFFF;
	p2 =	slt.u32 s8, $0xFFFFF086  }
0x1c: {  	p1 =	slt.u32 s9, $0xF7A;
	s5 =	simm.s32 @!p2 $0x0  }
0x1d: {  	s5 =	simm.s32 @p1 $0x1;
	p0 =	seq.s32 s7, s2  }
0x1e: {  	s7 =	smul.u32 @!p0 $0xF7A, s2;
	p2 =	seq.s32 @!p0 s5, $0x0  }
0x1f: {  	s9 =	smul.u32 $0xF7A, s1;
	s8 =	simm.s32 @!p0 $0x1BF5;
	p2 =	por !p2, p0  }
0x20: {  	[sflag:s8] =	ssyncset.s32 @!p0 $0xFFFFF086;
	s6 =	sadd.s32 @!p0 s3, s7;
	s7 =	simm.s32 @!p0 $0x108  }
0x21: {  	s3 =	sadd.s32 s3, s9;
	s6 =	sadd.s32 @!p0 $0x88, s6;
	s7 =	simm.s32 @p2 $0x1082  }
0x22: {  	[simem:s7], [sflag:s8] =	dma.local @!p0 [hbm:s6], $0xF7A  }
0x23: {  	s9 =	sor.u32 $0xD0000000, s2;
	s6 =	simm.s32 $0x108;
	_ =	swait.ge @!p0 [sflag:s8], $0x0  }
0x24: {  	s3 =	sadd.s32 $0x88, s3;
	s6 =	simm.s32 @!p1 $0x1082;
	[sflag:s4] =	ssyncset.s32 $0xFFFFF086  }
0x25: {  	[simem:s6], [sflag:s4] =	dma.local [hbm:s3], $0xF7A  }
0x26: {  	[smem:$0x3F9B] =	sst s1;
	(tag) =	ssettag s2;
	_ =	strace s9  }
0x27: {  	s1 =	sld [smem:$0x3FAB]  }
0x28: {  	s2 =	sld [smem:$0x3FAC]  }
0x29: {  	s4 =	sld [smem:$0x3FAE]  }
0x2a: {  	p0 =	seq.s32 s5, $0x0;
	s5 =	sld [smem:$0x3FAF]  }
0x2b: {  	s6 =	sld [smem:$0x3FB0]  }
0x2c: {  	s7 =	sld [smem:$0x3FB1]  }
0x2d: {  	s3 =	simm.s32 $0x108;
	s8 =	sld [smem:$0x3FB2]  }
0x2e: {  	s3 =	simm.s32 @!p0 $0x1082;
	s9 =	sld [smem:$0x3FB3]  }
0x2f: {  	lr =	sadd.s32 s0, s3;
	s0 =	sld [smem:$0x3FAA]  }
0x30: {  	s3 =	sld [smem:$0x3FAD]  }
0x31: {  	[smem:$0x3FB6] =	sst s10  }
0x32: {  	s10 =	sld [smem:$0x3FB4];
	_ =	sdelay $0x3  }
0x33: {  	p0 =	seq.s32 s10, $0x1;
	s10 =	sld [smem:$0x3FB6];
	_ =	sdelay $0x3  }
0x34: {  	[smem:$0x3FB6] =	sst s10  }
0x35: {  	s10 =	sld [smem:$0x3FB5];
	_ =	sdelay $0x3  }
0x36: {  	p1 =	seq.s32 s10, $0x1;
	s10 =	sld [smem:$0x3FB6];
	_ =	sdelay $0x3  }
0x37: {  	[smem:$0x3FB6] =	sst s10  }
0x38: {  	s10 =	sld [smem:$0x3FB7]  }
0x39: {  	_ = 	snop;
	(pc) =	sbr.ind lr, $3  }
0x3a: {  	_ = 	snop  }
0x3b: {  	_ = 	snop  }
0x3c: {  	p2 =	seq.s32 s10, $0x1;
	s10 =	sld [smem:$0x3FB6]  }
0x3d: {  	_ =	shalt  }
0x3e: {  	_ =	shalt  }
0x3f: {  	_ =	shalt  }
0x40: {  	_ =	shalt  }
0x41: {  	_ =	shalt  }
0x42: {  	_ =	shalt  }
0x43: {  	_ =	shalt  }
0x44: {  	_ =	shalt  }
0x45: {  	_ =	shalt  }
0x46: {  	_ =	shalt  }
0x47: {  	_ =	shalt  }
0x48: {  	_ =	shalt  }
0x49: {  	_ =	shalt  }
0x4a: {  	_ =	shalt  }
0x4b: {  	_ =	shalt  }
0x4c: {  	_ =	shalt  }
0x4d: {  	_ =	shalt  }
0x4e: {  	_ =	shalt  }
0x4f: {  	_ =	shalt  }
0x50: {  	_ =	shalt  }
0x51: {  	_ =	shalt  }
0x52: {  	_ =	shalt  }
0x53: {  	_ =	shalt  }
0x54: {  	_ =	shalt  }
0x55: {  	_ =	shalt  }
0x56: {  	_ =	shalt  }
0x57: {  	_ =	shalt  }
0x58: {  	_ =	shalt  }
0x59: {  	_ =	shalt  }
0x5a: {  	_ =	shalt  }
0x5b: {  	_ =	shalt  }
0x5c: {  	_ =	shalt  }
0x5d: {  	_ =	shalt  }
0x5e: {  	_ =	shalt  }
0x5f: {  	_ =	shalt  }
0x60: {  	_ =	shalt  }
0x61: {  	_ =	shalt  }
0x62: {  	_ =	shalt  }
0x63: {  	_ =	shalt  }
0x64: {  	_ =	shalt  }
0x65: {  	_ =	shalt  }
0x66: {  	_ =	shalt  }
0x67: {  	_ =	shalt  }
0x68: {  	_ =	shalt  }
0x69: {  	_ =	shalt  }
0x6a: {  	_ =	shalt  }
0x6b: {  	_ =	shalt  }
0x6c: {  	_ =	shalt  }
0x6d: {  	_ =	shalt  }
0x6e: {  	_ =	shalt  }
0x6f: {  	_ =	shalt  }
0x70: {  	_ =	shalt  }
0x71: {  	_ =	shalt  }
0x72: {  	_ =	shalt  }
0x73: {  	_ =	shalt  }
0x74: {  	_ =	shalt  }
0x75: {  	_ =	shalt  }
0x76: {  	_ =	shalt  }
0x77: {  	_ =	shalt  }
0x78: {  	_ =	shalt  }
0x79: {  	_ =	shalt  }
0x7a: {  	_ =	shalt  }
0x7b: {  	_ =	shalt  }
0x7c: {  	_ =	shalt  }
0x7d: {  	_ =	shalt  }
0x7e: {  	_ =	shalt  }
0x7f: {  	_ =	shalt  }
0x80: {  	_ =	shalt  }
0x81: {  	_ =	shalt  }
0x82: {  	_ =	shalt  }
0x83: {  	_ =	shalt  }
0x84: {  	_ =	shalt  }
0x85: {  	_ =	shalt  }
0x86: {  	_ =	shalt  }
0x87: {  	_ =	shalt  }
.Lfunc_end0:
.L_simem_size_0:
called_computation.4_lowered:
.L_overlay_start_0:
0x88: {  	s2 =	sld [smem:$0x3FD9]  }
0x89: {  	s3 =	sld [smem:$0x3FFE];
	_ =	sdelay $0x1  }
0x8a: {  	s1 =	srdreg.scid  }
0x8b: {  	s0 =	sand.u32 $0x1, s1  }
0x8c: {  	s16 =	sshll.u32 s0, $0xA;
	s2 =	sadd.s32 s3, s2  }
0x8d: {  	s2 =	sadd.s32 s2, s16  }
0x8e: {  	[smem:$0x3FC2] =	sst s2  }
0x8f: {  	_ = 	snop  }
0x90: {  	(tm) =	ssettm $0x1  }
0x91: {  	s17 =	sld [smem:$0x3FFB];
	_ =	sdelay $0x3  }
0x92: {  	_ =	strace s17  }
0x93: {  	s2 =	sld [smem:$0x3FFC];
	_ =	sdelay $0x3  }
0x94: {  	_ =	strace s2  }
0x95: {  	s2 =	sld [smem:$0x3FFD];
	_ =	sdelay $0x3  }
0x96: {  	_ =	strace s2  }
0x97: {  	_ =	strace $0x8FFFFFFF  }
0x98: {  	s18 =	sld [smem:$0x3FDB];
	_ =	sdelay $0x1  }
0x99: {  	s19 =	simm.s32 $_scs_section_size  }
0x9a: {  	s4 =	simm.s32 $_size__tile_overlayer_lowered;
	s5 =	simm.s32 $_tile_overlayer_lowered  }
0x9b: {  	s22 =	simm.s32 $0x1BFF;
	s21 =	sshll.u32 s5, $0x1;
	s2 =	sadd.s32 s19, s18  }
0x9c: {  	s6 =	simm.s32 $0x0;
	s20 =	sshll.u32 s4, $0x1;
	s4 =	sadd.s32 s21, s2  }
0x9d: {  	[timem:s6], [sflag:s22] =	dma.local [hbm:s4], s20  }
0x9e: {  	_ =	swait.ge [sflag:s22], s20  }
0x9f: {  	s3 =	ssub.s32 $0x0, s20;
	[sflag:s22] =	ssyncset.done $0x0  }
0xa0: {  	[sflag:s22] =	ssyncadd.s32 s3;
	_ =	sdelay $0x1  }
0xa1: {  	s23 =	simm.s32 $0x1B8B  }
0xa2: {  	_ =	swait.ge [sflag:s23], $0x1  }
0xa3: {  	[sflag:s23] =	ssyncset.done $0x0  }
0xa4: {  	s25 =	simm.s32 $0x1B8E;
	s24 =	sld [smem:$0x3FFE];
	[sflag:s23] =	ssyncadd.s32 $0xFFFFFFFF  }
0xa5: {  	s26 =	simm.s32 $execute0_lowered;
	[smem:$0x3FD2] =	sst s25  }
0xa6: {  	s4 =	sshll.u32 s26, $0x1;
	_ =	strace $0x80000052;
	[dreg:$0x1] =	wrdreg $0xFFFFFFFF  }
0xa7: {  	s28 =	simm.s32 $_size_execute0_lowered;
	s2 =	sadd.s32 s2, s4;
	[dreg:$0x0] =	wrdreg $0x0  }
0xa8: {  	s4 =	sshll.u32 s28, $0x1;
	[dreg:$0x2] =	wrdreg s2  }
0xa9: {  	[dreg:$0x3] =	wrdreg s4  }
0xaa: {  	[dreg:$0x4] =	wrdreg $0xC0  }
0xab: {  	_ =	task [dreg:s6], $0x5FFFF  }
0xac: {  	[dreg:$0x1] =	wrdreg $0xFFFFFFFF  }
0xad: {  	[dreg:$0x0] =	wrdreg $0x60  }
0xae: {  	[dreg:$0x2] =	wrdreg s24  }
0xaf: {  	[dreg:$0x3] =	wrdreg $0x81000  }
0xb0: {  	[dreg:$0x4] =	wrdreg $0x9  }
0xb1: {  	_ =	task.clear_ibuf [dreg:s6], $0x5FFFF;
	_ =	strace $0x90000052  }
0xb2: {  	s29 =	simm.s32 $0x9;
	_ =	strace $0x80000054  }
0xb3: {  	_ =	swait.ge [sflag:s29], $0x1  }
0xb4: {  	[sflag:s29] =	ssyncadd.s32 $0xFFFFFFFF  }
0xb5: {  	_ =	strace $0x90000054  }
0xb6: {  	_ =	sfence  }
0xb7: {  	s30 =	sld [smem:$0x0];
	_ =	sdelay $0x2  }
0xb8: {  	s31 =	sshll.u32 s1, $0xD;
	s1 =	sshrl.u32 s1, $0x2  }
0xb9: {  	s3 =	sand.u32 $0x4000, s31;
	s1 =	sadd.s32 s1, s30  }
0xba: {  	s0 =	sor.u32 s3, s0;
	s1 =	sshll.u32 s1, $0x11  }
0xbb: {  	s0 =	sor.u32 s1, s0  }
0xbc: {  	s0 =	sadd.s32 $0x8F2B, s0  }
0xbd: {  	[sflag:s0] =	ssyncadd.remote.s32 $0x1  }
0xbe: {  	_ =	sfence.sel $0xFFFF  }
0xbf: {  	[dreg:$0x0] =	wrdreg $0xFFFFFFFF;
	(pc) =	sbr.abs _section_cstart, $3  }
0xc0: {  	[dreg:$0x1] =	wrdreg $0xFFFFFFFF  }
0xc1: {  	_ =	task.clear_ibuf [dreg:s6], $0x2FFFF;
	_ =	strace $0x9FFFFFFF  }
0xc2: {  	(tm) =	ssettm $0x7FFFFFFF  }
0xc3: {  	_ =	shalt  }
tec
execute0_lowered:
.L_overlay_start_1:
0x0: {  	(tag) =	ssettag $0x1  }
0x1: {  	s5 =	rddreg [dreg:$0x0]  }
0x2: {  	s1 =	rddreg [dreg:$0x1];
	s2 =	srdreg.scid  }
0x3: {  	s0 =	rddreg [dreg:$0x2];
	s3 =	simm.s32 $0x0;
	s14 =	simm.s32 $0x4100  }
0x4: {  	s15 =	simm.s32 $0x2;
	s16 =	simm.s32 $0x80;
	s6 =	sand.u32 $0x1, s2  }
0x5: {  	s17 =	simm.s32 $0x100;
	s2 =	stileid.u32;
	s7 =	smul.u32 $0x140000, s6  }
0x6: {  	s18 =	simm.s32 $0x1;
	s21 =	simm.s32 $0x0;
	s8 =	smul.u32 $0x14000, s2  }
0x7: {  	[smem:$0x7FF] =	sst s3;
	s4 =	sadd.s32 $0x3A00, s5;
	s9 =	smul.u32 $0x9E0, s2  }
0x8: {  	_ =	strace $0x80000053;
	s29 =	smul.u32 $0x50000, s2;
	s30 =	ssub.s32 $0x2, s6  }
0x9: {  	s12 =	smul.u32 $0x4F0, s6;
	s19 =	sshll.u32 s2, $0x6;
	s31 =	sshrl.u32 s30, $0x1  }
0xa: {  	s19 =	sor.u32 $0x1C02, s19;
	s7 =	sadd.s32 s8, s7;
	s11 =	sadd.s32 s9, s5  }
0xb: {  	s8 =	sshrl.u32 s29, $0x2;
	s9 =	ssub.s32 s30, s31;
	s7 =	sshrl.u32 s7, $0x3  }
0xc: {  	s13 =	sadd.s32 s12, s11;
	s7 =	sadd.s32 s7, s5;
	s5 =	sadd.s32 s8, s1  }
0xd: {  	s12 =	sadd.s32 $0x67600, s13;
	s13 =	sadd.s32 $0x5D800, s13;
	s6 =	sadd.s32 $0x71400, s7  }
0xe: {  	s7 =	smax.u32 s9, $0x1;
	s8 =	sadd.s32 $0x4000, s5;
	s9 =	sadd.s32 $0x8000, s5  }
0xf: {  	v0 =	vimm.f32 $0.0e+00;
	s10 =	sadd.s32 $0xC000, s5;
	s11 =	sadd.s32 $0x10000, s5;
	s20 =	sshrl.u32 s5, $0x3  }
.LBB2_1:
0x10: {  	s22 =	simm.s32 $0x0;
	s23 =	simm.s32 $0x200  }
.LBB2_2:
0x11: {  	p0 =	sne.s32 s23, $0xFE00;
	[tilespmem:s22+$0x4170] =	vst v0  }
0x12: {  	[tilespmem:s22+$0x4100] =	vst v0  }
0x13: {  	[tilespmem:s22+$0x4110] =	vst v0  }
.Ltmp0:
0x14: {  	[tilespmem:s22+$0x4120] =	vst v0;
	(pc) =	sbr.rel @p0 .LBB2_2-.Ltmp0, $4  }
0x15: {  	[tilespmem:s22+$0x4130] =	vst v0  }
0x16: {  	[tilespmem:s22+$0x4140] =	vst v0  }
0x17: {  	[tilespmem:s22+$0x4150] =	vst v0  }
0x18: {  	[tilespmem:s22+$0x4160] =	vst v0;
	s22 =	sshra.s32 s23, $0x2;
	s23 =	sadd.s32 $0x200, s23  }
0x19: {  	[tilespmem:s22+$0x4170] =	vst v0  }
0x1a: {  	[tilespmem:s22+$0x4100] =	vst v0  }
0x1b: {  	[tilespmem:s22+$0x4110] =	vst v0  }
0x1c: {  	[tilespmem:s22+$0x4120] =	vst v0  }
0x1d: {  	[tilespmem:s22+$0x4130] =	vst v0  }
0x1e: {  	[tilespmem:s22+$0x4140] =	vst v0  }
0x1f: {  	[tilespmem:s22+$0x4150] =	vst v0  }
0x20: {  	[tilespmem:s22+$0x4160] =	vst v0  }
0x21: {  	[spmem:s5] =	stream.linear.scatter [tilespmem:s14], [sflag:$0x2], $0x4000, $0x38;
	[tilespmem:$0x1C100] =	vst v63  }
0x22: {  	_ =	swait.ge [sflag:s15], $0x4000  }
0x23: {  	[sflag:s15] =	ssyncset.done $0x0  }
0x24: {  	[sflag:s15] =	ssyncadd.s32 $0xFFFFC000  }
0x25: {  	[spmem:s8] =	stream.linear.scatter [tilespmem:s14], [sflag:$0x2], $0x4000, $0x38;
	[tilespmem:$0x1C100] =	vst v63  }
0x26: {  	_ =	swait.ge [sflag:s15], $0x4000  }
0x27: {  	[sflag:s15] =	ssyncset.done $0x0  }
0x28: {  	[sflag:s15] =	ssyncadd.s32 $0xFFFFC000  }
0x29: {  	[spmem:s9] =	stream.linear.scatter [tilespmem:s14], [sflag:$0x2], $0x4000, $0x38;
	[tilespmem:$0x1C100] =	vst v63  }
0x2a: {  	_ =	swait.ge [sflag:s15], $0x4000  }
0x2b: {  	[sflag:s15] =	ssyncset.done $0x0  }
0x2c: {  	[sflag:s15] =	ssyncadd.s32 $0xFFFFC000  }
0x2d: {  	[spmem:s10] =	stream.linear.scatter [tilespmem:s14], [sflag:$0x2], $0x4000, $0x38;
	[tilespmem:$0x1C100] =	vst v63  }
0x2e: {  	_ =	swait.ge [sflag:s15], $0x4000  }
0x2f: {  	[sflag:s15] =	ssyncset.done $0x0  }
0x30: {  	[sflag:s15] =	ssyncadd.s32 $0xFFFFC000  }
0x31: {  	[spmem:s11] =	stream.linear.scatter [tilespmem:s14], [sflag:$0x2], $0x4000, $0x38;
	[tilespmem:$0x1C100] =	vst v63  }
0x32: {  	_ =	swait.ge [sflag:s15], $0x4000  }
0x33: {  	[sflag:s15] =	ssyncset.done $0x0  }
0x34: {  	[sflag:s15] =	ssyncadd.s32 $0xFFFFC000  }
0x35: {  	s30 =	sadd.s32 $0x0, s13;
	[bflag:$0x0] =	sbarrier.arrive $0xFFFF  }
0x36: {  	[tilespmem:s3], [sflag:$0x2] =	stream.linear.gather [hbm4b:s30+s3], $0x80, $0x38;
	[tilespmem:$0x1C100] =	vst v63  }
0x37: {  	_ =	swait.ge [sflag:s15], $0x80  }
0x38: {  	[sflag:s15] =	ssyncset.done $0x0  }
0x39: {  	s31 =	sadd.s32 $0x0, s12;
	[sflag:s15] =	ssyncadd.s32 $0xFFFFFF80  }
0x3a: {  	[tilespmem:s16], [sflag:$0x2] =	stream.linear.gather [hbm4b:s31+s3], $0x80, $0x38;
	[tilespmem:$0x1C100] =	vst v63  }
0x3b: {  	_ =	swait.ge [sflag:s15], $0x80  }
0x3c: {  	[sflag:s15] =	ssyncset.done $0x0  }
0x3d: {  	[sflag:s15] =	ssyncadd.s32 $0xFFFFFF80  }
0x3e: {  	[tilespmem:s17], [sflag:$0x1] =	stream.indirect.gather [hbm4b:s4+s16], $0x80, s3, s16, $0xb8;
	[tilespmem:$0x1C100] =	vst v63  }
0x3f: {  	_ =	swait.ge [sflag:s18], $0x4000  }
0x40: {  	[sflag:s18] =	ssyncset.done $0x0  }
0x41: {  	[sflag:s18] =	ssyncadd.s32 $0xFFFFC000  }
0x42: {  	[spmem:s1] =	stream.indirect.scatter.add.f32 [tilespmem:s17], [sflag:$0x2], $0x80, s16, s16, $0xb8;
	[tilespmem:$0x1C100] =	vst v63  }
0x43: {  	_ =	swait.ge [sflag:s15], $0x4000  }
0x44: {  	s22 =	simm.s32 $0x10;
	s23 =	simm.s32 $0x20;
	[sflag:s15] =	ssyncset.done $0x0  }
.LBB2_4:
0x45: {  	s24 =	sadd.s32 s22, s13  }
0x46: {  	[sflag:s15] =	ssyncadd.s32 $0xFFFFC000;
	s25 =	smov.u32 s23;
	s26 =	sadd.s32 $0x10, s23  }
0x47: {  	[tilespmem:s3], [sflag:$0x2] =	stream.linear.gather [hbm4b:s24+s3], $0x80, $0x38;
	[tilespmem:$0x1C100] =	vst v63  }
0x48: {  	p0 =	sne.s32 s23, $0x4E0;
	_ =	swait.ge [sflag:s15], $0x80  }
0x49: {  	[sflag:s15] =	ssyncset.done $0x0  }
0x4a: {  	s23 =	sadd.s32 s22, s12;
	s22 =	smov.u32 s25;
	[sflag:s15] =	ssyncadd.s32 $0xFFFFFF80  }
0x4b: {  	[tilespmem:s16], [sflag:$0x2] =	stream.linear.gather [hbm4b:s23+s3], $0x80, $0x38;
	[tilespmem:$0x1C100] =	vst v63  }
0x4c: {  	_ =	swait.ge [sflag:s15], $0x80  }
0x4d: {  	[sflag:s15] =	ssyncset.done $0x0  }
0x4e: {  	[sflag:s15] =	ssyncadd.s32 $0xFFFFFF80  }
0x4f: {  	[tilespmem:s17], [sflag:$0x1] =	stream.indirect.gather [hbm4b:s4+s16], $0x80, s3, s16, $0xb8;
	[tilespmem:$0x1C100] =	vst v63  }
0x50: {  	_ =	swait.ge [sflag:s18], $0x4000  }
.Ltmp1:
0x51: {  	[sflag:s18] =	ssyncset.done $0x0;
	(pc) =	sbr.rel @p0 .LBB2_4-.Ltmp1, $4  }
0x52: {  	[sflag:s18] =	ssyncadd.s32 $0xFFFFC000  }
0x53: {  	[spmem:s1] =	stream.indirect.scatter.add.f32 [tilespmem:s17], [sflag:$0x2], $0x80, s16, s16, $0xb8;
	[tilespmem:$0x1C100] =	vst v63  }
0x54: {  	_ =	swait.ge [sflag:s15], $0x4000  }
0x55: {  	s23 =	smov.u32 s26;
	[sflag:s15] =	ssyncset.done $0x0  }
0x56: {  	s23 =	sadd.s32 s22, s13;
	[sflag:s15] =	ssyncadd.s32 $0xFFFFC000  }
0x57: {  	[tilespmem:s3], [sflag:$0x2] =	stream.linear.gather [hbm4b:s23+s3], $0x80, $0x38;
	[tilespmem:$0x1C100] =	vst v63  }
0x58: {  	_ =	swait.ge [sflag:s15], $0x80  }
0x59: {  	[sflag:s15] =	ssyncset.done $0x0  }
0x5a: {  	s31 =	sadd.s32 s22, s12;
	[sflag:s15] =	ssyncadd.s32 $0xFFFFFF80  }
0x5b: {  	[tilespmem:s16], [sflag:$0x2] =	stream.linear.gather [hbm4b:s31+s3], $0x80, $0x38;
	[tilespmem:$0x1C100] =	vst v63  }
0x5c: {  	_ =	swait.ge [sflag:s15], $0x80  }
0x5d: {  	[sflag:s15] =	ssyncset.done $0x0  }
0x5e: {  	[sflag:s15] =	ssyncadd.s32 $0xFFFFFF80  }
0x5f: {  	[tilespmem:s17], [sflag:$0x1] =	stream.indirect.gather [hbm4b:s4+s16], $0x80, s3, s16, $0xb8;
	[tilespmem:$0x1C100] =	vst v63  }
0x60: {  	_ =	swait.ge [sflag:s18], $0x4000  }
0x61: {  	[sflag:s18] =	ssyncset.done $0x0  }
0x62: {  	[sflag:s18] =	ssyncadd.s32 $0xFFFFC000  }
0x63: {  	[spmem:s1] =	stream.indirect.scatter.add.f32 [tilespmem:s17], [sflag:$0x2], $0x80, s16, s16, $0xb8;
	[tilespmem:$0x1C100] =	vst v63  }
0x64: {  	_ =	swait.ge [sflag:s15], $0x4000  }
0x65: {  	s21 =	sadd.s32 $0x1, s21;
	[sflag:s15] =	ssyncset.done $0x0  }
0x66: {  	p0 =	sne.s32 s21, s7;
	[sflag:s15] =	ssyncadd.s32 $0xFFFFC000  }
.Ltmp2:
0x67: {  	[bflag:$0x0] =	sbarrier.arrive $0xFFFF;
	(pc) =	sbr.rel @p0 .LBB2_1-.Ltmp2, $4  }
0x68: {  	[hbm:s6], [sflag:s19] =	dma.local [spmem:s20], $0x2800  }
0x69: {  	_ =	swait.ge [sflag:s15], $0x2800  }
0x6a: {  	[sflag:s15] =	ssyncset.done $0x0  }
0x6b: {  	[sflag:s15] =	ssyncadd.s32 $0xFFFFD800  }
0x6c: {  	_ =	sfence.sel $0x180000  }
0x6d: {  	[bflag:$0x0] =	sbarrier.arrive $0xFFFF  }
0x6e: {  	p0 =	sne.s32 s2, $0x0;
	_ =	strace $0x90000053  }
0x6f: {  	s0 =	sadd.s32 @!p0 $0x100000, s0;
	[bflag:$0x2] =	sbarrier.arrive $0xFFFF  }
0x70: {  	[sflag:s0] =	ssyncadd.tile.s32 @!p0 $0x1;
	_ =	shalt  }
.Lfunc_end2:
_tile_overlayer_lowered:
.L_overlay_start_2:
0x71: {  	(tag) =	ssettag $0x2  }
0x72: {  	s0 =	rddreg [dreg:$0x0];
	s2 =	stileid.u32  }
0x73: {  	s1 =	rddreg [dreg:$0x1];
	p0 =	sne.s32 s2, $0x0  }
0x74: {  	s3 =	rddreg [dreg:$0x2];
	[bflag:$0x3] =	sbarrier.arrive $0xFFFF;
	s2 =	simm.s32 @!p0 $0x1C02  }
0x75: {  	[timem:s3], [sflag:s2] =	dma.local @!p0 [hbm:s0], s1  }
0x76: {  	s0 =	simm.s32 @!p0 $0x2  }
0x77: {  	_ =	swait.ge @!p0 [sflag:s0], s1  }
0x78: {  	s1 =	ssub.s32 @!p0 $0x0, s1;
	[sflag:s0] =	ssyncset.done @!p0 $0x0  }
0x79: {  	[sflag:s0] =	ssyncadd.s32 @!p0 s1  }
0x7a: {  	[bflag:$0x3] =	sbarrier.arrive $0xFFFF  }
0x7b: {  	_ =	shalt  }

</sc_bundles>
